<compile_context>
chip_gen: v7x
topology: tpu7x:2x2x1
jax: 0.10.2.dev20260603
libtpu: 0.0.44.dev20260713+nightly
codegen_flags: <defaults>
</compile_context>

<pallas_src>
import functools

import jax
import jax.numpy as jnp
from jax import lax
from jax.experimental import pallas as pl
from jax.experimental.pallas import tpu as pltpu
from jax.experimental.pallas import tpu_sc as plsc

_NC = 2
_NS = 16
_CHUNK = 128
_G = 64


def _sc_mesh():
    return plsc.VectorSubcoreMesh(core_axis_name="c", subcore_axis_name="s")


def _make_sc_pass(n, e, d, gather):
    erows = e // _CHUNK
    per_sc = erows // _NC
    q = per_sc // _NS
    r = per_sc % _NS
    nb = next(b for b in (6, 5, 4, 3, 2, 1) if q % b == 0)
    ng = q // nb
    rpt = n // _NS

    scratch = []
    if gather:
        scratch += [pltpu.VMEM((q, _CHUNK), jnp.int32),
                    pltpu.VMEM((1, _CHUNK), jnp.int32)]
    scratch += [
        pltpu.VMEM((q, _CHUNK), jnp.int32),
        pltpu.VMEM((1, _CHUNK), jnp.int32),
    ]
    if gather:
        scratch += [pltpu.VMEM((nb, _CHUNK, d), jnp.float32),
                    pltpu.VMEM_SHARED((n, d), jnp.float32)]
    else:
        scratch += [pltpu.VMEM((_CHUNK,), jnp.float32),
                    pltpu.VMEM_SHARED((n,), jnp.float32)]
    scratch += [pltpu.SemaphoreType.DMA]
    scratch += [pltpu.SemaphoreType.DMA] * (2 * nb if gather else nb)

    out_type = jax.ShapeDtypeStruct(
        (_NC * n, d) if gather else (_NC * n,), jnp.float32)
    params = pltpu.CompilerParams(use_tc_tiling_on_sc=False)

    if gather:
        @functools.partial(pl.kernel, out_type=out_type, mesh=_sc_mesh(),
                           scratch_types=scratch, compiler_params=params)
        def sc_pass(edgeR, vals, zeros, out_hbm,
                    srcb, srcx, dstb, dstx, rows, agg, isem, *sems):
            nv = vals.shape[0]
            ft = nv // rpt
            st = nv - ft * rpt
            gsem, ssem = sems[:nb], sems[nb:]
            cid = lax.axis_index("c")
            sid = lax.axis_index("s")
            row0 = sid * rpt
            er0 = cid * per_sc + sid * q
            xrow = cid * per_sc + _NS * q + sid
            pltpu.async_copy(edgeR.at[pl.ds(er0, q), :], srcb, isem)
            pltpu.async_copy(edgeR.at[pl.ds(erows + er0, q), :], dstb, isem)

            @pl.when(sid < r)
            def _():
                pltpu.async_copy(edgeR.at[pl.ds(xrow, 1), :], srcx, isem)
                pltpu.async_copy(edgeR.at[pl.ds(erows + xrow, 1), :], dstx,
                                 isem)

            @pl.when(jnp.logical_and(cid == 0, sid < ft))
            def _():
                pltpu.sync_copy(vals.at[pl.ds(row0, rpt), :],
                                agg.at[pl.ds(row0, rpt), :])

            if st:
                @pl.when(jnp.logical_and(cid == 0, sid == ft))
                def _():
                    pltpu.sync_copy(vals.at[pl.ds(ft * rpt, st), :],
                                    agg.at[pl.ds(row0, st), :])
                    pltpu.sync_copy(zeros.at[pl.ds(0, rpt - st), :],
                                    agg.at[pl.ds(row0 + st, rpt - st), :])

            @pl.when(jnp.logical_and(cid == 0, sid > ft))
            def _():
                pltpu.sync_copy(zeros, agg.at[pl.ds(row0, rpt), :])

            @pl.when(cid != 0)
            def _():
                pltpu.sync_copy(zeros, agg.at[pl.ds(row0, rpt), :])
            pltpu.make_async_copy(edgeR.at[pl.ds(er0, q), :], srcb,
                                  isem).wait()
            pltpu.make_async_copy(edgeR.at[pl.ds(erows + er0, q), :], dstb,
                                  isem).wait()

            @pl.when(sid < r)
            def _():
                pltpu.make_async_copy(edgeR.at[pl.ds(xrow, 1), :], srcx,
                                      isem).wait()
                pltpu.make_async_copy(edgeR.at[pl.ds(erows + xrow, 1), :],
                                      dstx, isem).wait()

            for u in range(nb):
                pltpu.async_copy(vals.at[srcb.at[u]], rows.at[u], gsem[u])
            plsc.subcore_barrier()

            def group(jj, carry):
                for u in range(nb):
                    pltpu.make_async_copy(vals.at[srcb.at[jj * nb + u]],
                                          rows.at[u], gsem[u]).wait()
                    pltpu.async_copy(rows.at[u], agg.at[dstb.at[jj * nb + u]],
                                     ssem[u], add=True)

                @pl.when(jj < ng - 1)
                def _():
                    for u in range(nb):
                        pltpu.make_async_copy(
                            rows.at[u], agg.at[dstb.at[jj * nb + u]],
                            ssem[u]).wait()
                        pltpu.async_copy(vals.at[srcb.at[(jj + 1) * nb + u]],
                                         rows.at[u], gsem[u])
                return carry

            lax.fori_loop(0, ng, group, 0)
            for u in range(nb):
                pltpu.make_async_copy(rows.at[u],
                                      agg.at[dstb.at[(ng - 1) * nb + u]],
                                      ssem[u]).wait()

            @pl.when(sid < r)
            def _():
                pltpu.async_copy(vals.at[srcx.at[0]], rows.at[0],
                                 gsem[0]).wait()
                pltpu.sync_copy(rows.at[0], agg.at[dstx.at[0]], add=True)

            plsc.subcore_barrier()
            pltpu.sync_copy(agg.at[pl.ds(row0, rpt), :],
                            out_hbm.at[pl.ds(cid * n + row0, rpt), :])
    else:
        @functools.partial(pl.kernel, out_type=out_type, mesh=_sc_mesh(),
                           scratch_types=scratch, compiler_params=params)
        def sc_pass(edgeR, ones_hbm, zeros_hbm, out_hbm,
                    dstb, dstx, ones_v, agg, isem, *ssem):
            cid = lax.axis_index("c")
            sid = lax.axis_index("s")
            row0 = sid * rpt
            er0 = erows + cid * per_sc + sid * q
            xrow = erows + cid * per_sc + _NS * q + sid
            pltpu.async_copy(edgeR.at[pl.ds(er0, q), :], dstb, isem)

            @pl.when(sid < r)
            def _():
                pltpu.async_copy(edgeR.at[pl.ds(xrow, 1), :], dstx, isem)

            pltpu.sync_copy(ones_hbm, ones_v)
            pltpu.sync_copy(zeros_hbm, agg.at[pl.ds(row0, rpt)])
            pltpu.make_async_copy(edgeR.at[pl.ds(er0, q), :], dstb,
                                  isem).wait()

            @pl.when(sid < r)
            def _():
                pltpu.make_async_copy(edgeR.at[pl.ds(xrow, 1), :], dstx,
                                      isem).wait()

            plsc.subcore_barrier()

            def group(jj, carry):
                @pl.when(jj > 0)
                def _():
                    for u in range(nb):
                        pltpu.make_async_copy(
                            ones_v, agg.at[dstb.at[(jj - 1) * nb + u]],
                            ssem[u]).wait()
                for u in range(nb):
                    pltpu.async_copy(ones_v, agg.at[dstb.at[jj * nb + u]],
                                     ssem[u], add=True)
                return carry

            lax.fori_loop(0, ng, group, 0)
            for u in range(nb):
                pltpu.make_async_copy(ones_v,
                                      agg.at[dstb.at[(ng - 1) * nb + u]],
                                      ssem[u]).wait()

            @pl.when(sid < r)
            def _():
                pltpu.sync_copy(ones_v, agg.at[dstx.at[0]], add=True)

            plsc.subcore_barrier()
            pltpu.sync_copy(agg.at[pl.ds(row0, rpt)],
                            out_hbm.at[pl.ds(cid * n + row0, rpt)])

    return sc_pass


def _make_sc_pool(n, e):
    erows = e // _CHUNK
    per_sc = erows // _NC
    q = per_sc // _NS
    r = per_sc % _NS
    npw = -(-n // (_NC * _NS * 16)) * 16
    nchunks = npw // 16

    scratch = [
        pltpu.VMEM((q, _CHUNK), jnp.int32),
        pltpu.VMEM((q, _CHUNK), jnp.int32),
        pltpu.VMEM((1, _CHUNK), jnp.int32),
        pltpu.VMEM((1, _CHUNK), jnp.int32),
        pltpu.VMEM((n,), jnp.float32),
        pltpu.VMEM((n,), jnp.float32),
        pltpu.VMEM((n,), jnp.int32),
        pltpu.VMEM((16, _G), jnp.float32),
        pltpu.VMEM((16, _G), jnp.float32),
        pltpu.VMEM((16,), jnp.int32),
        pltpu.VMEM((16,), jnp.int32),
        pltpu.VMEM_SHARED((32, _G), jnp.float32),
        pltpu.SemaphoreType.DMA,
    ]

    @functools.partial(
        pl.kernel,
        out_type=jax.ShapeDtypeStruct((_NC * 32, _G), jnp.float32),
        mesh=_sc_mesh(),
        scratch_types=scratch,
        compiler_params=pltpu.CompilerParams(use_tc_tiling_on_sc=False,
                                             needs_layout_passes=False),
    )
    def sc_pool(edgeR, qu_hbm, dis_hbm, batch_hbm, zeros_hbm, out_hbm,
                srcb, dstb, srcx, dstx, qu_v, dis_v, bat_v, bk, ck,
                rid, rid2, shared, isem):
        cid = lax.axis_index("c")
        sid = lax.axis_index("s")
        er0 = cid * per_sc + sid * q
        xrow = cid * per_sc + _NS * q + sid
        pltpu.async_copy(edgeR.at[pl.ds(er0, q), :], srcb, isem)
        pltpu.async_copy(edgeR.at[pl.ds(erows + er0, q), :], dstb, isem)
        pltpu.async_copy(qu_hbm, qu_v, isem)
        pltpu.async_copy(dis_hbm, dis_v, isem)
        pltpu.async_copy(batch_hbm, bat_v, isem)

        @pl.when(sid < r)
        def _():
            pltpu.async_copy(edgeR.at[pl.ds(xrow, 1), :], srcx, isem)
            pltpu.async_copy(edgeR.at[pl.ds(erows + xrow, 1), :], dstx, isem)

        pltpu.sync_copy(zeros_hbm, bk)
        pltpu.sync_copy(zeros_hbm, ck)

        @pl.when(sid == 0)
        def _():
            pltpu.sync_copy(zeros_hbm, shared.at[pl.ds(0, 16), :])
            pltpu.sync_copy(zeros_hbm, shared.at[pl.ds(16, 16), :])

        lane16 = jax.lax.broadcasted_iota(jnp.int32, (16,), 0)
        rid[...] = lane16
        rid2[...] = lane16 + 16
        pltpu.make_async_copy(edgeR.at[pl.ds(er0, q), :], srcb, isem).wait()
        pltpu.make_async_copy(edgeR.at[pl.ds(erows + er0, q), :], dstb,
                              isem).wait()
        pltpu.make_async_copy(qu_hbm, qu_v, isem).wait()
        pltpu.make_async_copy(dis_hbm, dis_v, isem).wait()
        pltpu.make_async_copy(batch_hbm, bat_v, isem).wait()

        @pl.when(sid < r)
        def _():
            pltpu.make_async_copy(edgeR.at[pl.ds(xrow, 1), :], srcx,
                                  isem).wait()
            pltpu.make_async_copy(edgeR.at[pl.ds(erows + xrow, 1), :], dstx,
                                  isem).wait()

        plsc.subcore_barrier()

        lane = jax.lax.broadcasted_iota(jnp.int32, (16,), 0)

        def edge_row(ref, er):
            for k in range(_CHUNK // 16):
                s16 = ref[0][er, pl.ds(16 * k, 16)]
                d16 = ref[1][er, pl.ds(16 * k, 16)]
                sv = plsc.load_gather(qu_v, [s16])
                dv = plsc.load_gather(dis_v, [d16])
                bv = plsc.load_gather(bat_v, [d16])
                plsc.addupdate_scatter(bk, [lane, bv], sv * dv)

        def erow_loop(er, carry):
            edge_row((srcb, dstb), er)
            return carry

        lax.fori_loop(0, q, erow_loop, 0)

        @pl.when(sid < r)
        def _():
            edge_row((srcx, dstx), 0)

        node0 = (cid * _NS + sid) * npw
        ones16 = jnp.ones((16,), jnp.float32)

        def node_chunk(j, carry):
            idx = node0 + j * 16 + lane
            m = idx < n
            idxc = jnp.minimum(idx, n - 1)
            sv = plsc.load_gather(qu_v, [idxc])
            dv = plsc.load_gather(dis_v, [idxc])
            bv = plsc.load_gather(bat_v, [idxc])
            plsc.addupdate_scatter(bk, [lane, bv], sv * dv, mask=m)
            plsc.addupdate_scatter(ck, [lane, bv], ones16, mask=m)
            return carry

        lax.fori_loop(0, nchunks, node_chunk, 0)

        pltpu.sync_copy(bk, shared.at[rid], add=True)
        pltpu.sync_copy(ck, shared.at[rid2], add=True)
        plsc.subcore_barrier()

        @pl.when(sid == 0)
        def _():
            pltpu.sync_copy(shared, out_hbm.at[pl.ds(cid * 32, 32), :])

    return sc_pool



def _tc_a_body(x_ref, w1_ref, d0_ref, d1_ref, o_ref):
    n = x_ref.shape[0]
    h = jnp.dot(x_ref[...], w1_ref[...], preferred_element_type=jnp.float32)
    deg = jnp.transpose(d0_ref[...] + d1_ref[...] + 1.0)[:n]
    o_ref[...] = h * lax.rsqrt(deg)


def _tc_b_body(a0_ref, a1_ref, d0_ref, d1_ref, b1_ref, w2_ref,
               linw_ref, b2_ref, linb_ref, qu_ref, dis_ref, c_ref):
    n = qu_ref.shape[1]
    deg = jnp.transpose(d0_ref[...] + d1_ref[...] + 1.0)[:n]
    dis = lax.rsqrt(deg)
    out1 = jax.nn.relu(dis * (a0_ref[0, :n] + a1_ref[0, :n]) + b1_ref[...])
    w = jnp.dot(w2_ref[...], linw_ref[...], preferred_element_type=jnp.float32)
    q = jnp.dot(out1, w, preferred_element_type=jnp.float32)
    qu_ref[...] = jnp.transpose(dis * q)
    dis_ref[...] = jnp.transpose(dis)
    c_ref[...] = jnp.dot(b2_ref[...], linw_ref[...],
                         preferred_element_type=jnp.float32) + linb_ref[...]


def kernel(x, edge_index, edge_attr, batch, W1, b1, W2, b2, lin_W, lin_b):
    n = x.shape[0]
    e = edge_index.shape[1]
    din = x.shape[1]
    h = W1.shape[1]
    erows = e // _CHUNK
    edgeR = edge_index.reshape(2 * erows, _CHUNK)
    rpt = -(-n // (8 * _NS)) * 8
    npad = rpt * _NS

    ones1 = jnp.ones((_CHUNK,), jnp.float32)
    zeros1 = jnp.zeros((rpt,), jnp.float32)
    zerosh = jnp.zeros((rpt, h), jnp.float32)

    degp = _make_sc_pass(npad, e, 1, gather=False)(edgeR, ones1, zeros1)
    d0r = degp[:npad].reshape(1, npad)
    d1r = degp[npad:].reshape(1, npad)

    u1 = pl.pallas_call(
        _tc_a_body,
        out_shape=jax.ShapeDtypeStruct((n, h), jnp.float32),
    )(x, W1, d0r, d1r)

    aggp = _make_sc_pass(npad, e, h, gather=True)(edgeR, u1, zerosh)
    aggp3 = aggp.reshape(_NC, npad, h)

    qu, dis, const = pl.pallas_call(
        _tc_b_body,
        grid=(1,),
        in_specs=[
            pl.BlockSpec((1, npad, h), lambda i: (0, 0, 0)),
            pl.BlockSpec((1, npad, h), lambda i: (1, 0, 0)),
            pl.BlockSpec((1, npad), lambda i: (0, 0)),
            pl.BlockSpec((1, npad), lambda i: (0, 0)),
            pl.BlockSpec((1, h), lambda i: (0, 0)),
            pl.BlockSpec((h, h), lambda i: (0, 0)),
            pl.BlockSpec((h, 1), lambda i: (0, 0)),
            pl.BlockSpec((1, h), lambda i: (0, 0)),
            pl.BlockSpec((1, 1), lambda i: (0, 0)),
        ],
        out_specs=[
            pl.BlockSpec((1, n), lambda i: (0, 0)),
            pl.BlockSpec((1, n), lambda i: (0, 0)),
            pl.BlockSpec((1, 1), lambda i: (0, 0)),
        ],
        out_shape=[
            jax.ShapeDtypeStruct((1, n), jnp.float32),
            jax.ShapeDtypeStruct((1, n), jnp.float32),
            jax.ShapeDtypeStruct((1, 1), jnp.float32),
        ],
    )(aggp3, aggp3, d0r, d1r, b1.reshape(1, h),
      W2, lin_W, b2.reshape(1, h), lin_b.reshape(1, 1))

    zeros16g = jnp.zeros((16, _G), jnp.float32)
    buckets = _make_sc_pool(n, e)(edgeR, qu.reshape(n), dis.reshape(n),
                                  batch, zeros16g)
    bsc = buckets.reshape(_NC, 2, 16, _G)
    sums = jnp.sum(bsc[:, 0], axis=(0, 1))
    cnt = jnp.sum(bsc[:, 1], axis=(0, 1))
    return jnp.where(cnt > 0, sums / jnp.maximum(cnt, 1.0) + const[0, 0],
                     lin_b[0])

# --- scband reference (transcript-rebuilt; emitter-appended) ---
"""Pipeline reference for scband-gnn-9088150798684 (READ-ONLY COPY).

The authoritative reference and input builder live on the scoring server;
editing this copy changes nothing except your own understanding.
"""

import jax, jax.numpy as jnp
import numpy as np

N = 10000
E = 320000
D_IN = 128
H = 64
D_EDGE = 16
G = 64


def setup_inputs(seed: int = 0) -> dict:
    key = jax.random.key(seed)
    ks = jax.random.split(key, 10)
    x = jax.random.normal(ks[0], (N, D_IN), dtype=jnp.float32)
    edge_index = jax.random.randint(ks[1], (2, E), 0, N, dtype=jnp.int32)
    edge_attr = jax.random.normal(ks[2], (E, D_EDGE), dtype=jnp.float32)
    batch = jnp.sort(jax.random.randint(ks[3], (N,), 0, G, dtype=jnp.int32))
    W1 = jax.random.normal(ks[4], (D_IN, H), dtype=jnp.float32) * 0.05
    b1 = jnp.zeros((H,), dtype=jnp.float32)
    W2 = jax.random.normal(ks[5], (H, H), dtype=jnp.float32) * 0.05
    b2 = jnp.zeros((H,), dtype=jnp.float32)
    lin_W = jax.random.normal(ks[6], (H, 1), dtype=jnp.float32) * 0.05
    lin_b = jnp.zeros((1,), dtype=jnp.float32)
    return {"x": x, "edge_index": edge_index, "edge_attr": edge_attr, "batch": batch,
            "W1": W1, "b1": b1, "W2": W2, "b2": b2, "lin_W": lin_W, "lin_b": lin_b}


def gcn_conv(x, edge_index, W, b):
    # x @ W, then symmetric-normalized aggregation with added self-loops (PyG GCNConv defaults)
    h = x @ W
    loop = jnp.arange(N, dtype=edge_index.dtype)
    src = jnp.concatenate([edge_index[0], loop])
    dst = jnp.concatenate([edge_index[1], loop])
    deg = jnp.zeros((N,), h.dtype).at[dst].add(1.0)
    dis = jnp.where(deg > 0, 1.0 / jnp.sqrt(jnp.maximum(deg, 1.0)), 0.0)
    norm = dis[src] * dis[dst]
    msg = h[src] * norm[:, None]
    out = jnp.zeros_like(h).at[dst].add(msg)
    return out + b


def global_mean_pool(h, batch):
    sums = jax.ops.segment_sum(h, batch, num_segments=G)
    cnt = jax.ops.segment_sum(jnp.ones((h.shape[0], 1), h.dtype), batch, num_segments=G)
    return sums / jnp.maximum(cnt, 1.0)


def reference(x, edge_index, edge_attr, batch, W1, b1, W2, b2, lin_W, lin_b):
    h = jax.nn.relu(gcn_conv(x, edge_index, W1, b1))
    h = gcn_conv(h, edge_index, W2, b2)
    pooled = global_mean_pool(h, batch)
    return (pooled @ lin_W + lin_b).squeeze(-1)

if __name__ == "__main__":
    import jax
    _d = setup_inputs()
    print(jax.jit(kernel)(*tuple(_d.values())))

</pallas_src>

<mosaic_0001>
#map = affine_map<(d0, d1) -> (0, 0)>
module attributes {stable_mosaic.version = 14 : i64} {
  func.func @sc_pass(%arg0: i32, %arg1: i32, %arg2: memref<5000x128xi32, #tpu.memory_space<hbm>>, %arg3: memref<10000x64xf32, #tpu.memory_space<hbm>>, %arg4: memref<632x64xf32, #tpu.memory_space<hbm>>, %arg5: memref<20224x64xf32, #tpu.memory_space<hbm>>, %arg6: memref<78x128xi32, #tpu.memory_space<vmem>>, %arg7: memref<1x128xi32, #tpu.memory_space<vmem>>, %arg8: memref<78x128xi32, #tpu.memory_space<vmem>>, %arg9: memref<1x128xi32, #tpu.memory_space<vmem>>, %arg10: memref<6x128x64xf32, #tpu.memory_space<vmem>>, %arg11: memref<10112x64xf32, #tpu.memory_space<vmem_shared>>, %arg12: memref<!tpu.dma_semaphore, #tpu.memory_space<semaphore_mem>>, %arg13: memref<!tpu.dma_semaphore, #tpu.memory_space<semaphore_mem>>, %arg14: memref<!tpu.dma_semaphore, #tpu.memory_space<semaphore_mem>>, %arg15: memref<!tpu.dma_semaphore, #tpu.memory_space<semaphore_mem>>, %arg16: memref<!tpu.dma_semaphore, #tpu.memory_space<semaphore_mem>>, %arg17: memref<!tpu.dma_semaphore, #tpu.memory_space<semaphore_mem>>, %arg18: memref<!tpu.dma_semaphore, #tpu.memory_space<semaphore_mem>>, %arg19: memref<!tpu.dma_semaphore, #tpu.memory_space<semaphore_mem>>, %arg20: memref<!tpu.dma_semaphore, #tpu.memory_space<semaphore_mem>>, %arg21: memref<!tpu.dma_semaphore, #tpu.memory_space<semaphore_mem>>, %arg22: memref<!tpu.dma_semaphore, #tpu.memory_space<semaphore_mem>>, %arg23: memref<!tpu.dma_semaphore, #tpu.memory_space<semaphore_mem>>, %arg24: memref<!tpu.dma_semaphore, #tpu.memory_space<semaphore_mem>>) attributes {dimension_semantics = [#tpu.dimension_semantics<core_parallel>, #tpu.dimension_semantics<subcore_parallel>], iteration_bounds = array<i64: 2, 16>, scalar_prefetch = 0 : i64, scratch_operands = 19 : i64, tpu.core_type = #tpu.core_type<sc_vector_subcore>, window_params = [{transform_indices = #map}, {transform_indices = #map}, {transform_indices = #map}, {transform_indices = #map}]} {
    %mul3A = arith.constant 632 : i32
    %mul3A_0 = arith.muli %arg1, %mul3A : i32
    %mul3A_1 = arith.constant 1250 : i32
    %mul3A_2 = arith.muli %arg0, %mul3A_1 : i32
    %mul3A_3 = arith.constant 78 : i32
    %mul3A_4 = arith.muli %arg1, %mul3A_3 : i32
    %add3A = arith.addi %mul3A_2, %mul3A_4 : i32
    %mul3A_5 = arith.constant 1250 : i32
    %mul3A_6 = arith.muli %arg0, %mul3A_5 : i32
    %add3A_7 = arith.constant 1248 : i32
    %add3A_8 = arith.addi %mul3A_6, %add3A_7 : i32
    %add3A_9 = arith.addi %add3A_8, %arg1 : i32
    %dma_start3A = arith.constant 0 : i32
    %dma_start3A_10 = tpu.memref_slice %arg2[%add3A, %dma_start3A] : memref<5000x128xi32, #tpu.memory_space<hbm>> -> memref<78x128xi32, #tpu.memory_space<hbm>>
    %dma_start3A_11 = arith.constant 0 : i32
    %dma_start3A_12 = tpu.memref_slice %arg2[%add3A, %dma_start3A_11] : memref<5000x128xi32, #tpu.memory_space<hbm>> -> memref<78x128xi32, #tpu.memory_space<hbm>>
    tpu.enqueue_dma source(%dma_start3A_12 : memref<78x128xi32, #tpu.memory_space<hbm>>) target(%arg6 : memref<78x128xi32, #tpu.memory_space<vmem>>) target_semaphore(%arg12 : memref<!tpu.dma_semaphore, #tpu.memory_space<semaphore_mem>>)
    %add3A_13 = arith.constant 2500 : i32
    %add3A_14 = arith.addi %add3A_13, %add3A : i32
    %dma_start3A_15 = arith.constant 0 : i32
    %dma_start3A_16 = tpu.memref_slice %arg2[%add3A_14, %dma_start3A_15] : memref<5000x128xi32, #tpu.memory_space<hbm>> -> memref<78x128xi32, #tpu.memory_space<hbm>>
    %dma_start3A_17 = arith.constant 0 : i32
    %dma_start3A_18 = tpu.memref_slice %arg2[%add3A_14, %dma_start3A_17] : memref<5000x128xi32, #tpu.memory_space<hbm>> -> memref<78x128xi32, #tpu.memory_space<hbm>>
    tpu.enqueue_dma source(%dma_start3A_18 : memref<78x128xi32, #tpu.memory_space<hbm>>) target(%arg8 : memref<78x128xi32, #tpu.memory_space<vmem>>) target_semaphore(%arg12 : memref<!tpu.dma_semaphore, #tpu.memory_space<semaphore_mem>>)
    %lt3A = arith.constant 2 : i32
    %lt3A_19 = arith.cmpi slt, %arg1, %lt3A : i32
    %convert_element_type3A = arith.extui %lt3A_19 : i1 to i32
    %cond3A = arith.constant 0 : i32
    %cond3A_20 = arith.cmpi ne, %convert_element_type3A, %cond3A : i32
    scf.if %cond3A_20 {
      %dma_start3A_218 = arith.constant 0 : i32
      %dma_start3A_219 = tpu.memref_slice %arg2[%add3A_9, %dma_start3A_218] : memref<5000x128xi32, #tpu.memory_space<hbm>> -> memref<1x128xi32, #tpu.memory_space<hbm>>
      %dma_start3A_220 = arith.constant 0 : i32
      %dma_start3A_221 = tpu.memref_slice %arg2[%add3A_9, %dma_start3A_220] : memref<5000x128xi32, #tpu.memory_space<hbm>> -> memref<1x128xi32, #tpu.memory_space<hbm>>
      tpu.enqueue_dma source(%dma_start3A_221 : memref<1x128xi32, #tpu.memory_space<hbm>>) target(%arg7 : memref<1x128xi32, #tpu.memory_space<vmem>>) target_semaphore(%arg12 : memref<!tpu.dma_semaphore, #tpu.memory_space<semaphore_mem>>)
      %add3A_222 = arith.constant 2500 : i32
      %add3A_223 = arith.addi %add3A_222, %add3A_9 : i32
      %dma_start3A_224 = arith.constant 0 : i32
      %dma_start3A_225 = tpu.memref_slice %arg2[%add3A_223, %dma_start3A_224] : memref<5000x128xi32, #tpu.memory_space<hbm>> -> memref<1x128xi32, #tpu.memory_space<hbm>>
      %dma_start3A_226 = arith.constant 0 : i32
      %dma_start3A_227 = tpu.memref_slice %arg2[%add3A_223, %dma_start3A_226] : memref<5000x128xi32, #tpu.memory_space<hbm>> -> memref<1x128xi32, #tpu.memory_space<hbm>>
      tpu.enqueue_dma source(%dma_start3A_227 : memref<1x128xi32, #tpu.memory_space<hbm>>) target(%arg9 : memref<1x128xi32, #tpu.memory_space<vmem>>) target_semaphore(%arg12 : memref<!tpu.dma_semaphore, #tpu.memory_space<semaphore_mem>>)
    } else {
    }
    %eq3A = arith.constant 0 : i32
    %eq3A_21 = arith.cmpi eq, %arg0, %eq3A : i32
    %lt3A_22 = arith.constant 15 : i32
    %lt3A_23 = arith.cmpi slt, %arg1, %lt3A_22 : i32
    %and3A = arith.andi %eq3A_21, %lt3A_23 : i1
    %convert_element_type3A_24 = arith.extui %and3A : i1 to i32
    %cond3A_25 = arith.constant 0 : i32
    %cond3A_26 = arith.cmpi ne, %convert_element_type3A_24, %cond3A_25 : i32
    scf.if %cond3A_26 {
      "tpu.region"() ({
        %run_scoped3A = tpu.sem_alloc : memref<!tpu.dma_semaphore, #tpu.memory_space<semaphore_mem>>
        %dma_start3A_218 = arith.constant 0 : i32
        %dma_start3A_219 = tpu.memref_slice %arg11[%mul3A_0, %dma_start3A_218] : memref<10112x64xf32, #tpu.memory_space<vmem_shared>> -> memref<632x64xf32, #tpu.memory_space<vmem_shared>>
        %dma_start3A_220 = arith.constant 0 : i32
        %dma_start3A_221 = tpu.memref_slice %arg3[%mul3A_0, %dma_start3A_220] : memref<10000x64xf32, #tpu.memory_space<hbm>> -> memref<632x64xf32, #tpu.memory_space<hbm>>
        tpu.enqueue_dma source(%dma_start3A_221 : memref<632x64xf32, #tpu.memory_space<hbm>>) target(%dma_start3A_219 : memref<632x64xf32, #tpu.memory_space<vmem_shared>>) target_semaphore(%run_scoped3A : memref<!tpu.dma_semaphore, #tpu.memory_space<semaphore_mem>>)
        %dma_wait3A_222 = arith.constant 0 : i32
        %dma_wait3A_223 = tpu.memref_slice %arg11[%mul3A_0, %dma_wait3A_222] : memref<10112x64xf32, #tpu.memory_space<vmem_shared>> -> memref<632x64xf32, #tpu.memory_space<vmem_shared>>
        %dma_wait3A_224 = arith.constant 0 : i32
        %dma_wait3A_225 = tpu.memref_slice %arg3[%mul3A_0, %dma_wait3A_224] : memref<10000x64xf32, #tpu.memory_space<hbm>> -> memref<632x64xf32, #tpu.memory_space<hbm>>
        tpu.wait_dma2 semaphore(%run_scoped3A : memref<!tpu.dma_semaphore, #tpu.memory_space<semaphore_mem>>) src(%dma_wait3A_225 : memref<632x64xf32, #tpu.memory_space<hbm>>) dst(%dma_wait3A_223 : memref<632x64xf32, #tpu.memory_space<vmem_shared>>)
        tpu.yield
      }) : () -> ()
    } else {
    }
    %eq3A_27 = arith.constant 0 : i32
    %eq3A_28 = arith.cmpi eq, %arg0, %eq3A_27 : i32
    %eq3A_29 = arith.constant 15 : i32
    %eq3A_30 = arith.cmpi eq, %arg1, %eq3A_29 : i32
    %and3A_31 = arith.andi %eq3A_28, %eq3A_30 : i1
    %convert_element_type3A_32 = arith.extui %and3A_31 : i1 to i32
    %cond3A_33 = arith.constant 0 : i32
    %cond3A_34 = arith.cmpi ne, %convert_element_type3A_32, %cond3A_33 : i32
    scf.if %cond3A_34 {
      "tpu.region"() ({
        %run_scoped3A = tpu.sem_alloc : memref<!tpu.dma_semaphore, #tpu.memory_space<semaphore_mem>>
        %dma_start3A_220 = arith.constant 0 : i32
        %dma_start3A_221 = tpu.memref_slice %arg11[%mul3A_0, %dma_start3A_220] : memref<10112x64xf32, #tpu.memory_space<vmem_shared>> -> memref<520x64xf32, #tpu.memory_space<vmem_shared>>
        %dma_start3A_222 = arith.constant 9480 : i32
        %dma_start3A_223 = arith.constant 0 : i32
        %dma_start3A_224 = tpu.memref_slice %arg3[%dma_start3A_222, %dma_start3A_223] : memref<10000x64xf32, #tpu.memory_space<hbm>> -> memref<520x64xf32, #tpu.memory_space<hbm>>
        tpu.enqueue_dma source(%dma_start3A_224 : memref<520x64xf32, #tpu.memory_space<hbm>>) target(%dma_start3A_221 : memref<520x64xf32, #tpu.memory_space<vmem_shared>>) target_semaphore(%run_scoped3A : memref<!tpu.dma_semaphore, #tpu.memory_space<semaphore_mem>>)
        %dma_wait3A_225 = arith.constant 0 : i32
        %dma_wait3A_226 = tpu.memref_slice %arg11[%mul3A_0, %dma_wait3A_225] : memref<10112x64xf32, #tpu.memory_space<vmem_shared>> -> memref<520x64xf32, #tpu.memory_space<vmem_shared>>
        %dma_wait3A_227 = arith.constant 9480 : i32
        %dma_wait3A_228 = arith.constant 0 : i32
        %dma_wait3A_229 = tpu.memref_slice %arg3[%dma_wait3A_227, %dma_wait3A_228] : memref<10000x64xf32, #tpu.memory_space<hbm>> -> memref<520x64xf32, #tpu.memory_space<hbm>>
        tpu.wait_dma2 semaphore(%run_scoped3A : memref<!tpu.dma_semaphore, #tpu.memory_space<semaphore_mem>>) src(%dma_wait3A_229 : memref<520x64xf32, #tpu.memory_space<hbm>>) dst(%dma_wait3A_226 : memref<520x64xf32, #tpu.memory_space<vmem_shared>>)
        tpu.yield
      }) : () -> ()
      %add3A_218 = arith.constant 520 : i32
      %add3A_219 = arith.addi %mul3A_0, %add3A_218 : i32
      "tpu.region"() ({
        %run_scoped3A = tpu.sem_alloc : memref<!tpu.dma_semaphore, #tpu.memory_space<semaphore_mem>>
        %dma_start3A_220 = arith.constant 0 : i32
        %dma_start3A_221 = tpu.memref_slice %arg11[%add3A_219, %dma_start3A_220] : memref<10112x64xf32, #tpu.memory_space<vmem_shared>> -> memref<112x64xf32, #tpu.memory_space<vmem_shared>>
        %dma_start3A_222 = arith.constant 0 : i32
        %dma_start3A_223 = arith.constant 0 : i32
        %dma_start3A_224 = tpu.memref_slice %arg4[%dma_start3A_222, %dma_start3A_223] : memref<632x64xf32, #tpu.memory_space<hbm>> -> memref<112x64xf32, #tpu.memory_space<hbm>>
        tpu.enqueue_dma source(%dma_start3A_224 : memref<112x64xf32, #tpu.memory_space<hbm>>) target(%dma_start3A_221 : memref<112x64xf32, #tpu.memory_space<vmem_shared>>) target_semaphore(%run_scoped3A : memref<!tpu.dma_semaphore, #tpu.memory_space<semaphore_mem>>)
        %dma_wait3A_225 = arith.constant 0 : i32
        %dma_wait3A_226 = tpu.memref_slice %arg11[%add3A_219, %dma_wait3A_225] : memref<10112x64xf32, #tpu.memory_space<vmem_shared>> -> memref<112x64xf32, #tpu.memory_space<vmem_shared>>
        %dma_wait3A_227 = arith.constant 0 : i32
        %dma_wait3A_228 = arith.constant 0 : i32
        %dma_wait3A_229 = tpu.memref_slice %arg4[%dma_wait3A_227, %dma_wait3A_228] : memref<632x64xf32, #tpu.memory_space<hbm>> -> memref<112x64xf32, #tpu.memory_space<hbm>>
        tpu.wait_dma2 semaphore(%run_scoped3A : memref<!tpu.dma_semaphore, #tpu.memory_space<semaphore_mem>>) src(%dma_wait3A_229 : memref<112x64xf32, #tpu.memory_space<hbm>>) dst(%dma_wait3A_226 : memref<112x64xf32, #tpu.memory_space<vmem_shared>>)
        tpu.yield
      }) : () -> ()
    } else {
    }
    %eq3A_35 = arith.constant 0 : i32
    %eq3A_36 = arith.cmpi eq, %arg0, %eq3A_35 : i32
    %gt3A = arith.constant 15 : i32
    %gt3A_37 = arith.cmpi sgt, %arg1, %gt3A : i32
    %and3A_38 = arith.andi %eq3A_36, %gt3A_37 : i1
    %convert_element_type3A_39 = arith.extui %and3A_38 : i1 to i32
    %cond3A_40 = arith.constant 0 : i32
    %cond3A_41 = arith.cmpi ne, %convert_element_type3A_39, %cond3A_40 : i32
    scf.if %cond3A_41 {
      "tpu.region"() ({
        %run_scoped3A = tpu.sem_alloc : memref<!tpu.dma_semaphore, #tpu.memory_space<semaphore_mem>>
        %dma_start3A_218 = arith.constant 0 : i32
        %dma_start3A_219 = tpu.memref_slice %arg11[%mul3A_0, %dma_start3A_218] : memref<10112x64xf32, #tpu.memory_space<vmem_shared>> -> memref<632x64xf32, #tpu.memory_space<vmem_shared>>
        tpu.enqueue_dma source(%arg4 : memref<632x64xf32, #tpu.memory_space<hbm>>) target(%dma_start3A_219 : memref<632x64xf32, #tpu.memory_space<vmem_shared>>) target_semaphore(%run_scoped3A : memref<!tpu.dma_semaphore, #tpu.memory_space<semaphore_mem>>)
        %dma_wait3A_220 = arith.constant 0 : i32
        %dma_wait3A_221 = tpu.memref_slice %arg11[%mul3A_0, %dma_wait3A_220] : memref<10112x64xf32, #tpu.memory_space<vmem_shared>> -> memref<632x64xf32, #tpu.memory_space<vmem_shared>>
        tpu.wait_dma2 semaphore(%run_scoped3A : memref<!tpu.dma_semaphore, #tpu.memory_space<semaphore_mem>>) src(%arg4 : memref<632x64xf32, #tpu.memory_space<hbm>>) dst(%dma_wait3A_221 : memref<632x64xf32, #tpu.memory_space<vmem_shared>>)
        tpu.yield
      }) : () -> ()
    } else {
    }
    %ne3A = arith.constant 0 : i32
    %ne3A_42 = arith.cmpi ne, %arg0, %ne3A : i32
    %convert_element_type3A_43 = arith.extui %ne3A_42 : i1 to i32
    %cond3A_44 = arith.constant 0 : i32
    %cond3A_45 = arith.cmpi ne, %convert_element_type3A_43, %cond3A_44 : i32
    scf.if %cond3A_45 {
      "tpu.region"() ({
        %run_scoped3A = tpu.sem_alloc : memref<!tpu.dma_semaphore, #tpu.memory_space<semaphore_mem>>
        %dma_start3A_218 = arith.constant 0 : i32
        %dma_start3A_219 = tpu.memref_slice %arg11[%mul3A_0, %dma_start3A_218] : memref<10112x64xf32, #tpu.memory_space<vmem_shared>> -> memref<632x64xf32, #tpu.memory_space<vmem_shared>>
        tpu.enqueue_dma source(%arg4 : memref<632x64xf32, #tpu.memory_space<hbm>>) target(%dma_start3A_219 : memref<632x64xf32, #tpu.memory_space<vmem_shared>>) target_semaphore(%run_scoped3A : memref<!tpu.dma_semaphore, #tpu.memory_space<semaphore_mem>>)
        %dma_wait3A_220 = arith.constant 0 : i32
        %dma_wait3A_221 = tpu.memref_slice %arg11[%mul3A_0, %dma_wait3A_220] : memref<10112x64xf32, #tpu.memory_space<vmem_shared>> -> memref<632x64xf32, #tpu.memory_space<vmem_shared>>
        tpu.wait_dma2 semaphore(%run_scoped3A : memref<!tpu.dma_semaphore, #tpu.memory_space<semaphore_mem>>) src(%arg4 : memref<632x64xf32, #tpu.memory_space<hbm>>) dst(%dma_wait3A_221 : memref<632x64xf32, #tpu.memory_space<vmem_shared>>)
        tpu.yield
      }) : () -> ()
    } else {
    }
    %dma_wait3A = arith.constant 0 : i32
    %dma_wait3A_46 = tpu.memref_slice %arg2[%add3A, %dma_wait3A] : memref<5000x128xi32, #tpu.memory_space<hbm>> -> memref<78x128xi32, #tpu.memory_space<hbm>>
    %dma_wait3A_47 = arith.constant 0 : i32
    %dma_wait3A_48 = tpu.memref_slice %arg2[%add3A, %dma_wait3A_47] : memref<5000x128xi32, #tpu.memory_space<hbm>> -> memref<78x128xi32, #tpu.memory_space<hbm>>
    tpu.wait_dma2 semaphore(%arg12 : memref<!tpu.dma_semaphore, #tpu.memory_space<semaphore_mem>>) src(%dma_wait3A_48 : memref<78x128xi32, #tpu.memory_space<hbm>>) dst(%arg6 : memref<78x128xi32, #tpu.memory_space<vmem>>)
    %add3A_49 = arith.constant 2500 : i32
    %add3A_50 = arith.addi %add3A_49, %add3A : i32
    %dma_wait3A_51 = arith.constant 0 : i32
    %dma_wait3A_52 = tpu.memref_slice %arg2[%add3A_50, %dma_wait3A_51] : memref<5000x128xi32, #tpu.memory_space<hbm>> -> memref<78x128xi32, #tpu.memory_space<hbm>>
    %dma_wait3A_53 = arith.constant 0 : i32
    %dma_wait3A_54 = tpu.memref_slice %arg2[%add3A_50, %dma_wait3A_53] : memref<5000x128xi32, #tpu.memory_space<hbm>> -> memref<78x128xi32, #tpu.memory_space<hbm>>
    tpu.wait_dma2 semaphore(%arg12 : memref<!tpu.dma_semaphore, #tpu.memory_space<semaphore_mem>>) src(%dma_wait3A_54 : memref<78x128xi32, #tpu.memory_space<hbm>>) dst(%arg8 : memref<78x128xi32, #tpu.memory_space<vmem>>)
    %lt3A_55 = arith.constant 2 : i32
    %lt3A_56 = arith.cmpi slt, %arg1, %lt3A_55 : i32
    %convert_element_type3A_57 = arith.extui %lt3A_56 : i1 to i32
    %cond3A_58 = arith.constant 0 : i32
    %cond3A_59 = arith.cmpi ne, %convert_element_type3A_57, %cond3A_58 : i32
    scf.if %cond3A_59 {
      %dma_wait3A_218 = arith.constant 0 : i32
      %dma_wait3A_219 = tpu.memref_slice %arg2[%add3A_9, %dma_wait3A_218] : memref<5000x128xi32, #tpu.memory_space<hbm>> -> memref<1x128xi32, #tpu.memory_space<hbm>>
      %dma_wait3A_220 = arith.constant 0 : i32
      %dma_wait3A_221 = tpu.memref_slice %arg2[%add3A_9, %dma_wait3A_220] : memref<5000x128xi32, #tpu.memory_space<hbm>> -> memref<1x128xi32, #tpu.memory_space<hbm>>
      tpu.wait_dma2 semaphore(%arg12 : memref<!tpu.dma_semaphore, #tpu.memory_space<semaphore_mem>>) src(%dma_wait3A_221 : memref<1x128xi32, #tpu.memory_space<hbm>>) dst(%arg7 : memref<1x128xi32, #tpu.memory_space<vmem>>)
      %add3A_222 = arith.constant 2500 : i32
      %add3A_223 = arith.addi %add3A_222, %add3A_9 : i32
      %dma_wait3A_224 = arith.constant 0 : i32
      %dma_wait3A_225 = tpu.memref_slice %arg2[%add3A_223, %dma_wait3A_224] : memref<5000x128xi32, #tpu.memory_space<hbm>> -> memref<1x128xi32, #tpu.memory_space<hbm>>
      %dma_wait3A_226 = arith.constant 0 : i32
      %dma_wait3A_227 = tpu.memref_slice %arg2[%add3A_223, %dma_wait3A_226] : memref<5000x128xi32, #tpu.memory_space<hbm>> -> memref<1x128xi32, #tpu.memory_space<hbm>>
      tpu.wait_dma2 semaphore(%arg12 : memref<!tpu.dma_semaphore, #tpu.memory_space<semaphore_mem>>) src(%dma_wait3A_227 : memref<1x128xi32, #tpu.memory_space<hbm>>) dst(%arg9 : memref<1x128xi32, #tpu.memory_space<vmem>>)
    } else {
    }
    %dma_start3A_60 = arith.constant 0 : i32
    %dma_start3A_61 = arith.constant 0 : i32
    %dma_start3A_62 = arith.constant 0 : i32
    %dma_start3A_63 = arith.constant 0 : i32
    %dma_start3A_64 = tpu.memref_slice %arg10[%dma_start3A_61, %dma_start3A_62, %dma_start3A_63] : memref<6x128x64xf32, #tpu.memory_space<vmem>> -> memref<1x128x64xf32, #tpu.memory_space<vmem>>
    %dma_start3A_65 = tpu.memref_squeeze %dma_start3A_64 : memref<1x128x64xf32, #tpu.memory_space<vmem>> -> memref<128x64xf32, #tpu.memory_space<vmem>>
    %dma_start3A_66 = arith.constant 0 : i32
    %dma_start3A_67 = tpu.memref_slice %arg6[%dma_start3A_60, %dma_start3A_66] : memref<78x128xi32, #tpu.memory_space<vmem>> -> memref<1x128xi32, #tpu.memory_space<vmem>>
    %dma_start3A_68 = tpu.memref_squeeze %dma_start3A_67 : memref<1x128xi32, #tpu.memory_space<vmem>> -> memref<128xi32, #tpu.memory_space<vmem>>
    %dma_start3A_69 = arith.constant 0 : i32
    %dma_start3A_70 = arith.constant 0 : i32
    %dma_start3A_71 = tpu.memref_slice %arg3[%dma_start3A_69, %dma_start3A_70] : memref<10000x64xf32, #tpu.memory_space<hbm>> -> memref<10000x64xf32, #tpu.memory_space<hbm>>
    tpu.enqueue_indirect_dma source(%dma_start3A_71 : memref<10000x64xf32, #tpu.memory_space<hbm>>) target(%dma_start3A_65 : memref<128x64xf32, #tpu.memory_space<vmem>>) offsets(%dma_start3A_68 : memref<128xi32, #tpu.memory_space<vmem>>) semaphore(%arg13 : memref<!tpu.dma_semaphore, #tpu.memory_space<semaphore_mem>>)
    %dma_start3A_72 = arith.constant 1 : i32
    %dma_start3A_73 = arith.constant 1 : i32
    %dma_start3A_74 = arith.constant 0 : i32
    %dma_start3A_75 = arith.constant 0 : i32
    %dma_start3A_76 = tpu.memref_slice %arg10[%dma_start3A_73, %dma_start3A_74, %dma_start3A_75] : memref<6x128x64xf32, #tpu.memory_space<vmem>> -> memref<1x128x64xf32, #tpu.memory_space<vmem>>
    %dma_start3A_77 = tpu.memref_squeeze %dma_start3A_76 : memref<1x128x64xf32, #tpu.memory_space<vmem>> -> memref<128x64xf32, #tpu.memory_space<vmem>>
    %dma_start3A_78 = arith.constant 0 : i32
    %dma_start3A_79 = tpu.memref_slice %arg6[%dma_start3A_72, %dma_start3A_78] : memref<78x128xi32, #tpu.memory_space<vmem>> -> memref<1x128xi32, #tpu.memory_space<vmem>>
    %dma_start3A_80 = tpu.memref_squeeze %dma_start3A_79 : memref<1x128xi32, #tpu.memory_space<vmem>> -> memref<128xi32, #tpu.memory_space<vmem>>
    %dma_start3A_81 = arith.constant 0 : i32
    %dma_start3A_82 = arith.constant 0 : i32
    %dma_start3A_83 = tpu.memref_slice %arg3[%dma_start3A_81, %dma_start3A_82] : memref<10000x64xf32, #tpu.memory_space<hbm>> -> memref<10000x64xf32, #tpu.memory_space<hbm>>
    tpu.enqueue_indirect_dma source(%dma_start3A_83 : memref<10000x64xf32, #tpu.memory_space<hbm>>) target(%dma_start3A_77 : memref<128x64xf32, #tpu.memory_space<vmem>>) offsets(%dma_start3A_80 : memref<128xi32, #tpu.memory_space<vmem>>) semaphore(%arg14 : memref<!tpu.dma_semaphore, #tpu.memory_space<semaphore_mem>>)
    %dma_start3A_84 = arith.constant 2 : i32
    %dma_start3A_85 = arith.constant 2 : i32
    %dma_start3A_86 = arith.constant 0 : i32
    %dma_start3A_87 = arith.constant 0 : i32
    %dma_start3A_88 = tpu.memref_slice %arg10[%dma_start3A_85, %dma_start3A_86, %dma_start3A_87] : memref<6x128x64xf32, #tpu.memory_space<vmem>> -> memref<1x128x64xf32, #tpu.memory_space<vmem>>
    %dma_start3A_89 = tpu.memref_squeeze %dma_start3A_88 : memref<1x128x64xf32, #tpu.memory_space<vmem>> -> memref<128x64xf32, #tpu.memory_space<vmem>>
    %dma_start3A_90 = arith.constant 0 : i32
    %dma_start3A_91 = tpu.memref_slice %arg6[%dma_start3A_84, %dma_start3A_90] : memref<78x128xi32, #tpu.memory_space<vmem>> -> memref<1x128xi32, #tpu.memory_space<vmem>>
    %dma_start3A_92 = tpu.memref_squeeze %dma_start3A_91 : memref<1x128xi32, #tpu.memory_space<vmem>> -> memref<128xi32, #tpu.memory_space<vmem>>
    %dma_start3A_93 = arith.constant 0 : i32
    %dma_start3A_94 = arith.constant 0 : i32
    %dma_start3A_95 = tpu.memref_slice %arg3[%dma_start3A_93, %dma_start3A_94] : memref<10000x64xf32, #tpu.memory_space<hbm>> -> memref<10000x64xf32, #tpu.memory_space<hbm>>
    tpu.enqueue_indirect_dma source(%dma_start3A_95 : memref<10000x64xf32, #tpu.memory_space<hbm>>) target(%dma_start3A_89 : memref<128x64xf32, #tpu.memory_space<vmem>>) offsets(%dma_start3A_92 : memref<128xi32, #tpu.memory_space<vmem>>) semaphore(%arg15 : memref<!tpu.dma_semaphore, #tpu.memory_space<semaphore_mem>>)
    %dma_start3A_96 = arith.constant 3 : i32
    %dma_start3A_97 = arith.constant 3 : i32
    %dma_start3A_98 = arith.constant 0 : i32
    %dma_start3A_99 = arith.constant 0 : i32
    %dma_start3A_100 = tpu.memref_slice %arg10[%dma_start3A_97, %dma_start3A_98, %dma_start3A_99] : memref<6x128x64xf32, #tpu.memory_space<vmem>> -> memref<1x128x64xf32, #tpu.memory_space<vmem>>
    %dma_start3A_101 = tpu.memref_squeeze %dma_start3A_100 : memref<1x128x64xf32, #tpu.memory_space<vmem>> -> memref<128x64xf32, #tpu.memory_space<vmem>>
    %dma_start3A_102 = arith.constant 0 : i32
    %dma_start3A_103 = tpu.memref_slice %arg6[%dma_start3A_96, %dma_start3A_102] : memref<78x128xi32, #tpu.memory_space<vmem>> -> memref<1x128xi32, #tpu.memory_space<vmem>>
    %dma_start3A_104 = tpu.memref_squeeze %dma_start3A_103 : memref<1x128xi32, #tpu.memory_space<vmem>> -> memref<128xi32, #tpu.memory_space<vmem>>
    %dma_start3A_105 = arith.constant 0 : i32
    %dma_start3A_106 = arith.constant 0 : i32
    %dma_start3A_107 = tpu.memref_slice %arg3[%dma_start3A_105, %dma_start3A_106] : memref<10000x64xf32, #tpu.memory_space<hbm>> -> memref<10000x64xf32, #tpu.memory_space<hbm>>
    tpu.enqueue_indirect_dma source(%dma_start3A_107 : memref<10000x64xf32, #tpu.memory_space<hbm>>) target(%dma_start3A_101 : memref<128x64xf32, #tpu.memory_space<vmem>>) offsets(%dma_start3A_104 : memref<128xi32, #tpu.memory_space<vmem>>) semaphore(%arg16 : memref<!tpu.dma_semaphore, #tpu.memory_space<semaphore_mem>>)
    %dma_start3A_108 = arith.constant 4 : i32
    %dma_start3A_109 = arith.constant 4 : i32
    %dma_start3A_110 = arith.constant 0 : i32
    %dma_start3A_111 = arith.constant 0 : i32
    %dma_start3A_112 = tpu.memref_slice %arg10[%dma_start3A_109, %dma_start3A_110, %dma_start3A_111] : memref<6x128x64xf32, #tpu.memory_space<vmem>> -> memref<1x128x64xf32, #tpu.memory_space<vmem>>
    %dma_start3A_113 = tpu.memref_squeeze %dma_start3A_112 : memref<1x128x64xf32, #tpu.memory_space<vmem>> -> memref<128x64xf32, #tpu.memory_space<vmem>>
    %dma_start3A_114 = arith.constant 0 : i32
    %dma_start3A_115 = tpu.memref_slice %arg6[%dma_start3A_108, %dma_start3A_114] : memref<78x128xi32, #tpu.memory_space<vmem>> -> memref<1x128xi32, #tpu.memory_space<vmem>>
    %dma_start3A_116 = tpu.memref_squeeze %dma_start3A_115 : memref<1x128xi32, #tpu.memory_space<vmem>> -> memref<128xi32, #tpu.memory_space<vmem>>
    %dma_start3A_117 = arith.constant 0 : i32
    %dma_start3A_118 = arith.constant 0 : i32
    %dma_start3A_119 = tpu.memref_slice %arg3[%dma_start3A_117, %dma_start3A_118] : memref<10000x64xf32, #tpu.memory_space<hbm>> -> memref<10000x64xf32, #tpu.memory_space<hbm>>
    tpu.enqueue_indirect_dma source(%dma_start3A_119 : memref<10000x64xf32, #tpu.memory_space<hbm>>) target(%dma_start3A_113 : memref<128x64xf32, #tpu.memory_space<vmem>>) offsets(%dma_start3A_116 : memref<128xi32, #tpu.memory_space<vmem>>) semaphore(%arg17 : memref<!tpu.dma_semaphore, #tpu.memory_space<semaphore_mem>>)
    %dma_start3A_120 = arith.constant 5 : i32
    %dma_start3A_121 = arith.constant 5 : i32
    %dma_start3A_122 = arith.constant 0 : i32
    %dma_start3A_123 = arith.constant 0 : i32
    %dma_start3A_124 = tpu.memref_slice %arg10[%dma_start3A_121, %dma_start3A_122, %dma_start3A_123] : memref<6x128x64xf32, #tpu.memory_space<vmem>> -> memref<1x128x64xf32, #tpu.memory_space<vmem>>
    %dma_start3A_125 = tpu.memref_squeeze %dma_start3A_124 : memref<1x128x64xf32, #tpu.memory_space<vmem>> -> memref<128x64xf32, #tpu.memory_space<vmem>>
    %dma_start3A_126 = arith.constant 0 : i32
    %dma_start3A_127 = tpu.memref_slice %arg6[%dma_start3A_120, %dma_start3A_126] : memref<78x128xi32, #tpu.memory_space<vmem>> -> memref<1x128xi32, #tpu.memory_space<vmem>>
    %dma_start3A_128 = tpu.memref_squeeze %dma_start3A_127 : memref<1x128xi32, #tpu.memory_space<vmem>> -> memref<128xi32, #tpu.memory_space<vmem>>
    %dma_start3A_129 = arith.constant 0 : i32
    %dma_start3A_130 = arith.constant 0 : i32
    %dma_start3A_131 = tpu.memref_slice %arg3[%dma_start3A_129, %dma_start3A_130] : memref<10000x64xf32, #tpu.memory_space<hbm>> -> memref<10000x64xf32, #tpu.memory_space<hbm>>
    tpu.enqueue_indirect_dma source(%dma_start3A_131 : memref<10000x64xf32, #tpu.memory_space<hbm>>) target(%dma_start3A_125 : memref<128x64xf32, #tpu.memory_space<vmem>>) offsets(%dma_start3A_128 : memref<128xi32, #tpu.memory_space<vmem>>) semaphore(%arg18 : memref<!tpu.dma_semaphore, #tpu.memory_space<semaphore_mem>>)
    %barrier3A = arith.constant 0 : index
    tpu.barrier barrier_id(%barrier3A)
    %scan3A = arith.constant 0 : i32
    %scan3A_132 = arith.constant 0 : i32
    %scan3A_133 = arith.constant 13 : i32
    %scan3A_134 = arith.addi %scan3A_132, %scan3A_133 : i32
    %scan3A_135 = arith.constant 1 : i32
    scf.for %scan3A_218 = %scan3A_132 to %scan3A_134 step %scan3A_135  : i32 {
      %mul3A_219 = arith.constant 6 : i32
      %mul3A_220 = arith.muli %scan3A_218, %mul3A_219 : i32
      %add3A_221 = arith.constant 0 : i32
      %add3A_222 = arith.addi %mul3A_220, %add3A_221 : i32
      %dma_wait3A_223 = arith.constant 0 : i32
      %dma_wait3A_224 = arith.constant 0 : i32
      %dma_wait3A_225 = arith.constant 0 : i32
      %dma_wait3A_226 = tpu.memref_slice %arg10[%dma_wait3A_223, %dma_wait3A_224, %dma_wait3A_225] : memref<6x128x64xf32, #tpu.memory_space<vmem>> -> memref<1x128x64xf32, #tpu.memory_space<vmem>>
      %dma_wait3A_227 = tpu.memref_squeeze %dma_wait3A_226 : memref<1x128x64xf32, #tpu.memory_space<vmem>> -> memref<128x64xf32, #tpu.memory_space<vmem>>
      %dma_wait3A_228 = arith.constant 0 : i32
      %dma_wait3A_229 = tpu.memref_slice %arg6[%add3A_222, %dma_wait3A_228] : memref<78x128xi32, #tpu.memory_space<vmem>> -> memref<1x128xi32, #tpu.memory_space<vmem>>
      %dma_wait3A_230 = tpu.memref_squeeze %dma_wait3A_229 : memref<1x128xi32, #tpu.memory_space<vmem>> -> memref<128xi32, #tpu.memory_space<vmem>>
      %dma_wait3A_231 = arith.constant 0 : i32
      %dma_wait3A_232 = arith.constant 0 : i32
      %dma_wait3A_233 = tpu.memref_slice %arg3[%dma_wait3A_231, %dma_wait3A_232] : memref<10000x64xf32, #tpu.memory_space<hbm>> -> memref<10000x64xf32, #tpu.memory_space<hbm>>
      tpu.wait_indirect_dma semaphore(%arg13 : memref<!tpu.dma_semaphore, #tpu.memory_space<semaphore_mem>>) src(%dma_wait3A_233 : memref<10000x64xf32, #tpu.memory_space<hbm>>) dst(%dma_wait3A_227 : memref<128x64xf32, #tpu.memory_space<vmem>>)
      %mul3A_234 = arith.constant 6 : i32
      %mul3A_235 = arith.muli %scan3A_218, %mul3A_234 : i32
      %add3A_236 = arith.constant 0 : i32
      %add3A_237 = arith.addi %mul3A_235, %add3A_236 : i32
      %dma_start3A_238 = arith.constant 0 : i32
      %dma_start3A_239 = arith.constant 0 : i32
      %dma_start3A_240 = arith.constant 0 : i32
      %dma_start3A_241 = tpu.memref_slice %arg10[%dma_start3A_238, %dma_start3A_239, %dma_start3A_240] : memref<6x128x64xf32, #tpu.memory_space<vmem>> -> memref<1x128x64xf32, #tpu.memory_space<vmem>>
      %dma_start3A_242 = tpu.memref_squeeze %dma_start3A_241 : memref<1x128x64xf32, #tpu.memory_space<vmem>> -> memref<128x64xf32, #tpu.memory_space<vmem>>
      %dma_start3A_243 = arith.constant 0 : i32
      %dma_start3A_244 = tpu.memref_slice %arg8[%add3A_237, %dma_start3A_243] : memref<78x128xi32, #tpu.memory_space<vmem>> -> memref<1x128xi32, #tpu.memory_space<vmem>>
      %dma_start3A_245 = tpu.memref_squeeze %dma_start3A_244 : memref<1x128xi32, #tpu.memory_space<vmem>> -> memref<128xi32, #tpu.memory_space<vmem>>
      %dma_start3A_246 = arith.constant 0 : i32
      %dma_start3A_247 = arith.constant 0 : i32
      %dma_start3A_248 = tpu.memref_slice %arg11[%dma_start3A_246, %dma_start3A_247] : memref<10112x64xf32, #tpu.memory_space<vmem_shared>> -> memref<10112x64xf32, #tpu.memory_space<vmem_shared>>
      tpu.enqueue_indirect_dma source(%dma_start3A_242 : memref<128x64xf32, #tpu.memory_space<vmem>>) target(%dma_start3A_248 : memref<10112x64xf32, #tpu.memory_space<vmem_shared>>) offsets(%dma_start3A_245 : memref<128xi32, #tpu.memory_space<vmem>>) semaphore(%arg19 : memref<!tpu.dma_semaphore, #tpu.memory_space<semaphore_mem>>) {add = true}
      %mul3A_249 = arith.constant 6 : i32
      %mul3A_250 = arith.muli %scan3A_218, %mul3A_249 : i32
      %add3A_251 = arith.constant 1 : i32
      %add3A_252 = arith.addi %mul3A_250, %add3A_251 : i32
      %dma_wait3A_253 = arith.constant 1 : i32
      %dma_wait3A_254 = arith.constant 0 : i32
      %dma_wait3A_255 = arith.constant 0 : i32
      %dma_wait3A_256 = tpu.memref_slice %arg10[%dma_wait3A_253, %dma_wait3A_254, %dma_wait3A_255] : memref<6x128x64xf32, #tpu.memory_space<vmem>> -> memref<1x128x64xf32, #tpu.memory_space<vmem>>
      %dma_wait3A_257 = tpu.memref_squeeze %dma_wait3A_256 : memref<1x128x64xf32, #tpu.memory_space<vmem>> -> memref<128x64xf32, #tpu.memory_space<vmem>>
      %dma_wait3A_258 = arith.constant 0 : i32
      %dma_wait3A_259 = tpu.memref_slice %arg6[%add3A_252, %dma_wait3A_258] : memref<78x128xi32, #tpu.memory_space<vmem>> -> memref<1x128xi32, #tpu.memory_space<vmem>>
      %dma_wait3A_260 = tpu.memref_squeeze %dma_wait3A_259 : memref<1x128xi32, #tpu.memory_space<vmem>> -> memref<128xi32, #tpu.memory_space<vmem>>
      %dma_wait3A_261 = arith.constant 0 : i32
      %dma_wait3A_262 = arith.constant 0 : i32
      %dma_wait3A_263 = tpu.memref_slice %arg3[%dma_wait3A_261, %dma_wait3A_262] : memref<10000x64xf32, #tpu.memory_space<hbm>> -> memref<10000x64xf32, #tpu.memory_space<hbm>>
      tpu.wait_indirect_dma semaphore(%arg14 : memref<!tpu.dma_semaphore, #tpu.memory_space<semaphore_mem>>) src(%dma_wait3A_263 : memref<10000x64xf32, #tpu.memory_space<hbm>>) dst(%dma_wait3A_257 : memref<128x64xf32, #tpu.memory_space<vmem>>)
      %mul3A_264 = arith.constant 6 : i32
      %mul3A_265 = arith.muli %scan3A_218, %mul3A_264 : i32
      %add3A_266 = arith.constant 1 : i32
      %add3A_267 = arith.addi %mul3A_265, %add3A_266 : i32
      %dma_start3A_268 = arith.constant 1 : i32
      %dma_start3A_269 = arith.constant 0 : i32
      %dma_start3A_270 = arith.constant 0 : i32
      %dma_start3A_271 = tpu.memref_slice %arg10[%dma_start3A_268, %dma_start3A_269, %dma_start3A_270] : memref<6x128x64xf32, #tpu.memory_space<vmem>> -> memref<1x128x64xf32, #tpu.memory_space<vmem>>
      %dma_start3A_272 = tpu.memref_squeeze %dma_start3A_271 : memref<1x128x64xf32, #tpu.memory_space<vmem>> -> memref<128x64xf32, #tpu.memory_space<vmem>>
      %dma_start3A_273 = arith.constant 0 : i32
      %dma_start3A_274 = tpu.memref_slice %arg8[%add3A_267, %dma_start3A_273] : memref<78x128xi32, #tpu.memory_space<vmem>> -> memref<1x128xi32, #tpu.memory_space<vmem>>
      %dma_start3A_275 = tpu.memref_squeeze %dma_start3A_274 : memref<1x128xi32, #tpu.memory_space<vmem>> -> memref<128xi32, #tpu.memory_space<vmem>>
      %dma_start3A_276 = arith.constant 0 : i32
      %dma_start3A_277 = arith.constant 0 : i32
      %dma_start3A_278 = tpu.memref_slice %arg11[%dma_start3A_276, %dma_start3A_277] : memref<10112x64xf32, #tpu.memory_space<vmem_shared>> -> memref<10112x64xf32, #tpu.memory_space<vmem_shared>>
      tpu.enqueue_indirect_dma source(%dma_start3A_272 : memref<128x64xf32, #tpu.memory_space<vmem>>) target(%dma_start3A_278 : memref<10112x64xf32, #tpu.memory_space<vmem_shared>>) offsets(%dma_start3A_275 : memref<128xi32, #tpu.memory_space<vmem>>) semaphore(%arg20 : memref<!tpu.dma_semaphore, #tpu.memory_space<semaphore_mem>>) {add = true}
      %mul3A_279 = arith.constant 6 : i32
      %mul3A_280 = arith.muli %scan3A_218, %mul3A_279 : i32
      %add3A_281 = arith.constant 2 : i32
      %add3A_282 = arith.addi %mul3A_280, %add3A_281 : i32
      %dma_wait3A_283 = arith.constant 2 : i32
      %dma_wait3A_284 = arith.constant 0 : i32
      %dma_wait3A_285 = arith.constant 0 : i32
      %dma_wait3A_286 = tpu.memref_slice %arg10[%dma_wait3A_283, %dma_wait3A_284, %dma_wait3A_285] : memref<6x128x64xf32, #tpu.memory_space<vmem>> -> memref<1x128x64xf32, #tpu.memory_space<vmem>>
      %dma_wait3A_287 = tpu.memref_squeeze %dma_wait3A_286 : memref<1x128x64xf32, #tpu.memory_space<vmem>> -> memref<128x64xf32, #tpu.memory_space<vmem>>
      %dma_wait3A_288 = arith.constant 0 : i32
      %dma_wait3A_289 = tpu.memref_slice %arg6[%add3A_282, %dma_wait3A_288] : memref<78x128xi32, #tpu.memory_space<vmem>> -> memref<1x128xi32, #tpu.memory_space<vmem>>
      %dma_wait3A_290 = tpu.memref_squeeze %dma_wait3A_289 : memref<1x128xi32, #tpu.memory_space<vmem>> -> memref<128xi32, #tpu.memory_space<vmem>>
      %dma_wait3A_291 = arith.constant 0 : i32
      %dma_wait3A_292 = arith.constant 0 : i32
      %dma_wait3A_293 = tpu.memref_slice %arg3[%dma_wait3A_291, %dma_wait3A_292] : memref<10000x64xf32, #tpu.memory_space<hbm>> -> memref<10000x64xf32, #tpu.memory_space<hbm>>
      tpu.wait_indirect_dma semaphore(%arg15 : memref<!tpu.dma_semaphore, #tpu.memory_space<semaphore_mem>>) src(%dma_wait3A_293 : memref<10000x64xf32, #tpu.memory_space<hbm>>) dst(%dma_wait3A_287 : memref<128x64xf32, #tpu.memory_space<vmem>>)
      %mul3A_294 = arith.constant 6 : i32
      %mul3A_295 = arith.muli %scan3A_218, %mul3A_294 : i32
      %add3A_296 = arith.constant 2 : i32
      %add3A_297 = arith.addi %mul3A_295, %add3A_296 : i32
      %dma_start3A_298 = arith.constant 2 : i32
      %dma_start3A_299 = arith.constant 0 : i32
      %dma_start3A_300 = arith.constant 0 : i32
      %dma_start3A_301 = tpu.memref_slice %arg10[%dma_start3A_298, %dma_start3A_299, %dma_start3A_300] : memref<6x128x64xf32, #tpu.memory_space<vmem>> -> memref<1x128x64xf32, #tpu.memory_space<vmem>>
      %dma_start3A_302 = tpu.memref_squeeze %dma_start3A_301 : memref<1x128x64xf32, #tpu.memory_space<vmem>> -> memref<128x64xf32, #tpu.memory_space<vmem>>
      %dma_start3A_303 = arith.constant 0 : i32
      %dma_start3A_304 = tpu.memref_slice %arg8[%add3A_297, %dma_start3A_303] : memref<78x128xi32, #tpu.memory_space<vmem>> -> memref<1x128xi32, #tpu.memory_space<vmem>>
      %dma_start3A_305 = tpu.memref_squeeze %dma_start3A_304 : memref<1x128xi32, #tpu.memory_space<vmem>> -> memref<128xi32, #tpu.memory_space<vmem>>
      %dma_start3A_306 = arith.constant 0 : i32
      %dma_start3A_307 = arith.constant 0 : i32
      %dma_start3A_308 = tpu.memref_slice %arg11[%dma_start3A_306, %dma_start3A_307] : memref<10112x64xf32, #tpu.memory_space<vmem_shared>> -> memref<10112x64xf32, #tpu.memory_space<vmem_shared>>
      tpu.enqueue_indirect_dma source(%dma_start3A_302 : memref<128x64xf32, #tpu.memory_space<vmem>>) target(%dma_start3A_308 : memref<10112x64xf32, #tpu.memory_space<vmem_shared>>) offsets(%dma_start3A_305 : memref<128xi32, #tpu.memory_space<vmem>>) semaphore(%arg21 : memref<!tpu.dma_semaphore, #tpu.memory_space<semaphore_mem>>) {add = true}
      %mul3A_309 = arith.constant 6 : i32
      %mul3A_310 = arith.muli %scan3A_218, %mul3A_309 : i32
      %add3A_311 = arith.constant 3 : i32
      %add3A_312 = arith.addi %mul3A_310, %add3A_311 : i32
      %dma_wait3A_313 = arith.constant 3 : i32
      %dma_wait3A_314 = arith.constant 0 : i32
      %dma_wait3A_315 = arith.constant 0 : i32
      %dma_wait3A_316 = tpu.memref_slice %arg10[%dma_wait3A_313, %dma_wait3A_314, %dma_wait3A_315] : memref<6x128x64xf32, #tpu.memory_space<vmem>> -> memref<1x128x64xf32, #tpu.memory_space<vmem>>
      %dma_wait3A_317 = tpu.memref_squeeze %dma_wait3A_316 : memref<1x128x64xf32, #tpu.memory_space<vmem>> -> memref<128x64xf32, #tpu.memory_space<vmem>>
      %dma_wait3A_318 = arith.constant 0 : i32
      %dma_wait3A_319 = tpu.memref_slice %arg6[%add3A_312, %dma_wait3A_318] : memref<78x128xi32, #tpu.memory_space<vmem>> -> memref<1x128xi32, #tpu.memory_space<vmem>>
      %dma_wait3A_320 = tpu.memref_squeeze %dma_wait3A_319 : memref<1x128xi32, #tpu.memory_space<vmem>> -> memref<128xi32, #tpu.memory_space<vmem>>
      %dma_wait3A_321 = arith.constant 0 : i32
      %dma_wait3A_322 = arith.constant 0 : i32
      %dma_wait3A_323 = tpu.memref_slice %arg3[%dma_wait3A_321, %dma_wait3A_322] : memref<10000x64xf32, #tpu.memory_space<hbm>> -> memref<10000x64xf32, #tpu.memory_space<hbm>>
      tpu.wait_indirect_dma semaphore(%arg16 : memref<!tpu.dma_semaphore, #tpu.memory_space<semaphore_mem>>) src(%dma_wait3A_323 : memref<10000x64xf32, #tpu.memory_space<hbm>>) dst(%dma_wait3A_317 : memref<128x64xf32, #tpu.memory_space<vmem>>)
      %mul3A_324 = arith.constant 6 : i32
      %mul3A_325 = arith.muli %scan3A_218, %mul3A_324 : i32
      %add3A_326 = arith.constant 3 : i32
      %add3A_327 = arith.addi %mul3A_325, %add3A_326 : i32
      %dma_start3A_328 = arith.constant 3 : i32
      %dma_start3A_329 = arith.constant 0 : i32
      %dma_start3A_330 = arith.constant 0 : i32
      %dma_start3A_331 = tpu.memref_slice %arg10[%dma_start3A_328, %dma_start3A_329, %dma_start3A_330] : memref<6x128x64xf32, #tpu.memory_space<vmem>> -> memref<1x128x64xf32, #tpu.memory_space<vmem>>
      %dma_start3A_332 = tpu.memref_squeeze %dma_start3A_331 : memref<1x128x64xf32, #tpu.memory_space<vmem>> -> memref<128x64xf32, #tpu.memory_space<vmem>>
      %dma_start3A_333 = arith.constant 0 : i32
      %dma_start3A_334 = tpu.memref_slice %arg8[%add3A_327, %dma_start3A_333] : memref<78x128xi32, #tpu.memory_space<vmem>> -> memref<1x128xi32, #tpu.memory_space<vmem>>
      %dma_start3A_335 = tpu.memref_squeeze %dma_start3A_334 : memref<1x128xi32, #tpu.memory_space<vmem>> -> memref<128xi32, #tpu.memory_space<vmem>>
      %dma_start3A_336 = arith.constant 0 : i32
      %dma_start3A_337 = arith.constant 0 : i32
      %dma_start3A_338 = tpu.memref_slice %arg11[%dma_start3A_336, %dma_start3A_337] : memref<10112x64xf32, #tpu.memory_space<vmem_shared>> -> memref<10112x64xf32, #tpu.memory_space<vmem_shared>>
      tpu.enqueue_indirect_dma source(%dma_start3A_332 : memref<128x64xf32, #tpu.memory_space<vmem>>) target(%dma_start3A_338 : memref<10112x64xf32, #tpu.memory_space<vmem_shared>>) offsets(%dma_start3A_335 : memref<128xi32, #tpu.memory_space<vmem>>) semaphore(%arg22 : memref<!tpu.dma_semaphore, #tpu.memory_space<semaphore_mem>>) {add = true}
      %mul3A_339 = arith.constant 6 : i32
      %mul3A_340 = arith.muli %scan3A_218, %mul3A_339 : i32
      %add3A_341 = arith.constant 4 : i32
      %add3A_342 = arith.addi %mul3A_340, %add3A_341 : i32
      %dma_wait3A_343 = arith.constant 4 : i32
      %dma_wait3A_344 = arith.constant 0 : i32
      %dma_wait3A_345 = arith.constant 0 : i32
      %dma_wait3A_346 = tpu.memref_slice %arg10[%dma_wait3A_343, %dma_wait3A_344, %dma_wait3A_345] : memref<6x128x64xf32, #tpu.memory_space<vmem>> -> memref<1x128x64xf32, #tpu.memory_space<vmem>>
      %dma_wait3A_347 = tpu.memref_squeeze %dma_wait3A_346 : memref<1x128x64xf32, #tpu.memory_space<vmem>> -> memref<128x64xf32, #tpu.memory_space<vmem>>
      %dma_wait3A_348 = arith.constant 0 : i32
      %dma_wait3A_349 = tpu.memref_slice %arg6[%add3A_342, %dma_wait3A_348] : memref<78x128xi32, #tpu.memory_space<vmem>> -> memref<1x128xi32, #tpu.memory_space<vmem>>
      %dma_wait3A_350 = tpu.memref_squeeze %dma_wait3A_349 : memref<1x128xi32, #tpu.memory_space<vmem>> -> memref<128xi32, #tpu.memory_space<vmem>>
      %dma_wait3A_351 = arith.constant 0 : i32
      %dma_wait3A_352 = arith.constant 0 : i32
      %dma_wait3A_353 = tpu.memref_slice %arg3[%dma_wait3A_351, %dma_wait3A_352] : memref<10000x64xf32, #tpu.memory_space<hbm>> -> memref<10000x64xf32, #tpu.memory_space<hbm>>
      tpu.wait_indirect_dma semaphore(%arg17 : memref<!tpu.dma_semaphore, #tpu.memory_space<semaphore_mem>>) src(%dma_wait3A_353 : memref<10000x64xf32, #tpu.memory_space<hbm>>) dst(%dma_wait3A_347 : memref<128x64xf32, #tpu.memory_space<vmem>>)
      %mul3A_354 = arith.constant 6 : i32
      %mul3A_355 = arith.muli %scan3A_218, %mul3A_354 : i32
      %add3A_356 = arith.constant 4 : i32
      %add3A_357 = arith.addi %mul3A_355, %add3A_356 : i32
      %dma_start3A_358 = arith.constant 4 : i32
      %dma_start3A_359 = arith.constant 0 : i32
      %dma_start3A_360 = arith.constant 0 : i32
      %dma_start3A_361 = tpu.memref_slice %arg10[%dma_start3A_358, %dma_start3A_359, %dma_start3A_360] : memref<6x128x64xf32, #tpu.memory_space<vmem>> -> memref<1x128x64xf32, #tpu.memory_space<vmem>>
      %dma_start3A_362 = tpu.memref_squeeze %dma_start3A_361 : memref<1x128x64xf32, #tpu.memory_space<vmem>> -> memref<128x64xf32, #tpu.memory_space<vmem>>
      %dma_start3A_363 = arith.constant 0 : i32
      %dma_start3A_364 = tpu.memref_slice %arg8[%add3A_357, %dma_start3A_363] : memref<78x128xi32, #tpu.memory_space<vmem>> -> memref<1x128xi32, #tpu.memory_space<vmem>>
      %dma_start3A_365 = tpu.memref_squeeze %dma_start3A_364 : memref<1x128xi32, #tpu.memory_space<vmem>> -> memref<128xi32, #tpu.memory_space<vmem>>
      %dma_start3A_366 = arith.constant 0 : i32
      %dma_start3A_367 = arith.constant 0 : i32
      %dma_start3A_368 = tpu.memref_slice %arg11[%dma_start3A_366, %dma_start3A_367] : memref<10112x64xf32, #tpu.memory_space<vmem_shared>> -> memref<10112x64xf32, #tpu.memory_space<vmem_shared>>
      tpu.enqueue_indirect_dma source(%dma_start3A_362 : memref<128x64xf32, #tpu.memory_space<vmem>>) target(%dma_start3A_368 : memref<10112x64xf32, #tpu.memory_space<vmem_shared>>) offsets(%dma_start3A_365 : memref<128xi32, #tpu.memory_space<vmem>>) semaphore(%arg23 : memref<!tpu.dma_semaphore, #tpu.memory_space<semaphore_mem>>) {add = true}
      %mul3A_369 = arith.constant 6 : i32
      %mul3A_370 = arith.muli %scan3A_218, %mul3A_369 : i32
      %add3A_371 = arith.constant 5 : i32
      %add3A_372 = arith.addi %mul3A_370, %add3A_371 : i32
      %dma_wait3A_373 = arith.constant 5 : i32
      %dma_wait3A_374 = arith.constant 0 : i32
      %dma_wait3A_375 = arith.constant 0 : i32
      %dma_wait3A_376 = tpu.memref_slice %arg10[%dma_wait3A_373, %dma_wait3A_374, %dma_wait3A_375] : memref<6x128x64xf32, #tpu.memory_space<vmem>> -> memref<1x128x64xf32, #tpu.memory_space<vmem>>
      %dma_wait3A_377 = tpu.memref_squeeze %dma_wait3A_376 : memref<1x128x64xf32, #tpu.memory_space<vmem>> -> memref<128x64xf32, #tpu.memory_space<vmem>>
      %dma_wait3A_378 = arith.constant 0 : i32
      %dma_wait3A_379 = tpu.memref_slice %arg6[%add3A_372, %dma_wait3A_378] : memref<78x128xi32, #tpu.memory_space<vmem>> -> memref<1x128xi32, #tpu.memory_space<vmem>>
      %dma_wait3A_380 = tpu.memref_squeeze %dma_wait3A_379 : memref<1x128xi32, #tpu.memory_space<vmem>> -> memref<128xi32, #tpu.memory_space<vmem>>
      %dma_wait3A_381 = arith.constant 0 : i32
      %dma_wait3A_382 = arith.constant 0 : i32
      %dma_wait3A_383 = tpu.memref_slice %arg3[%dma_wait3A_381, %dma_wait3A_382] : memref<10000x64xf32, #tpu.memory_space<hbm>> -> memref<10000x64xf32, #tpu.memory_space<hbm>>
      tpu.wait_indirect_dma semaphore(%arg18 : memref<!tpu.dma_semaphore, #tpu.memory_space<semaphore_mem>>) src(%dma_wait3A_383 : memref<10000x64xf32, #tpu.memory_space<hbm>>) dst(%dma_wait3A_377 : memref<128x64xf32, #tpu.memory_space<vmem>>)
      %mul3A_384 = arith.constant 6 : i32
      %mul3A_385 = arith.muli %scan3A_218, %mul3A_384 : i32
      %add3A_386 = arith.constant 5 : i32
      %add3A_387 = arith.addi %mul3A_385, %add3A_386 : i32
      %dma_start3A_388 = arith.constant 5 : i32
      %dma_start3A_389 = arith.constant 0 : i32
      %dma_start3A_390 = arith.constant 0 : i32
      %dma_start3A_391 = tpu.memref_slice %arg10[%dma_start3A_388, %dma_start3A_389, %dma_start3A_390] : memref<6x128x64xf32, #tpu.memory_space<vmem>> -> memref<1x128x64xf32, #tpu.memory_space<vmem>>
      %dma_start3A_392 = tpu.memref_squeeze %dma_start3A_391 : memref<1x128x64xf32, #tpu.memory_space<vmem>> -> memref<128x64xf32, #tpu.memory_space<vmem>>
      %dma_start3A_393 = arith.constant 0 : i32
      %dma_start3A_394 = tpu.memref_slice %arg8[%add3A_387, %dma_start3A_393] : memref<78x128xi32, #tpu.memory_space<vmem>> -> memref<1x128xi32, #tpu.memory_space<vmem>>
      %dma_start3A_395 = tpu.memref_squeeze %dma_start3A_394 : memref<1x128xi32, #tpu.memory_space<vmem>> -> memref<128xi32, #tpu.memory_space<vmem>>
      %dma_start3A_396 = arith.constant 0 : i32
      %dma_start3A_397 = arith.constant 0 : i32
      %dma_start3A_398 = tpu.memref_slice %arg11[%dma_start3A_396, %dma_start3A_397] : memref<10112x64xf32, #tpu.memory_space<vmem_shared>> -> memref<10112x64xf32, #tpu.memory_space<vmem_shared>>
      tpu.enqueue_indirect_dma source(%dma_start3A_392 : memref<128x64xf32, #tpu.memory_space<vmem>>) target(%dma_start3A_398 : memref<10112x64xf32, #tpu.memory_space<vmem_shared>>) offsets(%dma_start3A_395 : memref<128xi32, #tpu.memory_space<vmem>>) semaphore(%arg24 : memref<!tpu.dma_semaphore, #tpu.memory_space<semaphore_mem>>) {add = true}
      %lt3A_399 = arith.constant 12 : i32
      %lt3A_400 = arith.cmpi slt, %scan3A_218, %lt3A_399 : i32
      %convert_element_type3A_401 = arith.extui %lt3A_400 : i1 to i32
      %cond3A_402 = arith.constant 0 : i32
      %cond3A_403 = arith.cmpi ne, %convert_element_type3A_401, %cond3A_402 : i32
      scf.if %cond3A_403 {
        %mul3A_404 = arith.constant 6 : i32
        %mul3A_405 = arith.muli %scan3A_218, %mul3A_404 : i32
        %add3A_406 = arith.constant 0 : i32
        %add3A_407 = arith.addi %mul3A_405, %add3A_406 : i32
        %dma_wait3A_408 = arith.constant 0 : i32
        %dma_wait3A_409 = arith.constant 0 : i32
        %dma_wait3A_410 = arith.constant 0 : i32
        %dma_wait3A_411 = tpu.memref_slice %arg10[%dma_wait3A_408, %dma_wait3A_409, %dma_wait3A_410] : memref<6x128x64xf32, #tpu.memory_space<vmem>> -> memref<1x128x64xf32, #tpu.memory_space<vmem>>
        %dma_wait3A_412 = tpu.memref_squeeze %dma_wait3A_411 : memref<1x128x64xf32, #tpu.memory_space<vmem>> -> memref<128x64xf32, #tpu.memory_space<vmem>>
        %dma_wait3A_413 = arith.constant 0 : i32
        %dma_wait3A_414 = tpu.memref_slice %arg8[%add3A_407, %dma_wait3A_413] : memref<78x128xi32, #tpu.memory_space<vmem>> -> memref<1x128xi32, #tpu.memory_space<vmem>>
        %dma_wait3A_415 = tpu.memref_squeeze %dma_wait3A_414 : memref<1x128xi32, #tpu.memory_space<vmem>> -> memref<128xi32, #tpu.memory_space<vmem>>
        %dma_wait3A_416 = arith.constant 0 : i32
        %dma_wait3A_417 = arith.constant 0 : i32
        %dma_wait3A_418 = tpu.memref_slice %arg11[%dma_wait3A_416, %dma_wait3A_417] : memref<10112x64xf32, #tpu.memory_space<vmem_shared>> -> memref<10112x64xf32, #tpu.memory_space<vmem_shared>>
        tpu.wait_indirect_dma semaphore(%arg19 : memref<!tpu.dma_semaphore, #tpu.memory_space<semaphore_mem>>) src(%dma_wait3A_412 : memref<128x64xf32, #tpu.memory_space<vmem>>) dst(%dma_wait3A_418 : memref<10112x64xf32, #tpu.memory_space<vmem_shared>>)
        %add3A_419 = arith.constant 1 : i32
        %add3A_420 = arith.addi %scan3A_218, %add3A_419 : i32
        %mul3A_421 = arith.constant 6 : i32
        %mul3A_422 = arith.muli %add3A_420, %mul3A_421 : i32
        %add3A_423 = arith.constant 0 : i32
        %add3A_424 = arith.addi %mul3A_422, %add3A_423 : i32
        %dma_start3A_425 = arith.constant 0 : i32
        %dma_start3A_426 = arith.constant 0 : i32
        %dma_start3A_427 = arith.constant 0 : i32
        %dma_start3A_428 = tpu.memref_slice %arg10[%dma_start3A_425, %dma_start3A_426, %dma_start3A_427] : memref<6x128x64xf32, #tpu.memory_space<vmem>> -> memref<1x128x64xf32, #tpu.memory_space<vmem>>
        %dma_start3A_429 = tpu.memref_squeeze %dma_start3A_428 : memref<1x128x64xf32, #tpu.memory_space<vmem>> -> memref<128x64xf32, #tpu.memory_space<vmem>>
        %dma_start3A_430 = arith.constant 0 : i32
        %dma_start3A_431 = tpu.memref_slice %arg6[%add3A_424, %dma_start3A_430] : memref<78x128xi32, #tpu.memory_space<vmem>> -> memref<1x128xi32, #tpu.memory_space<vmem>>
        %dma_start3A_432 = tpu.memref_squeeze %dma_start3A_431 : memref<1x128xi32, #tpu.memory_space<vmem>> -> memref<128xi32, #tpu.memory_space<vmem>>
        %dma_start3A_433 = arith.constant 0 : i32
        %dma_start3A_434 = arith.constant 0 : i32
        %dma_start3A_435 = tpu.memref_slice %arg3[%dma_start3A_433, %dma_start3A_434] : memref<10000x64xf32, #tpu.memory_space<hbm>> -> memref<10000x64xf32, #tpu.memory_space<hbm>>
        tpu.enqueue_indirect_dma source(%dma_start3A_435 : memref<10000x64xf32, #tpu.memory_space<hbm>>) target(%dma_start3A_429 : memref<128x64xf32, #tpu.memory_space<vmem>>) offsets(%dma_start3A_432 : memref<128xi32, #tpu.memory_space<vmem>>) semaphore(%arg13 : memref<!tpu.dma_semaphore, #tpu.memory_space<semaphore_mem>>)
        %mul3A_436 = arith.constant 6 : i32
        %mul3A_437 = arith.muli %scan3A_218, %mul3A_436 : i32
        %add3A_438 = arith.constant 1 : i32
        %add3A_439 = arith.addi %mul3A_437, %add3A_438 : i32
        %dma_wait3A_440 = arith.constant 1 : i32
        %dma_wait3A_441 = arith.constant 0 : i32
        %dma_wait3A_442 = arith.constant 0 : i32
        %dma_wait3A_443 = tpu.memref_slice %arg10[%dma_wait3A_440, %dma_wait3A_441, %dma_wait3A_442] : memref<6x128x64xf32, #tpu.memory_space<vmem>> -> memref<1x128x64xf32, #tpu.memory_space<vmem>>
        %dma_wait3A_444 = tpu.memref_squeeze %dma_wait3A_443 : memref<1x128x64xf32, #tpu.memory_space<vmem>> -> memref<128x64xf32, #tpu.memory_space<vmem>>
        %dma_wait3A_445 = arith.constant 0 : i32
        %dma_wait3A_446 = tpu.memref_slice %arg8[%add3A_439, %dma_wait3A_445] : memref<78x128xi32, #tpu.memory_space<vmem>> -> memref<1x128xi32, #tpu.memory_space<vmem>>
        %dma_wait3A_447 = tpu.memref_squeeze %dma_wait3A_446 : memref<1x128xi32, #tpu.memory_space<vmem>> -> memref<128xi32, #tpu.memory_space<vmem>>
        %dma_wait3A_448 = arith.constant 0 : i32
        %dma_wait3A_449 = arith.constant 0 : i32
        %dma_wait3A_450 = tpu.memref_slice %arg11[%dma_wait3A_448, %dma_wait3A_449] : memref<10112x64xf32, #tpu.memory_space<vmem_shared>> -> memref<10112x64xf32, #tpu.memory_space<vmem_shared>>
        tpu.wait_indirect_dma semaphore(%arg20 : memref<!tpu.dma_semaphore, #tpu.memory_space<semaphore_mem>>) src(%dma_wait3A_444 : memref<128x64xf32, #tpu.memory_space<vmem>>) dst(%dma_wait3A_450 : memref<10112x64xf32, #tpu.memory_space<vmem_shared>>)
        %add3A_451 = arith.constant 1 : i32
        %add3A_452 = arith.addi %scan3A_218, %add3A_451 : i32
        %mul3A_453 = arith.constant 6 : i32
        %mul3A_454 = arith.muli %add3A_452, %mul3A_453 : i32
        %add3A_455 = arith.constant 1 : i32
        %add3A_456 = arith.addi %mul3A_454, %add3A_455 : i32
        %dma_start3A_457 = arith.constant 1 : i32
        %dma_start3A_458 = arith.constant 0 : i32
        %dma_start3A_459 = arith.constant 0 : i32
        %dma_start3A_460 = tpu.memref_slice %arg10[%dma_start3A_457, %dma_start3A_458, %dma_start3A_459] : memref<6x128x64xf32, #tpu.memory_space<vmem>> -> memref<1x128x64xf32, #tpu.memory_space<vmem>>
        %dma_start3A_461 = tpu.memref_squeeze %dma_start3A_460 : memref<1x128x64xf32, #tpu.memory_space<vmem>> -> memref<128x64xf32, #tpu.memory_space<vmem>>
        %dma_start3A_462 = arith.constant 0 : i32
        %dma_start3A_463 = tpu.memref_slice %arg6[%add3A_456, %dma_start3A_462] : memref<78x128xi32, #tpu.memory_space<vmem>> -> memref<1x128xi32, #tpu.memory_space<vmem>>
        %dma_start3A_464 = tpu.memref_squeeze %dma_start3A_463 : memref<1x128xi32, #tpu.memory_space<vmem>> -> memref<128xi32, #tpu.memory_space<vmem>>
        %dma_start3A_465 = arith.constant 0 : i32
        %dma_start3A_466 = arith.constant 0 : i32
        %dma_start3A_467 = tpu.memref_slice %arg3[%dma_start3A_465, %dma_start3A_466] : memref<10000x64xf32, #tpu.memory_space<hbm>> -> memref<10000x64xf32, #tpu.memory_space<hbm>>
        tpu.enqueue_indirect_dma source(%dma_start3A_467 : memref<10000x64xf32, #tpu.memory_space<hbm>>) target(%dma_start3A_461 : memref<128x64xf32, #tpu.memory_space<vmem>>) offsets(%dma_start3A_464 : memref<128xi32, #tpu.memory_space<vmem>>) semaphore(%arg14 : memref<!tpu.dma_semaphore, #tpu.memory_space<semaphore_mem>>)
        %mul3A_468 = arith.constant 6 : i32
        %mul3A_469 = arith.muli %scan3A_218, %mul3A_468 : i32
        %add3A_470 = arith.constant 2 : i32
        %add3A_471 = arith.addi %mul3A_469, %add3A_470 : i32
        %dma_wait3A_472 = arith.constant 2 : i32
        %dma_wait3A_473 = arith.constant 0 : i32
        %dma_wait3A_474 = arith.constant 0 : i32
        %dma_wait3A_475 = tpu.memref_slice %arg10[%dma_wait3A_472, %dma_wait3A_473, %dma_wait3A_474] : memref<6x128x64xf32, #tpu.memory_space<vmem>> -> memref<1x128x64xf32, #tpu.memory_space<vmem>>
        %dma_wait3A_476 = tpu.memref_squeeze %dma_wait3A_475 : memref<1x128x64xf32, #tpu.memory_space<vmem>> -> memref<128x64xf32, #tpu.memory_space<vmem>>
        %dma_wait3A_477 = arith.constant 0 : i32
        %dma_wait3A_478 = tpu.memref_slice %arg8[%add3A_471, %dma_wait3A_477] : memref<78x128xi32, #tpu.memory_space<vmem>> -> memref<1x128xi32, #tpu.memory_space<vmem>>
        %dma_wait3A_479 = tpu.memref_squeeze %dma_wait3A_478 : memref<1x128xi32, #tpu.memory_space<vmem>> -> memref<128xi32, #tpu.memory_space<vmem>>
        %dma_wait3A_480 = arith.constant 0 : i32
        %dma_wait3A_481 = arith.constant 0 : i32
        %dma_wait3A_482 = tpu.memref_slice %arg11[%dma_wait3A_480, %dma_wait3A_481] : memref<10112x64xf32, #tpu.memory_space<vmem_shared>> -> memref<10112x64xf32, #tpu.memory_space<vmem_shared>>
        tpu.wait_indirect_dma semaphore(%arg21 : memref<!tpu.dma_semaphore, #tpu.memory_space<semaphore_mem>>) src(%dma_wait3A_476 : memref<128x64xf32, #tpu.memory_space<vmem>>) dst(%dma_wait3A_482 : memref<10112x64xf32, #tpu.memory_space<vmem_shared>>)
        %add3A_483 = arith.constant 1 : i32
        %add3A_484 = arith.addi %scan3A_218, %add3A_483 : i32
        %mul3A_485 = arith.constant 6 : i32
        %mul3A_486 = arith.muli %add3A_484, %mul3A_485 : i32
        %add3A_487 = arith.constant 2 : i32
        %add3A_488 = arith.addi %mul3A_486, %add3A_487 : i32
        %dma_start3A_489 = arith.constant 2 : i32
        %dma_start3A_490 = arith.constant 0 : i32
        %dma_start3A_491 = arith.constant 0 : i32
        %dma_start3A_492 = tpu.memref_slice %arg10[%dma_start3A_489, %dma_start3A_490, %dma_start3A_491] : memref<6x128x64xf32, #tpu.memory_space<vmem>> -> memref<1x128x64xf32, #tpu.memory_space<vmem>>
        %dma_start3A_493 = tpu.memref_squeeze %dma_start3A_492 : memref<1x128x64xf32, #tpu.memory_space<vmem>> -> memref<128x64xf32, #tpu.memory_space<vmem>>
        %dma_start3A_494 = arith.constant 0 : i32
        %dma_start3A_495 = tpu.memref_slice %arg6[%add3A_488, %dma_start3A_494] : memref<78x128xi32, #tpu.memory_space<vmem>> -> memref<1x128xi32, #tpu.memory_space<vmem>>
        %dma_start3A_496 = tpu.memref_squeeze %dma_start3A_495 : memref<1x128xi32, #tpu.memory_space<vmem>> -> memref<128xi32, #tpu.memory_space<vmem>>
        %dma_start3A_497 = arith.constant 0 : i32
        %dma_start3A_498 = arith.constant 0 : i32
        %dma_start3A_499 = tpu.memref_slice %arg3[%dma_start3A_497, %dma_start3A_498] : memref<10000x64xf32, #tpu.memory_space<hbm>> -> memref<10000x64xf32, #tpu.memory_space<hbm>>
        tpu.enqueue_indirect_dma source(%dma_start3A_499 : memref<10000x64xf32, #tpu.memory_space<hbm>>) target(%dma_start3A_493 : memref<128x64xf32, #tpu.memory_space<vmem>>) offsets(%dma_start3A_496 : memref<128xi32, #tpu.memory_space<vmem>>) semaphore(%arg15 : memref<!tpu.dma_semaphore, #tpu.memory_space<semaphore_mem>>)
        %mul3A_500 = arith.constant 6 : i32
        %mul3A_501 = arith.muli %scan3A_218, %mul3A_500 : i32
        %add3A_502 = arith.constant 3 : i32
        %add3A_503 = arith.addi %mul3A_501, %add3A_502 : i32
        %dma_wait3A_504 = arith.constant 3 : i32
        %dma_wait3A_505 = arith.constant 0 : i32
        %dma_wait3A_506 = arith.constant 0 : i32
        %dma_wait3A_507 = tpu.memref_slice %arg10[%dma_wait3A_504, %dma_wait3A_505, %dma_wait3A_506] : memref<6x128x64xf32, #tpu.memory_space<vmem>> -> memref<1x128x64xf32, #tpu.memory_space<vmem>>
        %dma_wait3A_508 = tpu.memref_squeeze %dma_wait3A_507 : memref<1x128x64xf32, #tpu.memory_space<vmem>> -> memref<128x64xf32, #tpu.memory_space<vmem>>
        %dma_wait3A_509 = arith.constant 0 : i32
        %dma_wait3A_510 = tpu.memref_slice %arg8[%add3A_503, %dma_wait3A_509] : memref<78x128xi32, #tpu.memory_space<vmem>> -> memref<1x128xi32, #tpu.memory_space<vmem>>
        %dma_wait3A_511 = tpu.memref_squeeze %dma_wait3A_510 : memref<1x128xi32, #tpu.memory_space<vmem>> -> memref<128xi32, #tpu.memory_space<vmem>>
        %dma_wait3A_512 = arith.constant 0 : i32
        %dma_wait3A_513 = arith.constant 0 : i32
        %dma_wait3A_514 = tpu.memref_slice %arg11[%dma_wait3A_512, %dma_wait3A_513] : memref<10112x64xf32, #tpu.memory_space<vmem_shared>> -> memref<10112x64xf32, #tpu.memory_space<vmem_shared>>
        tpu.wait_indirect_dma semaphore(%arg22 : memref<!tpu.dma_semaphore, #tpu.memory_space<semaphore_mem>>) src(%dma_wait3A_508 : memref<128x64xf32, #tpu.memory_space<vmem>>) dst(%dma_wait3A_514 : memref<10112x64xf32, #tpu.memory_space<vmem_shared>>)
        %add3A_515 = arith.constant 1 : i32
        %add3A_516 = arith.addi %scan3A_218, %add3A_515 : i32
        %mul3A_517 = arith.constant 6 : i32
        %mul3A_518 = arith.muli %add3A_516, %mul3A_517 : i32
        %add3A_519 = arith.constant 3 : i32
        %add3A_520 = arith.addi %mul3A_518, %add3A_519 : i32
        %dma_start3A_521 = arith.constant 3 : i32
        %dma_start3A_522 = arith.constant 0 : i32
        %dma_start3A_523 = arith.constant 0 : i32
        %dma_start3A_524 = tpu.memref_slice %arg10[%dma_start3A_521, %dma_start3A_522, %dma_start3A_523] : memref<6x128x64xf32, #tpu.memory_space<vmem>> -> memref<1x128x64xf32, #tpu.memory_space<vmem>>
        %dma_start3A_525 = tpu.memref_squeeze %dma_start3A_524 : memref<1x128x64xf32, #tpu.memory_space<vmem>> -> memref<128x64xf32, #tpu.memory_space<vmem>>
        %dma_start3A_526 = arith.constant 0 : i32
        %dma_start3A_527 = tpu.memref_slice %arg6[%add3A_520, %dma_start3A_526] : memref<78x128xi32, #tpu.memory_space<vmem>> -> memref<1x128xi32, #tpu.memory_space<vmem>>
        %dma_start3A_528 = tpu.memref_squeeze %dma_start3A_527 : memref<1x128xi32, #tpu.memory_space<vmem>> -> memref<128xi32, #tpu.memory_space<vmem>>
        %dma_start3A_529 = arith.constant 0 : i32
        %dma_start3A_530 = arith.constant 0 : i32
        %dma_start3A_531 = tpu.memref_slice %arg3[%dma_start3A_529, %dma_start3A_530] : memref<10000x64xf32, #tpu.memory_space<hbm>> -> memref<10000x64xf32, #tpu.memory_space<hbm>>
        tpu.enqueue_indirect_dma source(%dma_start3A_531 : memref<10000x64xf32, #tpu.memory_space<hbm>>) target(%dma_start3A_525 : memref<128x64xf32, #tpu.memory_space<vmem>>) offsets(%dma_start3A_528 : memref<128xi32, #tpu.memory_space<vmem>>) semaphore(%arg16 : memref<!tpu.dma_semaphore, #tpu.memory_space<semaphore_mem>>)
        %mul3A_532 = arith.constant 6 : i32
        %mul3A_533 = arith.muli %scan3A_218, %mul3A_532 : i32
        %add3A_534 = arith.constant 4 : i32
        %add3A_535 = arith.addi %mul3A_533, %add3A_534 : i32
        %dma_wait3A_536 = arith.constant 4 : i32
        %dma_wait3A_537 = arith.constant 0 : i32
        %dma_wait3A_538 = arith.constant 0 : i32
        %dma_wait3A_539 = tpu.memref_slice %arg10[%dma_wait3A_536, %dma_wait3A_537, %dma_wait3A_538] : memref<6x128x64xf32, #tpu.memory_space<vmem>> -> memref<1x128x64xf32, #tpu.memory_space<vmem>>
        %dma_wait3A_540 = tpu.memref_squeeze %dma_wait3A_539 : memref<1x128x64xf32, #tpu.memory_space<vmem>> -> memref<128x64xf32, #tpu.memory_space<vmem>>
        %dma_wait3A_541 = arith.constant 0 : i32
        %dma_wait3A_542 = tpu.memref_slice %arg8[%add3A_535, %dma_wait3A_541] : memref<78x128xi32, #tpu.memory_space<vmem>> -> memref<1x128xi32, #tpu.memory_space<vmem>>
        %dma_wait3A_543 = tpu.memref_squeeze %dma_wait3A_542 : memref<1x128xi32, #tpu.memory_space<vmem>> -> memref<128xi32, #tpu.memory_space<vmem>>
        %dma_wait3A_544 = arith.constant 0 : i32
        %dma_wait3A_545 = arith.constant 0 : i32
        %dma_wait3A_546 = tpu.memref_slice %arg11[%dma_wait3A_544, %dma_wait3A_545] : memref<10112x64xf32, #tpu.memory_space<vmem_shared>> -> memref<10112x64xf32, #tpu.memory_space<vmem_shared>>
        tpu.wait_indirect_dma semaphore(%arg23 : memref<!tpu.dma_semaphore, #tpu.memory_space<semaphore_mem>>) src(%dma_wait3A_540 : memref<128x64xf32, #tpu.memory_space<vmem>>) dst(%dma_wait3A_546 : memref<10112x64xf32, #tpu.memory_space<vmem_shared>>)
        %add3A_547 = arith.constant 1 : i32
        %add3A_548 = arith.addi %scan3A_218, %add3A_547 : i32
        %mul3A_549 = arith.constant 6 : i32
        %mul3A_550 = arith.muli %add3A_548, %mul3A_549 : i32
        %add3A_551 = arith.constant 4 : i32
        %add3A_552 = arith.addi %mul3A_550, %add3A_551 : i32
        %dma_start3A_553 = arith.constant 4 : i32
        %dma_start3A_554 = arith.constant 0 : i32
        %dma_start3A_555 = arith.constant 0 : i32
        %dma_start3A_556 = tpu.memref_slice %arg10[%dma_start3A_553, %dma_start3A_554, %dma_start3A_555] : memref<6x128x64xf32, #tpu.memory_space<vmem>> -> memref<1x128x64xf32, #tpu.memory_space<vmem>>
        %dma_start3A_557 = tpu.memref_squeeze %dma_start3A_556 : memref<1x128x64xf32, #tpu.memory_space<vmem>> -> memref<128x64xf32, #tpu.memory_space<vmem>>
        %dma_start3A_558 = arith.constant 0 : i32
        %dma_start3A_559 = tpu.memref_slice %arg6[%add3A_552, %dma_start3A_558] : memref<78x128xi32, #tpu.memory_space<vmem>> -> memref<1x128xi32, #tpu.memory_space<vmem>>
        %dma_start3A_560 = tpu.memref_squeeze %dma_start3A_559 : memref<1x128xi32, #tpu.memory_space<vmem>> -> memref<128xi32, #tpu.memory_space<vmem>>
        %dma_start3A_561 = arith.constant 0 : i32
        %dma_start3A_562 = arith.constant 0 : i32
        %dma_start3A_563 = tpu.memref_slice %arg3[%dma_start3A_561, %dma_start3A_562] : memref<10000x64xf32, #tpu.memory_space<hbm>> -> memref<10000x64xf32, #tpu.memory_space<hbm>>
        tpu.enqueue_indirect_dma source(%dma_start3A_563 : memref<10000x64xf32, #tpu.memory_space<hbm>>) target(%dma_start3A_557 : memref<128x64xf32, #tpu.memory_space<vmem>>) offsets(%dma_start3A_560 : memref<128xi32, #tpu.memory_space<vmem>>) semaphore(%arg17 : memref<!tpu.dma_semaphore, #tpu.memory_space<semaphore_mem>>)
        %mul3A_564 = arith.constant 6 : i32
        %mul3A_565 = arith.muli %scan3A_218, %mul3A_564 : i32
        %add3A_566 = arith.constant 5 : i32
        %add3A_567 = arith.addi %mul3A_565, %add3A_566 : i32
        %dma_wait3A_568 = arith.constant 5 : i32
        %dma_wait3A_569 = arith.constant 0 : i32
        %dma_wait3A_570 = arith.constant 0 : i32
        %dma_wait3A_571 = tpu.memref_slice %arg10[%dma_wait3A_568, %dma_wait3A_569, %dma_wait3A_570] : memref<6x128x64xf32, #tpu.memory_space<vmem>> -> memref<1x128x64xf32, #tpu.memory_space<vmem>>
        %dma_wait3A_572 = tpu.memref_squeeze %dma_wait3A_571 : memref<1x128x64xf32, #tpu.memory_space<vmem>> -> memref<128x64xf32, #tpu.memory_space<vmem>>
        %dma_wait3A_573 = arith.constant 0 : i32
        %dma_wait3A_574 = tpu.memref_slice %arg8[%add3A_567, %dma_wait3A_573] : memref<78x128xi32, #tpu.memory_space<vmem>> -> memref<1x128xi32, #tpu.memory_space<vmem>>
        %dma_wait3A_575 = tpu.memref_squeeze %dma_wait3A_574 : memref<1x128xi32, #tpu.memory_space<vmem>> -> memref<128xi32, #tpu.memory_space<vmem>>
        %dma_wait3A_576 = arith.constant 0 : i32
        %dma_wait3A_577 = arith.constant 0 : i32
        %dma_wait3A_578 = tpu.memref_slice %arg11[%dma_wait3A_576, %dma_wait3A_577] : memref<10112x64xf32, #tpu.memory_space<vmem_shared>> -> memref<10112x64xf32, #tpu.memory_space<vmem_shared>>
        tpu.wait_indirect_dma semaphore(%arg24 : memref<!tpu.dma_semaphore, #tpu.memory_space<semaphore_mem>>) src(%dma_wait3A_572 : memref<128x64xf32, #tpu.memory_space<vmem>>) dst(%dma_wait3A_578 : memref<10112x64xf32, #tpu.memory_space<vmem_shared>>)
        %add3A_579 = arith.constant 1 : i32
        %add3A_580 = arith.addi %scan3A_218, %add3A_579 : i32
        %mul3A_581 = arith.constant 6 : i32
        %mul3A_582 = arith.muli %add3A_580, %mul3A_581 : i32
        %add3A_583 = arith.constant 5 : i32
        %add3A_584 = arith.addi %mul3A_582, %add3A_583 : i32
        %dma_start3A_585 = arith.constant 5 : i32
        %dma_start3A_586 = arith.constant 0 : i32
        %dma_start3A_587 = arith.constant 0 : i32
        %dma_start3A_588 = tpu.memref_slice %arg10[%dma_start3A_585, %dma_start3A_586, %dma_start3A_587] : memref<6x128x64xf32, #tpu.memory_space<vmem>> -> memref<1x128x64xf32, #tpu.memory_space<vmem>>
        %dma_start3A_589 = tpu.memref_squeeze %dma_start3A_588 : memref<1x128x64xf32, #tpu.memory_space<vmem>> -> memref<128x64xf32, #tpu.memory_space<vmem>>
        %dma_start3A_590 = arith.constant 0 : i32
        %dma_start3A_591 = tpu.memref_slice %arg6[%add3A_584, %dma_start3A_590] : memref<78x128xi32, #tpu.memory_space<vmem>> -> memref<1x128xi32, #tpu.memory_space<vmem>>
        %dma_start3A_592 = tpu.memref_squeeze %dma_start3A_591 : memref<1x128xi32, #tpu.memory_space<vmem>> -> memref<128xi32, #tpu.memory_space<vmem>>
        %dma_start3A_593 = arith.constant 0 : i32
        %dma_start3A_594 = arith.constant 0 : i32
        %dma_start3A_595 = tpu.memref_slice %arg3[%dma_start3A_593, %dma_start3A_594] : memref<10000x64xf32, #tpu.memory_space<hbm>> -> memref<10000x64xf32, #tpu.memory_space<hbm>>
        tpu.enqueue_indirect_dma source(%dma_start3A_595 : memref<10000x64xf32, #tpu.memory_space<hbm>>) target(%dma_start3A_589 : memref<128x64xf32, #tpu.memory_space<vmem>>) offsets(%dma_start3A_592 : memref<128xi32, #tpu.memory_space<vmem>>) semaphore(%arg18 : memref<!tpu.dma_semaphore, #tpu.memory_space<semaphore_mem>>)
      } else {
      }
    }
    %scan3A_136 = arith.constant 13 : i32
    %dma_wait3A_137 = arith.constant 0 : i32
    %dma_wait3A_138 = arith.constant 72 : i32
    %dma_wait3A_139 = arith.constant 0 : i32
    %dma_wait3A_140 = arith.constant 0 : i32
    %dma_wait3A_141 = tpu.memref_slice %arg10[%dma_wait3A_137, %dma_wait3A_139, %dma_wait3A_140] : memref<6x128x64xf32, #tpu.memory_space<vmem>> -> memref<1x128x64xf32, #tpu.memory_space<vmem>>
    %dma_wait3A_142 = tpu.memref_squeeze %dma_wait3A_141 : memref<1x128x64xf32, #tpu.memory_space<vmem>> -> memref<128x64xf32, #tpu.memory_space<vmem>>
    %dma_wait3A_143 = arith.constant 0 : i32
    %dma_wait3A_144 = tpu.memref_slice %arg8[%dma_wait3A_138, %dma_wait3A_143] : memref<78x128xi32, #tpu.memory_space<vmem>> -> memref<1x128xi32, #tpu.memory_space<vmem>>
    %dma_wait3A_145 = tpu.memref_squeeze %dma_wait3A_144 : memref<1x128xi32, #tpu.memory_space<vmem>> -> memref<128xi32, #tpu.memory_space<vmem>>
    %dma_wait3A_146 = arith.constant 0 : i32
    %dma_wait3A_147 = arith.constant 0 : i32
    %dma_wait3A_148 = tpu.memref_slice %arg11[%dma_wait3A_146, %dma_wait3A_147] : memref<10112x64xf32, #tpu.memory_space<vmem_shared>> -> memref<10112x64xf32, #tpu.memory_space<vmem_shared>>
    tpu.wait_indirect_dma semaphore(%arg19 : memref<!tpu.dma_semaphore, #tpu.memory_space<semaphore_mem>>) src(%dma_wait3A_142 : memref<128x64xf32, #tpu.memory_space<vmem>>) dst(%dma_wait3A_148 : memref<10112x64xf32, #tpu.memory_space<vmem_shared>>)
    %dma_wait3A_149 = arith.constant 1 : i32
    %dma_wait3A_150 = arith.constant 73 : i32
    %dma_wait3A_151 = arith.constant 0 : i32
    %dma_wait3A_152 = arith.constant 0 : i32
    %dma_wait3A_153 = tpu.memref_slice %arg10[%dma_wait3A_149, %dma_wait3A_151, %dma_wait3A_152] : memref<6x128x64xf32, #tpu.memory_space<vmem>> -> memref<1x128x64xf32, #tpu.memory_space<vmem>>
    %dma_wait3A_154 = tpu.memref_squeeze %dma_wait3A_153 : memref<1x128x64xf32, #tpu.memory_space<vmem>> -> memref<128x64xf32, #tpu.memory_space<vmem>>
    %dma_wait3A_155 = arith.constant 0 : i32
    %dma_wait3A_156 = tpu.memref_slice %arg8[%dma_wait3A_150, %dma_wait3A_155] : memref<78x128xi32, #tpu.memory_space<vmem>> -> memref<1x128xi32, #tpu.memory_space<vmem>>
    %dma_wait3A_157 = tpu.memref_squeeze %dma_wait3A_156 : memref<1x128xi32, #tpu.memory_space<vmem>> -> memref<128xi32, #tpu.memory_space<vmem>>
    %dma_wait3A_158 = arith.constant 0 : i32
    %dma_wait3A_159 = arith.constant 0 : i32
    %dma_wait3A_160 = tpu.memref_slice %arg11[%dma_wait3A_158, %dma_wait3A_159] : memref<10112x64xf32, #tpu.memory_space<vmem_shared>> -> memref<10112x64xf32, #tpu.memory_space<vmem_shared>>
    tpu.wait_indirect_dma semaphore(%arg20 : memref<!tpu.dma_semaphore, #tpu.memory_space<semaphore_mem>>) src(%dma_wait3A_154 : memref<128x64xf32, #tpu.memory_space<vmem>>) dst(%dma_wait3A_160 : memref<10112x64xf32, #tpu.memory_space<vmem_shared>>)
    %dma_wait3A_161 = arith.constant 2 : i32
    %dma_wait3A_162 = arith.constant 74 : i32
    %dma_wait3A_163 = arith.constant 0 : i32
    %dma_wait3A_164 = arith.constant 0 : i32
    %dma_wait3A_165 = tpu.memref_slice %arg10[%dma_wait3A_161, %dma_wait3A_163, %dma_wait3A_164] : memref<6x128x64xf32, #tpu.memory_space<vmem>> -> memref<1x128x64xf32, #tpu.memory_space<vmem>>
    %dma_wait3A_166 = tpu.memref_squeeze %dma_wait3A_165 : memref<1x128x64xf32, #tpu.memory_space<vmem>> -> memref<128x64xf32, #tpu.memory_space<vmem>>
    %dma_wait3A_167 = arith.constant 0 : i32
    %dma_wait3A_168 = tpu.memref_slice %arg8[%dma_wait3A_162, %dma_wait3A_167] : memref<78x128xi32, #tpu.memory_space<vmem>> -> memref<1x128xi32, #tpu.memory_space<vmem>>
    %dma_wait3A_169 = tpu.memref_squeeze %dma_wait3A_168 : memref<1x128xi32, #tpu.memory_space<vmem>> -> memref<128xi32, #tpu.memory_space<vmem>>
    %dma_wait3A_170 = arith.constant 0 : i32
    %dma_wait3A_171 = arith.constant 0 : i32
    %dma_wait3A_172 = tpu.memref_slice %arg11[%dma_wait3A_170, %dma_wait3A_171] : memref<10112x64xf32, #tpu.memory_space<vmem_shared>> -> memref<10112x64xf32, #tpu.memory_space<vmem_shared>>
    tpu.wait_indirect_dma semaphore(%arg21 : memref<!tpu.dma_semaphore, #tpu.memory_space<semaphore_mem>>) src(%dma_wait3A_166 : memref<128x64xf32, #tpu.memory_space<vmem>>) dst(%dma_wait3A_172 : memref<10112x64xf32, #tpu.memory_space<vmem_shared>>)
    %dma_wait3A_173 = arith.constant 3 : i32
    %dma_wait3A_174 = arith.constant 75 : i32
    %dma_wait3A_175 = arith.constant 0 : i32
    %dma_wait3A_176 = arith.constant 0 : i32
    %dma_wait3A_177 = tpu.memref_slice %arg10[%dma_wait3A_173, %dma_wait3A_175, %dma_wait3A_176] : memref<6x128x64xf32, #tpu.memory_space<vmem>> -> memref<1x128x64xf32, #tpu.memory_space<vmem>>
    %dma_wait3A_178 = tpu.memref_squeeze %dma_wait3A_177 : memref<1x128x64xf32, #tpu.memory_space<vmem>> -> memref<128x64xf32, #tpu.memory_space<vmem>>
    %dma_wait3A_179 = arith.constant 0 : i32
    %dma_wait3A_180 = tpu.memref_slice %arg8[%dma_wait3A_174, %dma_wait3A_179] : memref<78x128xi32, #tpu.memory_space<vmem>> -> memref<1x128xi32, #tpu.memory_space<vmem>>
    %dma_wait3A_181 = tpu.memref_squeeze %dma_wait3A_180 : memref<1x128xi32, #tpu.memory_space<vmem>> -> memref<128xi32, #tpu.memory_space<vmem>>
    %dma_wait3A_182 = arith.constant 0 : i32
    %dma_wait3A_183 = arith.constant 0 : i32
    %dma_wait3A_184 = tpu.memref_slice %arg11[%dma_wait3A_182, %dma_wait3A_183] : memref<10112x64xf32, #tpu.memory_space<vmem_shared>> -> memref<10112x64xf32, #tpu.memory_space<vmem_shared>>
    tpu.wait_indirect_dma semaphore(%arg22 : memref<!tpu.dma_semaphore, #tpu.memory_space<semaphore_mem>>) src(%dma_wait3A_178 : memref<128x64xf32, #tpu.memory_space<vmem>>) dst(%dma_wait3A_184 : memref<10112x64xf32, #tpu.memory_space<vmem_shared>>)
    %dma_wait3A_185 = arith.constant 4 : i32
    %dma_wait3A_186 = arith.constant 76 : i32
    %dma_wait3A_187 = arith.constant 0 : i32
    %dma_wait3A_188 = arith.constant 0 : i32
    %dma_wait3A_189 = tpu.memref_slice %arg10[%dma_wait3A_185, %dma_wait3A_187, %dma_wait3A_188] : memref<6x128x64xf32, #tpu.memory_space<vmem>> -> memref<1x128x64xf32, #tpu.memory_space<vmem>>
    %dma_wait3A_190 = tpu.memref_squeeze %dma_wait3A_189 : memref<1x128x64xf32, #tpu.memory_space<vmem>> -> memref<128x64xf32, #tpu.memory_space<vmem>>
    %dma_wait3A_191 = arith.constant 0 : i32
    %dma_wait3A_192 = tpu.memref_slice %arg8[%dma_wait3A_186, %dma_wait3A_191] : memref<78x128xi32, #tpu.memory_space<vmem>> -> memref<1x128xi32, #tpu.memory_space<vmem>>
    %dma_wait3A_193 = tpu.memref_squeeze %dma_wait3A_192 : memref<1x128xi32, #tpu.memory_space<vmem>> -> memref<128xi32, #tpu.memory_space<vmem>>
    %dma_wait3A_194 = arith.constant 0 : i32
    %dma_wait3A_195 = arith.constant 0 : i32
    %dma_wait3A_196 = tpu.memref_slice %arg11[%dma_wait3A_194, %dma_wait3A_195] : memref<10112x64xf32, #tpu.memory_space<vmem_shared>> -> memref<10112x64xf32, #tpu.memory_space<vmem_shared>>
    tpu.wait_indirect_dma semaphore(%arg23 : memref<!tpu.dma_semaphore, #tpu.memory_space<semaphore_mem>>) src(%dma_wait3A_190 : memref<128x64xf32, #tpu.memory_space<vmem>>) dst(%dma_wait3A_196 : memref<10112x64xf32, #tpu.memory_space<vmem_shared>>)
    %dma_wait3A_197 = arith.constant 5 : i32
    %dma_wait3A_198 = arith.constant 77 : i32
    %dma_wait3A_199 = arith.constant 0 : i32
    %dma_wait3A_200 = arith.constant 0 : i32
    %dma_wait3A_201 = tpu.memref_slice %arg10[%dma_wait3A_197, %dma_wait3A_199, %dma_wait3A_200] : memref<6x128x64xf32, #tpu.memory_space<vmem>> -> memref<1x128x64xf32, #tpu.memory_space<vmem>>
    %dma_wait3A_202 = tpu.memref_squeeze %dma_wait3A_201 : memref<1x128x64xf32, #tpu.memory_space<vmem>> -> memref<128x64xf32, #tpu.memory_space<vmem>>
    %dma_wait3A_203 = arith.constant 0 : i32
    %dma_wait3A_204 = tpu.memref_slice %arg8[%dma_wait3A_198, %dma_wait3A_203] : memref<78x128xi32, #tpu.memory_space<vmem>> -> memref<1x128xi32, #tpu.memory_space<vmem>>
    %dma_wait3A_205 = tpu.memref_squeeze %dma_wait3A_204 : memref<1x128xi32, #tpu.memory_space<vmem>> -> memref<128xi32, #tpu.memory_space<vmem>>
    %dma_wait3A_206 = arith.constant 0 : i32
    %dma_wait3A_207 = arith.constant 0 : i32
    %dma_wait3A_208 = tpu.memref_slice %arg11[%dma_wait3A_206, %dma_wait3A_207] : memref<10112x64xf32, #tpu.memory_space<vmem_shared>> -> memref<10112x64xf32, #tpu.memory_space<vmem_shared>>
    tpu.wait_indirect_dma semaphore(%arg24 : memref<!tpu.dma_semaphore, #tpu.memory_space<semaphore_mem>>) src(%dma_wait3A_202 : memref<128x64xf32, #tpu.memory_space<vmem>>) dst(%dma_wait3A_208 : memref<10112x64xf32, #tpu.memory_space<vmem_shared>>)
    %lt3A_209 = arith.constant 2 : i32
    %lt3A_210 = arith.cmpi slt, %arg1, %lt3A_209 : i32
    %convert_element_type3A_211 = arith.extui %lt3A_210 : i1 to i32
    %cond3A_212 = arith.constant 0 : i32
    %cond3A_213 = arith.cmpi ne, %convert_element_type3A_211, %cond3A_212 : i32
    scf.if %cond3A_213 {
      %dma_start3A_218 = arith.constant 0 : i32
      %dma_start3A_219 = arith.constant 0 : i32
      %dma_start3A_220 = arith.constant 0 : i32
      %dma_start3A_221 = arith.constant 0 : i32
      %dma_start3A_222 = tpu.memref_slice %arg10[%dma_start3A_219, %dma_start3A_220, %dma_start3A_221] : memref<6x128x64xf32, #tpu.memory_space<vmem>> -> memref<1x128x64xf32, #tpu.memory_space<vmem>>
      %dma_start3A_223 = tpu.memref_squeeze %dma_start3A_222 : memref<1x128x64xf32, #tpu.memory_space<vmem>> -> memref<128x64xf32, #tpu.memory_space<vmem>>
      %dma_start3A_224 = arith.constant 0 : i32
      %dma_start3A_225 = tpu.memref_slice %arg7[%dma_start3A_218, %dma_start3A_224] : memref<1x128xi32, #tpu.memory_space<vmem>> -> memref<1x128xi32, #tpu.memory_space<vmem>>
      %dma_start3A_226 = tpu.memref_squeeze %dma_start3A_225 : memref<1x128xi32, #tpu.memory_space<vmem>> -> memref<128xi32, #tpu.memory_space<vmem>>
      %dma_start3A_227 = arith.constant 0 : i32
      %dma_start3A_228 = arith.constant 0 : i32
      %dma_start3A_229 = tpu.memref_slice %arg3[%dma_start3A_227, %dma_start3A_228] : memref<10000x64xf32, #tpu.memory_space<hbm>> -> memref<10000x64xf32, #tpu.memory_space<hbm>>
      tpu.enqueue_indirect_dma source(%dma_start3A_229 : memref<10000x64xf32, #tpu.memory_space<hbm>>) target(%dma_start3A_223 : memref<128x64xf32, #tpu.memory_space<vmem>>) offsets(%dma_start3A_226 : memref<128xi32, #tpu.memory_space<vmem>>) semaphore(%arg13 : memref<!tpu.dma_semaphore, #tpu.memory_space<semaphore_mem>>)
      %dma_wait3A_230 = arith.constant 0 : i32
      %dma_wait3A_231 = arith.constant 0 : i32
      %dma_wait3A_232 = arith.constant 0 : i32
      %dma_wait3A_233 = arith.constant 0 : i32
      %dma_wait3A_234 = tpu.memref_slice %arg10[%dma_wait3A_231, %dma_wait3A_232, %dma_wait3A_233] : memref<6x128x64xf32, #tpu.memory_space<vmem>> -> memref<1x128x64xf32, #tpu.memory_space<vmem>>
      %dma_wait3A_235 = tpu.memref_squeeze %dma_wait3A_234 : memref<1x128x64xf32, #tpu.memory_space<vmem>> -> memref<128x64xf32, #tpu.memory_space<vmem>>
      %dma_wait3A_236 = arith.constant 0 : i32
      %dma_wait3A_237 = tpu.memref_slice %arg7[%dma_wait3A_230, %dma_wait3A_236] : memref<1x128xi32, #tpu.memory_space<vmem>> -> memref<1x128xi32, #tpu.memory_space<vmem>>
      %dma_wait3A_238 = tpu.memref_squeeze %dma_wait3A_237 : memref<1x128xi32, #tpu.memory_space<vmem>> -> memref<128xi32, #tpu.memory_space<vmem>>
      %dma_wait3A_239 = arith.constant 0 : i32
      %dma_wait3A_240 = arith.constant 0 : i32
      %dma_wait3A_241 = tpu.memref_slice %arg3[%dma_wait3A_239, %dma_wait3A_240] : memref<10000x64xf32, #tpu.memory_space<hbm>> -> memref<10000x64xf32, #tpu.memory_space<hbm>>
      tpu.wait_indirect_dma semaphore(%arg13 : memref<!tpu.dma_semaphore, #tpu.memory_space<semaphore_mem>>) src(%dma_wait3A_241 : memref<10000x64xf32, #tpu.memory_space<hbm>>) dst(%dma_wait3A_235 : memref<128x64xf32, #tpu.memory_space<vmem>>)
      %run_scoped3A = arith.constant 0 : i32
      %run_scoped3A_242 = arith.constant 0 : i32
      "tpu.region"() ({
        %run_scoped3A_243 = tpu.sem_alloc : memref<!tpu.dma_semaphore, #tpu.memory_space<semaphore_mem>>
        %dma_start3A_244 = arith.constant 0 : i32
        %dma_start3A_245 = arith.constant 0 : i32
        %dma_start3A_246 = tpu.memref_slice %arg10[%run_scoped3A, %dma_start3A_244, %dma_start3A_245] : memref<6x128x64xf32, #tpu.memory_space<vmem>> -> memref<1x128x64xf32, #tpu.memory_space<vmem>>
        %dma_start3A_247 = tpu.memref_squeeze %dma_start3A_246 : memref<1x128x64xf32, #tpu.memory_space<vmem>> -> memref<128x64xf32, #tpu.memory_space<vmem>>
        %dma_start3A_248 = arith.constant 0 : i32
        %dma_start3A_249 = tpu.memref_slice %arg9[%run_scoped3A_242, %dma_start3A_248] : memref<1x128xi32, #tpu.memory_space<vmem>> -> memref<1x128xi32, #tpu.memory_space<vmem>>
        %dma_start3A_250 = tpu.memref_squeeze %dma_start3A_249 : memref<1x128xi32, #tpu.memory_space<vmem>> -> memref<128xi32, #tpu.memory_space<vmem>>
        %dma_start3A_251 = arith.constant 0 : i32
        %dma_start3A_252 = arith.constant 0 : i32
        %dma_start3A_253 = tpu.memref_slice %arg11[%dma_start3A_251, %dma_start3A_252] : memref<10112x64xf32, #tpu.memory_space<vmem_shared>> -> memref<10112x64xf32, #tpu.memory_space<vmem_shared>>
        tpu.enqueue_indirect_dma source(%dma_start3A_247 : memref<128x64xf32, #tpu.memory_space<vmem>>) target(%dma_start3A_253 : memref<10112x64xf32, #tpu.memory_space<vmem_shared>>) offsets(%dma_start3A_250 : memref<128xi32, #tpu.memory_space<vmem>>) semaphore(%run_scoped3A_243 : memref<!tpu.dma_semaphore, #tpu.memory_space<semaphore_mem>>) {add = true}
        %dma_wait3A_254 = arith.constant 0 : i32
        %dma_wait3A_255 = arith.constant 0 : i32
        %dma_wait3A_256 = tpu.memref_slice %arg10[%run_scoped3A, %dma_wait3A_254, %dma_wait3A_255] : memref<6x128x64xf32, #tpu.memory_space<vmem>> -> memref<1x128x64xf32, #tpu.memory_space<vmem>>
        %dma_wait3A_257 = tpu.memref_squeeze %dma_wait3A_256 : memref<1x128x64xf32, #tpu.memory_space<vmem>> -> memref<128x64xf32, #tpu.memory_space<vmem>>
        %dma_wait3A_258 = arith.constant 0 : i32
        %dma_wait3A_259 = tpu.memref_slice %arg9[%run_scoped3A_242, %dma_wait3A_258] : memref<1x128xi32, #tpu.memory_space<vmem>> -> memref<1x128xi32, #tpu.memory_space<vmem>>
        %dma_wait3A_260 = tpu.memref_squeeze %dma_wait3A_259 : memref<1x128xi32, #tpu.memory_space<vmem>> -> memref<128xi32, #tpu.memory_space<vmem>>
        %dma_wait3A_261 = arith.constant 0 : i32
        %dma_wait3A_262 = arith.constant 0 : i32
        %dma_wait3A_263 = tpu.memref_slice %arg11[%dma_wait3A_261, %dma_wait3A_262] : memref<10112x64xf32, #tpu.memory_space<vmem_shared>> -> memref<10112x64xf32, #tpu.memory_space<vmem_shared>>
        tpu.wait_indirect_dma semaphore(%run_scoped3A_243 : memref<!tpu.dma_semaphore, #tpu.memory_space<semaphore_mem>>) src(%dma_wait3A_257 : memref<128x64xf32, #tpu.memory_space<vmem>>) dst(%dma_wait3A_263 : memref<10112x64xf32, #tpu.memory_space<vmem_shared>>)
        tpu.yield
      }) : () -> ()
    } else {
    }
    %barrier3A_214 = arith.constant 0 : index
    tpu.barrier barrier_id(%barrier3A_214)
    %mul3A_215 = arith.constant 10112 : i32
    %mul3A_216 = arith.muli %arg0, %mul3A_215 : i32
    %add3A_217 = arith.addi %mul3A_216, %mul3A_0 : i32
    "tpu.region"() ({
      %run_scoped3A = tpu.sem_alloc : memref<!tpu.dma_semaphore, #tpu.memory_space<semaphore_mem>>
      %dma_start3A_218 = arith.constant 0 : i32
      %dma_start3A_219 = tpu.memref_slice %arg5[%add3A_217, %dma_start3A_218] : memref<20224x64xf32, #tpu.memory_space<hbm>> -> memref<632x64xf32, #tpu.memory_space<hbm>>
      %dma_start3A_220 = arith.constant 0 : i32
      %dma_start3A_221 = tpu.memref_slice %arg11[%mul3A_0, %dma_start3A_220] : memref<10112x64xf32, #tpu.memory_space<vmem_shared>> -> memref<632x64xf32, #tpu.memory_space<vmem_shared>>
      tpu.enqueue_dma source(%dma_start3A_221 : memref<632x64xf32, #tpu.memory_space<vmem_shared>>) target(%dma_start3A_219 : memref<632x64xf32, #tpu.memory_space<hbm>>) target_semaphore(%run_scoped3A : memref<!tpu.dma_semaphore, #tpu.memory_space<semaphore_mem>>)
      %dma_wait3A_222 = arith.constant 0 : i32
      %dma_wait3A_223 = tpu.memref_slice %arg5[%add3A_217, %dma_wait3A_222] : memref<20224x64xf32, #tpu.memory_space<hbm>> -> memref<632x64xf32, #tpu.memory_space<hbm>>
      %dma_wait3A_224 = arith.constant 0 : i32
      %dma_wait3A_225 = tpu.memref_slice %arg11[%mul3A_0, %dma_wait3A_224] : memref<10112x64xf32, #tpu.memory_space<vmem_shared>> -> memref<632x64xf32, #tpu.memory_space<vmem_shared>>
      tpu.wait_dma2 semaphore(%run_scoped3A : memref<!tpu.dma_semaphore, #tpu.memory_space<semaphore_mem>>) src(%dma_wait3A_225 : memref<632x64xf32, #tpu.memory_space<vmem_shared>>) dst(%dma_wait3A_223 : memref<632x64xf32, #tpu.memory_space<hbm>>)
      tpu.yield
    }) : () -> ()
    return
  }
}

#map = affine_map<(d0, d1) -> (0, 0)>
#map1 = affine_map<(d0, d1) -> (0)>
module attributes {stable_mosaic.version = 14 : i64} {
  func.func @sc_pass(%arg0: i32, %arg1: i32, %arg2: memref<5000x128xi32, #tpu.memory_space<hbm>>, %arg3: memref<128xf32, #tpu.memory_space<hbm>>, %arg4: memref<632xf32, #tpu.memory_space<hbm>>, %arg5: memref<20224xf32, #tpu.memory_space<hbm>>, %arg6: memref<78x128xi32, #tpu.memory_space<vmem>>, %arg7: memref<1x128xi32, #tpu.memory_space<vmem>>, %arg8: memref<128xf32, #tpu.memory_space<vmem>>, %arg9: memref<10112xf32, #tpu.memory_space<vmem_shared>>, %arg10: memref<!tpu.dma_semaphore, #tpu.memory_space<semaphore_mem>>, %arg11: memref<!tpu.dma_semaphore, #tpu.memory_space<semaphore_mem>>, %arg12: memref<!tpu.dma_semaphore, #tpu.memory_space<semaphore_mem>>, %arg13: memref<!tpu.dma_semaphore, #tpu.memory_space<semaphore_mem>>, %arg14: memref<!tpu.dma_semaphore, #tpu.memory_space<semaphore_mem>>, %arg15: memref<!tpu.dma_semaphore, #tpu.memory_space<semaphore_mem>>, %arg16: memref<!tpu.dma_semaphore, #tpu.memory_space<semaphore_mem>>) attributes {dimension_semantics = [#tpu.dimension_semantics<core_parallel>, #tpu.dimension_semantics<subcore_parallel>], iteration_bounds = array<i64: 2, 16>, scalar_prefetch = 0 : i64, scratch_operands = 11 : i64, tpu.core_type = #tpu.core_type<sc_vector_subcore>, window_params = [{transform_indices = #map}, {transform_indices = #map1}, {transform_indices = #map1}, {transform_indices = #map1}]} {
    %mul3A = arith.constant 632 : i32
    %mul3A_0 = arith.muli %arg1, %mul3A : i32
    %mul3A_1 = arith.constant 1250 : i32
    %mul3A_2 = arith.muli %arg0, %mul3A_1 : i32
    %add3A = arith.constant 2500 : i32
    %add3A_3 = arith.addi %add3A, %mul3A_2 : i32
    %mul3A_4 = arith.constant 78 : i32
    %mul3A_5 = arith.muli %arg1, %mul3A_4 : i32
    %add3A_6 = arith.addi %add3A_3, %mul3A_5 : i32
    %mul3A_7 = arith.constant 1250 : i32
    %mul3A_8 = arith.muli %arg0, %mul3A_7 : i32
    %add3A_9 = arith.constant 2500 : i32
    %add3A_10 = arith.addi %add3A_9, %mul3A_8 : i32
    %add3A_11 = arith.constant 1248 : i32
    %add3A_12 = arith.addi %add3A_10, %add3A_11 : i32
    %add3A_13 = arith.addi %add3A_12, %arg1 : i32
    %dma_start3A = arith.constant 0 : i32
    %dma_start3A_14 = tpu.memref_slice %arg2[%add3A_6, %dma_start3A] : memref<5000x128xi32, #tpu.memory_space<hbm>> -> memref<78x128xi32, #tpu.memory_space<hbm>>
    %dma_start3A_15 = arith.constant 0 : i32
    %dma_start3A_16 = tpu.memref_slice %arg2[%add3A_6, %dma_start3A_15] : memref<5000x128xi32, #tpu.memory_space<hbm>> -> memref<78x128xi32, #tpu.memory_space<hbm>>
    tpu.enqueue_dma source(%dma_start3A_16 : memref<78x128xi32, #tpu.memory_space<hbm>>) target(%arg6 : memref<78x128xi32, #tpu.memory_space<vmem>>) target_semaphore(%arg10 : memref<!tpu.dma_semaphore, #tpu.memory_space<semaphore_mem>>)
    %lt3A = arith.constant 2 : i32
    %lt3A_17 = arith.cmpi slt, %arg1, %lt3A : i32
    %convert_element_type3A = arith.extui %lt3A_17 : i1 to i32
    %cond3A = arith.constant 0 : i32
    %cond3A_18 = arith.cmpi ne, %convert_element_type3A, %cond3A : i32
    scf.if %cond3A_18 {
      %dma_start3A_77 = arith.constant 0 : i32
      %dma_start3A_78 = tpu.memref_slice %arg2[%add3A_13, %dma_start3A_77] : memref<5000x128xi32, #tpu.memory_space<hbm>> -> memref<1x128xi32, #tpu.memory_space<hbm>>
      %dma_start3A_79 = arith.constant 0 : i32
      %dma_start3A_80 = tpu.memref_slice %arg2[%add3A_13, %dma_start3A_79] : memref<5000x128xi32, #tpu.memory_space<hbm>> -> memref<1x128xi32, #tpu.memory_space<hbm>>
      tpu.enqueue_dma source(%dma_start3A_80 : memref<1x128xi32, #tpu.memory_space<hbm>>) target(%arg7 : memref<1x128xi32, #tpu.memory_space<vmem>>) target_semaphore(%arg10 : memref<!tpu.dma_semaphore, #tpu.memory_space<semaphore_mem>>)
    } else {
    }
    "tpu.region"() ({
      %run_scoped3A = tpu.sem_alloc : memref<!tpu.dma_semaphore, #tpu.memory_space<semaphore_mem>>
      tpu.enqueue_dma source(%arg3 : memref<128xf32, #tpu.memory_space<hbm>>) target(%arg8 : memref<128xf32, #tpu.memory_space<vmem>>) target_semaphore(%run_scoped3A : memref<!tpu.dma_semaphore, #tpu.memory_space<semaphore_mem>>)
      tpu.wait_dma2 semaphore(%run_scoped3A : memref<!tpu.dma_semaphore, #tpu.memory_space<semaphore_mem>>) src(%arg3 : memref<128xf32, #tpu.memory_space<hbm>>) dst(%arg8 : memref<128xf32, #tpu.memory_space<vmem>>)
      tpu.yield
    }) : () -> ()
    "tpu.region"() ({
      %run_scoped3A = tpu.sem_alloc : memref<!tpu.dma_semaphore, #tpu.memory_space<semaphore_mem>>
      %dma_start3A_77 = tpu.memref_slice %arg9[%mul3A_0] : memref<10112xf32, #tpu.memory_space<vmem_shared>> -> memref<632xf32, #tpu.memory_space<vmem_shared>>
      tpu.enqueue_dma source(%arg4 : memref<632xf32, #tpu.memory_space<hbm>>) target(%dma_start3A_77 : memref<632xf32, #tpu.memory_space<vmem_shared>>) target_semaphore(%run_scoped3A : memref<!tpu.dma_semaphore, #tpu.memory_space<semaphore_mem>>)
      %dma_wait3A_78 = tpu.memref_slice %arg9[%mul3A_0] : memref<10112xf32, #tpu.memory_space<vmem_shared>> -> memref<632xf32, #tpu.memory_space<vmem_shared>>
      tpu.wait_dma2 semaphore(%run_scoped3A : memref<!tpu.dma_semaphore, #tpu.memory_space<semaphore_mem>>) src(%arg4 : memref<632xf32, #tpu.memory_space<hbm>>) dst(%dma_wait3A_78 : memref<632xf32, #tpu.memory_space<vmem_shared>>)
      tpu.yield
    }) : () -> ()
    %dma_wait3A = arith.constant 0 : i32
    %dma_wait3A_19 = tpu.memref_slice %arg2[%add3A_6, %dma_wait3A] : memref<5000x128xi32, #tpu.memory_space<hbm>> -> memref<78x128xi32, #tpu.memory_space<hbm>>
    %dma_wait3A_20 = arith.constant 0 : i32
    %dma_wait3A_21 = tpu.memref_slice %arg2[%add3A_6, %dma_wait3A_20] : memref<5000x128xi32, #tpu.memory_space<hbm>> -> memref<78x128xi32, #tpu.memory_space<hbm>>
    tpu.wait_dma2 semaphore(%arg10 : memref<!tpu.dma_semaphore, #tpu.memory_space<semaphore_mem>>) src(%dma_wait3A_21 : memref<78x128xi32, #tpu.memory_space<hbm>>) dst(%arg6 : memref<78x128xi32, #tpu.memory_space<vmem>>)
    %lt3A_22 = arith.constant 2 : i32
    %lt3A_23 = arith.cmpi slt, %arg1, %lt3A_22 : i32
    %convert_element_type3A_24 = arith.extui %lt3A_23 : i1 to i32
    %cond3A_25 = arith.constant 0 : i32
    %cond3A_26 = arith.cmpi ne, %convert_element_type3A_24, %cond3A_25 : i32
    scf.if %cond3A_26 {
      %dma_wait3A_77 = arith.constant 0 : i32
      %dma_wait3A_78 = tpu.memref_slice %arg2[%add3A_13, %dma_wait3A_77] : memref<5000x128xi32, #tpu.memory_space<hbm>> -> memref<1x128xi32, #tpu.memory_space<hbm>>
      %dma_wait3A_79 = arith.constant 0 : i32
      %dma_wait3A_80 = tpu.memref_slice %arg2[%add3A_13, %dma_wait3A_79] : memref<5000x128xi32, #tpu.memory_space<hbm>> -> memref<1x128xi32, #tpu.memory_space<hbm>>
      tpu.wait_dma2 semaphore(%arg10 : memref<!tpu.dma_semaphore, #tpu.memory_space<semaphore_mem>>) src(%dma_wait3A_80 : memref<1x128xi32, #tpu.memory_space<hbm>>) dst(%arg7 : memref<1x128xi32, #tpu.memory_space<vmem>>)
    } else {
    }
    %barrier3A = arith.constant 0 : index
    tpu.barrier barrier_id(%barrier3A)
    %scan3A = arith.constant 0 : i32
    %scan3A_27 = arith.constant 0 : i32
    %scan3A_28 = arith.constant 13 : i32
    %scan3A_29 = arith.addi %scan3A_27, %scan3A_28 : i32
    %scan3A_30 = arith.constant 1 : i32
    scf.for %scan3A_77 = %scan3A_27 to %scan3A_29 step %scan3A_30  : i32 {
      %gt3A = arith.constant 0 : i32
      %gt3A_78 = arith.cmpi sgt, %scan3A_77, %gt3A : i32
      %convert_element_type3A_79 = arith.extui %gt3A_78 : i1 to i32
      %cond3A_80 = arith.constant 0 : i32
      %cond3A_81 = arith.cmpi ne, %convert_element_type3A_79, %cond3A_80 : i32
      scf.if %cond3A_81 {
        %sub3A = arith.constant 1 : i32
        %sub3A_136 = arith.subi %scan3A_77, %sub3A : i32
        %mul3A_137 = arith.constant 6 : i32
        %mul3A_138 = arith.muli %sub3A_136, %mul3A_137 : i32
        %add3A_139 = arith.constant 0 : i32
        %add3A_140 = arith.addi %mul3A_138, %add3A_139 : i32
        %dma_wait3A_141 = arith.constant 0 : i32
        %dma_wait3A_142 = tpu.memref_slice %arg6[%add3A_140, %dma_wait3A_141] : memref<78x128xi32, #tpu.memory_space<vmem>> -> memref<1x128xi32, #tpu.memory_space<vmem>>
        %dma_wait3A_143 = tpu.memref_squeeze %dma_wait3A_142 : memref<1x128xi32, #tpu.memory_space<vmem>> -> memref<128xi32, #tpu.memory_space<vmem>>
        %dma_wait3A_144 = arith.constant 0 : i32
        %dma_wait3A_145 = tpu.memref_slice %arg9[%dma_wait3A_144] : memref<10112xf32, #tpu.memory_space<vmem_shared>> -> memref<10112xf32, #tpu.memory_space<vmem_shared>>
        tpu.wait_indirect_dma semaphore(%arg11 : memref<!tpu.dma_semaphore, #tpu.memory_space<semaphore_mem>>) src(%arg8 : memref<128xf32, #tpu.memory_space<vmem>>) dst(%dma_wait3A_145 : memref<10112xf32, #tpu.memory_space<vmem_shared>>)
        %sub3A_146 = arith.constant 1 : i32
        %sub3A_147 = arith.subi %scan3A_77, %sub3A_146 : i32
        %mul3A_148 = arith.constant 6 : i32
        %mul3A_149 = arith.muli %sub3A_147, %mul3A_148 : i32
        %add3A_150 = arith.constant 1 : i32
        %add3A_151 = arith.addi %mul3A_149, %add3A_150 : i32
        %dma_wait3A_152 = arith.constant 0 : i32
        %dma_wait3A_153 = tpu.memref_slice %arg6[%add3A_151, %dma_wait3A_152] : memref<78x128xi32, #tpu.memory_space<vmem>> -> memref<1x128xi32, #tpu.memory_space<vmem>>
        %dma_wait3A_154 = tpu.memref_squeeze %dma_wait3A_153 : memref<1x128xi32, #tpu.memory_space<vmem>> -> memref<128xi32, #tpu.memory_space<vmem>>
        %dma_wait3A_155 = arith.constant 0 : i32
        %dma_wait3A_156 = tpu.memref_slice %arg9[%dma_wait3A_155] : memref<10112xf32, #tpu.memory_space<vmem_shared>> -> memref<10112xf32, #tpu.memory_space<vmem_shared>>
        tpu.wait_indirect_dma semaphore(%arg12 : memref<!tpu.dma_semaphore, #tpu.memory_space<semaphore_mem>>) src(%arg8 : memref<128xf32, #tpu.memory_space<vmem>>) dst(%dma_wait3A_156 : memref<10112xf32, #tpu.memory_space<vmem_shared>>)
        %sub3A_157 = arith.constant 1 : i32
        %sub3A_158 = arith.subi %scan3A_77, %sub3A_157 : i32
        %mul3A_159 = arith.constant 6 : i32
        %mul3A_160 = arith.muli %sub3A_158, %mul3A_159 : i32
        %add3A_161 = arith.constant 2 : i32
        %add3A_162 = arith.addi %mul3A_160, %add3A_161 : i32
        %dma_wait3A_163 = arith.constant 0 : i32
        %dma_wait3A_164 = tpu.memref_slice %arg6[%add3A_162, %dma_wait3A_163] : memref<78x128xi32, #tpu.memory_space<vmem>> -> memref<1x128xi32, #tpu.memory_space<vmem>>
        %dma_wait3A_165 = tpu.memref_squeeze %dma_wait3A_164 : memref<1x128xi32, #tpu.memory_space<vmem>> -> memref<128xi32, #tpu.memory_space<vmem>>
        %dma_wait3A_166 = arith.constant 0 : i32
        %dma_wait3A_167 = tpu.memref_slice %arg9[%dma_wait3A_166] : memref<10112xf32, #tpu.memory_space<vmem_shared>> -> memref<10112xf32, #tpu.memory_space<vmem_shared>>
        tpu.wait_indirect_dma semaphore(%arg13 : memref<!tpu.dma_semaphore, #tpu.memory_space<semaphore_mem>>) src(%arg8 : memref<128xf32, #tpu.memory_space<vmem>>) dst(%dma_wait3A_167 : memref<10112xf32, #tpu.memory_space<vmem_shared>>)
        %sub3A_168 = arith.constant 1 : i32
        %sub3A_169 = arith.subi %scan3A_77, %sub3A_168 : i32
        %mul3A_170 = arith.constant 6 : i32
        %mul3A_171 = arith.muli %sub3A_169, %mul3A_170 : i32
        %add3A_172 = arith.constant 3 : i32
        %add3A_173 = arith.addi %mul3A_171, %add3A_172 : i32
        %dma_wait3A_174 = arith.constant 0 : i32
        %dma_wait3A_175 = tpu.memref_slice %arg6[%add3A_173, %dma_wait3A_174] : memref<78x128xi32, #tpu.memory_space<vmem>> -> memref<1x128xi32, #tpu.memory_space<vmem>>
        %dma_wait3A_176 = tpu.memref_squeeze %dma_wait3A_175 : memref<1x128xi32, #tpu.memory_space<vmem>> -> memref<128xi32, #tpu.memory_space<vmem>>
        %dma_wait3A_177 = arith.constant 0 : i32
        %dma_wait3A_178 = tpu.memref_slice %arg9[%dma_wait3A_177] : memref<10112xf32, #tpu.memory_space<vmem_shared>> -> memref<10112xf32, #tpu.memory_space<vmem_shared>>
        tpu.wait_indirect_dma semaphore(%arg14 : memref<!tpu.dma_semaphore, #tpu.memory_space<semaphore_mem>>) src(%arg8 : memref<128xf32, #tpu.memory_space<vmem>>) dst(%dma_wait3A_178 : memref<10112xf32, #tpu.memory_space<vmem_shared>>)
        %sub3A_179 = arith.constant 1 : i32
        %sub3A_180 = arith.subi %scan3A_77, %sub3A_179 : i32
        %mul3A_181 = arith.constant 6 : i32
        %mul3A_182 = arith.muli %sub3A_180, %mul3A_181 : i32
        %add3A_183 = arith.constant 4 : i32
        %add3A_184 = arith.addi %mul3A_182, %add3A_183 : i32
        %dma_wait3A_185 = arith.constant 0 : i32
        %dma_wait3A_186 = tpu.memref_slice %arg6[%add3A_184, %dma_wait3A_185] : memref<78x128xi32, #tpu.memory_space<vmem>> -> memref<1x128xi32, #tpu.memory_space<vmem>>
        %dma_wait3A_187 = tpu.memref_squeeze %dma_wait3A_186 : memref<1x128xi32, #tpu.memory_space<vmem>> -> memref<128xi32, #tpu.memory_space<vmem>>
        %dma_wait3A_188 = arith.constant 0 : i32
        %dma_wait3A_189 = tpu.memref_slice %arg9[%dma_wait3A_188] : memref<10112xf32, #tpu.memory_space<vmem_shared>> -> memref<10112xf32, #tpu.memory_space<vmem_shared>>
        tpu.wait_indirect_dma semaphore(%arg15 : memref<!tpu.dma_semaphore, #tpu.memory_space<semaphore_mem>>) src(%arg8 : memref<128xf32, #tpu.memory_space<vmem>>) dst(%dma_wait3A_189 : memref<10112xf32, #tpu.memory_space<vmem_shared>>)
        %sub3A_190 = arith.constant 1 : i32
        %sub3A_191 = arith.subi %scan3A_77, %sub3A_190 : i32
        %mul3A_192 = arith.constant 6 : i32
        %mul3A_193 = arith.muli %sub3A_191, %mul3A_192 : i32
        %add3A_194 = arith.constant 5 : i32
        %add3A_195 = arith.addi %mul3A_193, %add3A_194 : i32
        %dma_wait3A_196 = arith.constant 0 : i32
        %dma_wait3A_197 = tpu.memref_slice %arg6[%add3A_195, %dma_wait3A_196] : memref<78x128xi32, #tpu.memory_space<vmem>> -> memref<1x128xi32, #tpu.memory_space<vmem>>
        %dma_wait3A_198 = tpu.memref_squeeze %dma_wait3A_197 : memref<1x128xi32, #tpu.memory_space<vmem>> -> memref<128xi32, #tpu.memory_space<vmem>>
        %dma_wait3A_199 = arith.constant 0 : i32
        %dma_wait3A_200 = tpu.memref_slice %arg9[%dma_wait3A_199] : memref<10112xf32, #tpu.memory_space<vmem_shared>> -> memref<10112xf32, #tpu.memory_space<vmem_shared>>
        tpu.wait_indirect_dma semaphore(%arg16 : memref<!tpu.dma_semaphore, #tpu.memory_space<semaphore_mem>>) src(%arg8 : memref<128xf32, #tpu.memory_space<vmem>>) dst(%dma_wait3A_200 : memref<10112xf32, #tpu.memory_space<vmem_shared>>)
      } else {
      }
      %mul3A_82 = arith.constant 6 : i32
      %mul3A_83 = arith.muli %scan3A_77, %mul3A_82 : i32
      %add3A_84 = arith.constant 0 : i32
      %add3A_85 = arith.addi %mul3A_83, %add3A_84 : i32
      %dma_start3A_86 = arith.constant 0 : i32
      %dma_start3A_87 = tpu.memref_slice %arg6[%add3A_85, %dma_start3A_86] : memref<78x128xi32, #tpu.memory_space<vmem>> -> memref<1x128xi32, #tpu.memory_space<vmem>>
      %dma_start3A_88 = tpu.memref_squeeze %dma_start3A_87 : memref<1x128xi32, #tpu.memory_space<vmem>> -> memref<128xi32, #tpu.memory_space<vmem>>
      %dma_start3A_89 = arith.constant 0 : i32
      %dma_start3A_90 = tpu.memref_slice %arg9[%dma_start3A_89] : memref<10112xf32, #tpu.memory_space<vmem_shared>> -> memref<10112xf32, #tpu.memory_space<vmem_shared>>
      tpu.enqueue_indirect_dma source(%arg8 : memref<128xf32, #tpu.memory_space<vmem>>) target(%dma_start3A_90 : memref<10112xf32, #tpu.memory_space<vmem_shared>>) offsets(%dma_start3A_88 : memref<128xi32, #tpu.memory_space<vmem>>) semaphore(%arg11 : memref<!tpu.dma_semaphore, #tpu.memory_space<semaphore_mem>>) {add = true}
      %mul3A_91 = arith.constant 6 : i32
      %mul3A_92 = arith.muli %scan3A_77, %mul3A_91 : i32
      %add3A_93 = arith.constant 1 : i32
      %add3A_94 = arith.addi %mul3A_92, %add3A_93 : i32
      %dma_start3A_95 = arith.constant 0 : i32
      %dma_start3A_96 = tpu.memref_slice %arg6[%add3A_94, %dma_start3A_95] : memref<78x128xi32, #tpu.memory_space<vmem>> -> memref<1x128xi32, #tpu.memory_space<vmem>>
      %dma_start3A_97 = tpu.memref_squeeze %dma_start3A_96 : memref<1x128xi32, #tpu.memory_space<vmem>> -> memref<128xi32, #tpu.memory_space<vmem>>
      %dma_start3A_98 = arith.constant 0 : i32
      %dma_start3A_99 = tpu.memref_slice %arg9[%dma_start3A_98] : memref<10112xf32, #tpu.memory_space<vmem_shared>> -> memref<10112xf32, #tpu.memory_space<vmem_shared>>
      tpu.enqueue_indirect_dma source(%arg8 : memref<128xf32, #tpu.memory_space<vmem>>) target(%dma_start3A_99 : memref<10112xf32, #tpu.memory_space<vmem_shared>>) offsets(%dma_start3A_97 : memref<128xi32, #tpu.memory_space<vmem>>) semaphore(%arg12 : memref<!tpu.dma_semaphore, #tpu.memory_space<semaphore_mem>>) {add = true}
      %mul3A_100 = arith.constant 6 : i32
      %mul3A_101 = arith.muli %scan3A_77, %mul3A_100 : i32
      %add3A_102 = arith.constant 2 : i32
      %add3A_103 = arith.addi %mul3A_101, %add3A_102 : i32
      %dma_start3A_104 = arith.constant 0 : i32
      %dma_start3A_105 = tpu.memref_slice %arg6[%add3A_103, %dma_start3A_104] : memref<78x128xi32, #tpu.memory_space<vmem>> -> memref<1x128xi32, #tpu.memory_space<vmem>>
      %dma_start3A_106 = tpu.memref_squeeze %dma_start3A_105 : memref<1x128xi32, #tpu.memory_space<vmem>> -> memref<128xi32, #tpu.memory_space<vmem>>
      %dma_start3A_107 = arith.constant 0 : i32
      %dma_start3A_108 = tpu.memref_slice %arg9[%dma_start3A_107] : memref<10112xf32, #tpu.memory_space<vmem_shared>> -> memref<10112xf32, #tpu.memory_space<vmem_shared>>
      tpu.enqueue_indirect_dma source(%arg8 : memref<128xf32, #tpu.memory_space<vmem>>) target(%dma_start3A_108 : memref<10112xf32, #tpu.memory_space<vmem_shared>>) offsets(%dma_start3A_106 : memref<128xi32, #tpu.memory_space<vmem>>) semaphore(%arg13 : memref<!tpu.dma_semaphore, #tpu.memory_space<semaphore_mem>>) {add = true}
      %mul3A_109 = arith.constant 6 : i32
      %mul3A_110 = arith.muli %scan3A_77, %mul3A_109 : i32
      %add3A_111 = arith.constant 3 : i32
      %add3A_112 = arith.addi %mul3A_110, %add3A_111 : i32
      %dma_start3A_113 = arith.constant 0 : i32
      %dma_start3A_114 = tpu.memref_slice %arg6[%add3A_112, %dma_start3A_113] : memref<78x128xi32, #tpu.memory_space<vmem>> -> memref<1x128xi32, #tpu.memory_space<vmem>>
      %dma_start3A_115 = tpu.memref_squeeze %dma_start3A_114 : memref<1x128xi32, #tpu.memory_space<vmem>> -> memref<128xi32, #tpu.memory_space<vmem>>
      %dma_start3A_116 = arith.constant 0 : i32
      %dma_start3A_117 = tpu.memref_slice %arg9[%dma_start3A_116] : memref<10112xf32, #tpu.memory_space<vmem_shared>> -> memref<10112xf32, #tpu.memory_space<vmem_shared>>
      tpu.enqueue_indirect_dma source(%arg8 : memref<128xf32, #tpu.memory_space<vmem>>) target(%dma_start3A_117 : memref<10112xf32, #tpu.memory_space<vmem_shared>>) offsets(%dma_start3A_115 : memref<128xi32, #tpu.memory_space<vmem>>) semaphore(%arg14 : memref<!tpu.dma_semaphore, #tpu.memory_space<semaphore_mem>>) {add = true}
      %mul3A_118 = arith.constant 6 : i32
      %mul3A_119 = arith.muli %scan3A_77, %mul3A_118 : i32
      %add3A_120 = arith.constant 4 : i32
      %add3A_121 = arith.addi %mul3A_119, %add3A_120 : i32
      %dma_start3A_122 = arith.constant 0 : i32
      %dma_start3A_123 = tpu.memref_slice %arg6[%add3A_121, %dma_start3A_122] : memref<78x128xi32, #tpu.memory_space<vmem>> -> memref<1x128xi32, #tpu.memory_space<vmem>>
      %dma_start3A_124 = tpu.memref_squeeze %dma_start3A_123 : memref<1x128xi32, #tpu.memory_space<vmem>> -> memref<128xi32, #tpu.memory_space<vmem>>
      %dma_start3A_125 = arith.constant 0 : i32
      %dma_start3A_126 = tpu.memref_slice %arg9[%dma_start3A_125] : memref<10112xf32, #tpu.memory_space<vmem_shared>> -> memref<10112xf32, #tpu.memory_space<vmem_shared>>
      tpu.enqueue_indirect_dma source(%arg8 : memref<128xf32, #tpu.memory_space<vmem>>) target(%dma_start3A_126 : memref<10112xf32, #tpu.memory_space<vmem_shared>>) offsets(%dma_start3A_124 : memref<128xi32, #tpu.memory_space<vmem>>) semaphore(%arg15 : memref<!tpu.dma_semaphore, #tpu.memory_space<semaphore_mem>>) {add = true}
      %mul3A_127 = arith.constant 6 : i32
      %mul3A_128 = arith.muli %scan3A_77, %mul3A_127 : i32
      %add3A_129 = arith.constant 5 : i32
      %add3A_130 = arith.addi %mul3A_128, %add3A_129 : i32
      %dma_start3A_131 = arith.constant 0 : i32
      %dma_start3A_132 = tpu.memref_slice %arg6[%add3A_130, %dma_start3A_131] : memref<78x128xi32, #tpu.memory_space<vmem>> -> memref<1x128xi32, #tpu.memory_space<vmem>>
      %dma_start3A_133 = tpu.memref_squeeze %dma_start3A_132 : memref<1x128xi32, #tpu.memory_space<vmem>> -> memref<128xi32, #tpu.memory_space<vmem>>
      %dma_start3A_134 = arith.constant 0 : i32
      %dma_start3A_135 = tpu.memref_slice %arg9[%dma_start3A_134] : memref<10112xf32, #tpu.memory_space<vmem_shared>> -> memref<10112xf32, #tpu.memory_space<vmem_shared>>
      tpu.enqueue_indirect_dma source(%arg8 : memref<128xf32, #tpu.memory_space<vmem>>) target(%dma_start3A_135 : memref<10112xf32, #tpu.memory_space<vmem_shared>>) offsets(%dma_start3A_133 : memref<128xi32, #tpu.memory_space<vmem>>) semaphore(%arg16 : memref<!tpu.dma_semaphore, #tpu.memory_space<semaphore_mem>>) {add = true}
    }
    %scan3A_31 = arith.constant 13 : i32
    %dma_wait3A_32 = arith.constant 72 : i32
    %dma_wait3A_33 = arith.constant 0 : i32
    %dma_wait3A_34 = tpu.memref_slice %arg6[%dma_wait3A_32, %dma_wait3A_33] : memref<78x128xi32, #tpu.memory_space<vmem>> -> memref<1x128xi32, #tpu.memory_space<vmem>>
    %dma_wait3A_35 = tpu.memref_squeeze %dma_wait3A_34 : memref<1x128xi32, #tpu.memory_space<vmem>> -> memref<128xi32, #tpu.memory_space<vmem>>
    %dma_wait3A_36 = arith.constant 0 : i32
    %dma_wait3A_37 = tpu.memref_slice %arg9[%dma_wait3A_36] : memref<10112xf32, #tpu.memory_space<vmem_shared>> -> memref<10112xf32, #tpu.memory_space<vmem_shared>>
    tpu.wait_indirect_dma semaphore(%arg11 : memref<!tpu.dma_semaphore, #tpu.memory_space<semaphore_mem>>) src(%arg8 : memref<128xf32, #tpu.memory_space<vmem>>) dst(%dma_wait3A_37 : memref<10112xf32, #tpu.memory_space<vmem_shared>>)
    %dma_wait3A_38 = arith.constant 73 : i32
    %dma_wait3A_39 = arith.constant 0 : i32
    %dma_wait3A_40 = tpu.memref_slice %arg6[%dma_wait3A_38, %dma_wait3A_39] : memref<78x128xi32, #tpu.memory_space<vmem>> -> memref<1x128xi32, #tpu.memory_space<vmem>>
    %dma_wait3A_41 = tpu.memref_squeeze %dma_wait3A_40 : memref<1x128xi32, #tpu.memory_space<vmem>> -> memref<128xi32, #tpu.memory_space<vmem>>
    %dma_wait3A_42 = arith.constant 0 : i32
    %dma_wait3A_43 = tpu.memref_slice %arg9[%dma_wait3A_42] : memref<10112xf32, #tpu.memory_space<vmem_shared>> -> memref<10112xf32, #tpu.memory_space<vmem_shared>>
    tpu.wait_indirect_dma semaphore(%arg12 : memref<!tpu.dma_semaphore, #tpu.memory_space<semaphore_mem>>) src(%arg8 : memref<128xf32, #tpu.memory_space<vmem>>) dst(%dma_wait3A_43 : memref<10112xf32, #tpu.memory_space<vmem_shared>>)
    %dma_wait3A_44 = arith.constant 74 : i32
    %dma_wait3A_45 = arith.constant 0 : i32
    %dma_wait3A_46 = tpu.memref_slice %arg6[%dma_wait3A_44, %dma_wait3A_45] : memref<78x128xi32, #tpu.memory_space<vmem>> -> memref<1x128xi32, #tpu.memory_space<vmem>>
    %dma_wait3A_47 = tpu.memref_squeeze %dma_wait3A_46 : memref<1x128xi32, #tpu.memory_space<vmem>> -> memref<128xi32, #tpu.memory_space<vmem>>
    %dma_wait3A_48 = arith.constant 0 : i32
    %dma_wait3A_49 = tpu.memref_slice %arg9[%dma_wait3A_48] : memref<10112xf32, #tpu.memory_space<vmem_shared>> -> memref<10112xf32, #tpu.memory_space<vmem_shared>>
    tpu.wait_indirect_dma semaphore(%arg13 : memref<!tpu.dma_semaphore, #tpu.memory_space<semaphore_mem>>) src(%arg8 : memref<128xf32, #tpu.memory_space<vmem>>) dst(%dma_wait3A_49 : memref<10112xf32, #tpu.memory_space<vmem_shared>>)
    %dma_wait3A_50 = arith.constant 75 : i32
    %dma_wait3A_51 = arith.constant 0 : i32
    %dma_wait3A_52 = tpu.memref_slice %arg6[%dma_wait3A_50, %dma_wait3A_51] : memref<78x128xi32, #tpu.memory_space<vmem>> -> memref<1x128xi32, #tpu.memory_space<vmem>>
    %dma_wait3A_53 = tpu.memref_squeeze %dma_wait3A_52 : memref<1x128xi32, #tpu.memory_space<vmem>> -> memref<128xi32, #tpu.memory_space<vmem>>
    %dma_wait3A_54 = arith.constant 0 : i32
    %dma_wait3A_55 = tpu.memref_slice %arg9[%dma_wait3A_54] : memref<10112xf32, #tpu.memory_space<vmem_shared>> -> memref<10112xf32, #tpu.memory_space<vmem_shared>>
    tpu.wait_indirect_dma semaphore(%arg14 : memref<!tpu.dma_semaphore, #tpu.memory_space<semaphore_mem>>) src(%arg8 : memref<128xf32, #tpu.memory_space<vmem>>) dst(%dma_wait3A_55 : memref<10112xf32, #tpu.memory_space<vmem_shared>>)
    %dma_wait3A_56 = arith.constant 76 : i32
    %dma_wait3A_57 = arith.constant 0 : i32
    %dma_wait3A_58 = tpu.memref_slice %arg6[%dma_wait3A_56, %dma_wait3A_57] : memref<78x128xi32, #tpu.memory_space<vmem>> -> memref<1x128xi32, #tpu.memory_space<vmem>>
    %dma_wait3A_59 = tpu.memref_squeeze %dma_wait3A_58 : memref<1x128xi32, #tpu.memory_space<vmem>> -> memref<128xi32, #tpu.memory_space<vmem>>
    %dma_wait3A_60 = arith.constant 0 : i32
    %dma_wait3A_61 = tpu.memref_slice %arg9[%dma_wait3A_60] : memref<10112xf32, #tpu.memory_space<vmem_shared>> -> memref<10112xf32, #tpu.memory_space<vmem_shared>>
    tpu.wait_indirect_dma semaphore(%arg15 : memref<!tpu.dma_semaphore, #tpu.memory_space<semaphore_mem>>) src(%arg8 : memref<128xf32, #tpu.memory_space<vmem>>) dst(%dma_wait3A_61 : memref<10112xf32, #tpu.memory_space<vmem_shared>>)
    %dma_wait3A_62 = arith.constant 77 : i32
    %dma_wait3A_63 = arith.constant 0 : i32
    %dma_wait3A_64 = tpu.memref_slice %arg6[%dma_wait3A_62, %dma_wait3A_63] : memref<78x128xi32, #tpu.memory_space<vmem>> -> memref<1x128xi32, #tpu.memory_space<vmem>>
    %dma_wait3A_65 = tpu.memref_squeeze %dma_wait3A_64 : memref<1x128xi32, #tpu.memory_space<vmem>> -> memref<128xi32, #tpu.memory_space<vmem>>
    %dma_wait3A_66 = arith.constant 0 : i32
    %dma_wait3A_67 = tpu.memref_slice %arg9[%dma_wait3A_66] : memref<10112xf32, #tpu.memory_space<vmem_shared>> -> memref<10112xf32, #tpu.memory_space<vmem_shared>>
    tpu.wait_indirect_dma semaphore(%arg16 : memref<!tpu.dma_semaphore, #tpu.memory_space<semaphore_mem>>) src(%arg8 : memref<128xf32, #tpu.memory_space<vmem>>) dst(%dma_wait3A_67 : memref<10112xf32, #tpu.memory_space<vmem_shared>>)
    %lt3A_68 = arith.constant 2 : i32
    %lt3A_69 = arith.cmpi slt, %arg1, %lt3A_68 : i32
    %convert_element_type3A_70 = arith.extui %lt3A_69 : i1 to i32
    %cond3A_71 = arith.constant 0 : i32
    %cond3A_72 = arith.cmpi ne, %convert_element_type3A_70, %cond3A_71 : i32
    scf.if %cond3A_72 {
      %run_scoped3A = arith.constant 0 : i32
      "tpu.region"() ({
        %run_scoped3A_77 = tpu.sem_alloc : memref<!tpu.dma_semaphore, #tpu.memory_space<semaphore_mem>>
        %dma_start3A_78 = arith.constant 0 : i32
        %dma_start3A_79 = tpu.memref_slice %arg7[%run_scoped3A, %dma_start3A_78] : memref<1x128xi32, #tpu.memory_space<vmem>> -> memref<1x128xi32, #tpu.memory_space<vmem>>
        %dma_start3A_80 = tpu.memref_squeeze %dma_start3A_79 : memref<1x128xi32, #tpu.memory_space<vmem>> -> memref<128xi32, #tpu.memory_space<vmem>>
        %dma_start3A_81 = arith.constant 0 : i32
        %dma_start3A_82 = tpu.memref_slice %arg9[%dma_start3A_81] : memref<10112xf32, #tpu.memory_space<vmem_shared>> -> memref<10112xf32, #tpu.memory_space<vmem_shared>>
        tpu.enqueue_indirect_dma source(%arg8 : memref<128xf32, #tpu.memory_space<vmem>>) target(%dma_start3A_82 : memref<10112xf32, #tpu.memory_space<vmem_shared>>) offsets(%dma_start3A_80 : memref<128xi32, #tpu.memory_space<vmem>>) semaphore(%run_scoped3A_77 : memref<!tpu.dma_semaphore, #tpu.memory_space<semaphore_mem>>) {add = true}
        %dma_wait3A_83 = arith.constant 0 : i32
        %dma_wait3A_84 = tpu.memref_slice %arg7[%run_scoped3A, %dma_wait3A_83] : memref<1x128xi32, #tpu.memory_space<vmem>> -> memref<1x128xi32, #tpu.memory_space<vmem>>
        %dma_wait3A_85 = tpu.memref_squeeze %dma_wait3A_84 : memref<1x128xi32, #tpu.memory_space<vmem>> -> memref<128xi32, #tpu.memory_space<vmem>>
        %dma_wait3A_86 = arith.constant 0 : i32
        %dma_wait3A_87 = tpu.memref_slice %arg9[%dma_wait3A_86] : memref<10112xf32, #tpu.memory_space<vmem_shared>> -> memref<10112xf32, #tpu.memory_space<vmem_shared>>
        tpu.wait_indirect_dma semaphore(%run_scoped3A_77 : memref<!tpu.dma_semaphore, #tpu.memory_space<semaphore_mem>>) src(%arg8 : memref<128xf32, #tpu.memory_space<vmem>>) dst(%dma_wait3A_87 : memref<10112xf32, #tpu.memory_space<vmem_shared>>)
        tpu.yield
      }) : () -> ()
    } else {
    }
    %barrier3A_73 = arith.constant 0 : index
    tpu.barrier barrier_id(%barrier3A_73)
    %mul3A_74 = arith.constant 10112 : i32
    %mul3A_75 = arith.muli %arg0, %mul3A_74 : i32
    %add3A_76 = arith.addi %mul3A_75, %mul3A_0 : i32
    "tpu.region"() ({
      %run_scoped3A = tpu.sem_alloc : memref<!tpu.dma_semaphore, #tpu.memory_space<semaphore_mem>>
      %dma_start3A_77 = tpu.memref_slice %arg5[%add3A_76] : memref<20224xf32, #tpu.memory_space<hbm>> -> memref<632xf32, #tpu.memory_space<hbm>>
      %dma_start3A_78 = tpu.memref_slice %arg9[%mul3A_0] : memref<10112xf32, #tpu.memory_space<vmem_shared>> -> memref<632xf32, #tpu.memory_space<vmem_shared>>
      tpu.enqueue_dma source(%dma_start3A_78 : memref<632xf32, #tpu.memory_space<vmem_shared>>) target(%dma_start3A_77 : memref<632xf32, #tpu.memory_space<hbm>>) target_semaphore(%run_scoped3A : memref<!tpu.dma_semaphore, #tpu.memory_space<semaphore_mem>>)
      %dma_wait3A_79 = tpu.memref_slice %arg5[%add3A_76] : memref<20224xf32, #tpu.memory_space<hbm>> -> memref<632xf32, #tpu.memory_space<hbm>>
      %dma_wait3A_80 = tpu.memref_slice %arg9[%mul3A_0] : memref<10112xf32, #tpu.memory_space<vmem_shared>> -> memref<632xf32, #tpu.memory_space<vmem_shared>>
      tpu.wait_dma2 semaphore(%run_scoped3A : memref<!tpu.dma_semaphore, #tpu.memory_space<semaphore_mem>>) src(%dma_wait3A_80 : memref<632xf32, #tpu.memory_space<vmem_shared>>) dst(%dma_wait3A_79 : memref<632xf32, #tpu.memory_space<hbm>>)
      tpu.yield
    }) : () -> ()
    return
  }
}

#map = affine_map<(d0, d1) -> (0, 0)>
#map1 = affine_map<(d0, d1) -> (0)>
module attributes {stable_mosaic.version = 14 : i64} {
  func.func @sc_pool(%arg0: i32, %arg1: i32, %arg2: memref<5000x128xi32, #tpu.memory_space<hbm>>, %arg3: memref<10000xf32, #tpu.memory_space<hbm>>, %arg4: memref<10000xf32, #tpu.memory_space<hbm>>, %arg5: memref<10000xi32, #tpu.memory_space<hbm>>, %arg6: memref<16x64xf32, #tpu.memory_space<hbm>>, %arg7: memref<64x64xf32, #tpu.memory_space<hbm>>, %arg8: memref<78x128xi32, #tpu.memory_space<vmem>>, %arg9: memref<78x128xi32, #tpu.memory_space<vmem>>, %arg10: memref<1x128xi32, #tpu.memory_space<vmem>>, %arg11: memref<1x128xi32, #tpu.memory_space<vmem>>, %arg12: memref<10000xf32, #tpu.memory_space<vmem>>, %arg13: memref<10000xf32, #tpu.memory_space<vmem>>, %arg14: memref<10000xi32, #tpu.memory_space<vmem>>, %arg15: memref<16x64xf32, #tpu.memory_space<vmem>>, %arg16: memref<16x64xf32, #tpu.memory_space<vmem>>, %arg17: memref<16xi32, #tpu.memory_space<vmem>>, %arg18: memref<16xi32, #tpu.memory_space<vmem>>, %arg19: memref<32x64xf32, #tpu.memory_space<vmem_shared>>, %arg20: memref<!tpu.dma_semaphore, #tpu.memory_space<semaphore_mem>>) attributes {dimension_semantics = [#tpu.dimension_semantics<core_parallel>, #tpu.dimension_semantics<subcore_parallel>], iteration_bounds = array<i64: 2, 16>, scalar_prefetch = 0 : i64, scratch_operands = 13 : i64, tpu.core_type = #tpu.core_type<sc_vector_subcore>, window_params = [{transform_indices = #map}, {transform_indices = #map1}, {transform_indices = #map1}, {transform_indices = #map1}, {transform_indices = #map}, {transform_indices = #map}]} {
    %mul3A = arith.constant 1250 : i32
    %mul3A_0 = arith.muli %arg0, %mul3A : i32
    %mul3A_1 = arith.constant 78 : i32
    %mul3A_2 = arith.muli %arg1, %mul3A_1 : i32
    %add3A = arith.addi %mul3A_0, %mul3A_2 : i32
    %mul3A_3 = arith.constant 1250 : i32
    %mul3A_4 = arith.muli %arg0, %mul3A_3 : i32
    %add3A_5 = arith.constant 1248 : i32
    %add3A_6 = arith.addi %mul3A_4, %add3A_5 : i32
    %add3A_7 = arith.addi %add3A_6, %arg1 : i32
    %dma_start3A = arith.constant 0 : i32
    %dma_start3A_8 = tpu.memref_slice %arg2[%add3A, %dma_start3A] : memref<5000x128xi32, #tpu.memory_space<hbm>> -> memref<78x128xi32, #tpu.memory_space<hbm>>
    %dma_start3A_9 = arith.constant 0 : i32
    %dma_start3A_10 = tpu.memref_slice %arg2[%add3A, %dma_start3A_9] : memref<5000x128xi32, #tpu.memory_space<hbm>> -> memref<78x128xi32, #tpu.memory_space<hbm>>
    tpu.enqueue_dma source(%dma_start3A_10 : memref<78x128xi32, #tpu.memory_space<hbm>>) target(%arg8 : memref<78x128xi32, #tpu.memory_space<vmem>>) target_semaphore(%arg20 : memref<!tpu.dma_semaphore, #tpu.memory_space<semaphore_mem>>)
    %add3A_11 = arith.constant 2500 : i32
    %add3A_12 = arith.addi %add3A_11, %add3A : i32
    %dma_start3A_13 = arith.constant 0 : i32
    %dma_start3A_14 = tpu.memref_slice %arg2[%add3A_12, %dma_start3A_13] : memref<5000x128xi32, #tpu.memory_space<hbm>> -> memref<78x128xi32, #tpu.memory_space<hbm>>
    %dma_start3A_15 = arith.constant 0 : i32
    %dma_start3A_16 = tpu.memref_slice %arg2[%add3A_12, %dma_start3A_15] : memref<5000x128xi32, #tpu.memory_space<hbm>> -> memref<78x128xi32, #tpu.memory_space<hbm>>
    tpu.enqueue_dma source(%dma_start3A_16 : memref<78x128xi32, #tpu.memory_space<hbm>>) target(%arg9 : memref<78x128xi32, #tpu.memory_space<vmem>>) target_semaphore(%arg20 : memref<!tpu.dma_semaphore, #tpu.memory_space<semaphore_mem>>)
    tpu.enqueue_dma source(%arg3 : memref<10000xf32, #tpu.memory_space<hbm>>) target(%arg12 : memref<10000xf32, #tpu.memory_space<vmem>>) target_semaphore(%arg20 : memref<!tpu.dma_semaphore, #tpu.memory_space<semaphore_mem>>)
    tpu.enqueue_dma source(%arg4 : memref<10000xf32, #tpu.memory_space<hbm>>) target(%arg13 : memref<10000xf32, #tpu.memory_space<vmem>>) target_semaphore(%arg20 : memref<!tpu.dma_semaphore, #tpu.memory_space<semaphore_mem>>)
    tpu.enqueue_dma source(%arg5 : memref<10000xi32, #tpu.memory_space<hbm>>) target(%arg14 : memref<10000xi32, #tpu.memory_space<vmem>>) target_semaphore(%arg20 : memref<!tpu.dma_semaphore, #tpu.memory_space<semaphore_mem>>)
    %lt3A = arith.constant 2 : i32
    %lt3A_17 = arith.cmpi slt, %arg1, %lt3A : i32
    %convert_element_type3A = arith.extui %lt3A_17 : i1 to i32
    %cond3A = arith.constant 0 : i32
    %cond3A_18 = arith.cmpi ne, %convert_element_type3A, %cond3A : i32
    scf.if %cond3A_18 {
      %dma_start3A_72 = arith.constant 0 : i32
      %dma_start3A_73 = tpu.memref_slice %arg2[%add3A_7, %dma_start3A_72] : memref<5000x128xi32, #tpu.memory_space<hbm>> -> memref<1x128xi32, #tpu.memory_space<hbm>>
      %dma_start3A_74 = arith.constant 0 : i32
      %dma_start3A_75 = tpu.memref_slice %arg2[%add3A_7, %dma_start3A_74] : memref<5000x128xi32, #tpu.memory_space<hbm>> -> memref<1x128xi32, #tpu.memory_space<hbm>>
      tpu.enqueue_dma source(%dma_start3A_75 : memref<1x128xi32, #tpu.memory_space<hbm>>) target(%arg10 : memref<1x128xi32, #tpu.memory_space<vmem>>) target_semaphore(%arg20 : memref<!tpu.dma_semaphore, #tpu.memory_space<semaphore_mem>>)
      %add3A_76 = arith.constant 2500 : i32
      %add3A_77 = arith.addi %add3A_76, %add3A_7 : i32
      %dma_start3A_78 = arith.constant 0 : i32
      %dma_start3A_79 = tpu.memref_slice %arg2[%add3A_77, %dma_start3A_78] : memref<5000x128xi32, #tpu.memory_space<hbm>> -> memref<1x128xi32, #tpu.memory_space<hbm>>
      %dma_start3A_80 = arith.constant 0 : i32
      %dma_start3A_81 = tpu.memref_slice %arg2[%add3A_77, %dma_start3A_80] : memref<5000x128xi32, #tpu.memory_space<hbm>> -> memref<1x128xi32, #tpu.memory_space<hbm>>
      tpu.enqueue_dma source(%dma_start3A_81 : memref<1x128xi32, #tpu.memory_space<hbm>>) target(%arg11 : memref<1x128xi32, #tpu.memory_space<vmem>>) target_semaphore(%arg20 : memref<!tpu.dma_semaphore, #tpu.memory_space<semaphore_mem>>)
    } else {
    }
    "tpu.region"() ({
      %run_scoped3A = tpu.sem_alloc : memref<!tpu.dma_semaphore, #tpu.memory_space<semaphore_mem>>
      tpu.enqueue_dma source(%arg6 : memref<16x64xf32, #tpu.memory_space<hbm>>) target(%arg15 : memref<16x64xf32, #tpu.memory_space<vmem>>) target_semaphore(%run_scoped3A : memref<!tpu.dma_semaphore, #tpu.memory_space<semaphore_mem>>)
      tpu.wait_dma2 semaphore(%run_scoped3A : memref<!tpu.dma_semaphore, #tpu.memory_space<semaphore_mem>>) src(%arg6 : memref<16x64xf32, #tpu.memory_space<hbm>>) dst(%arg15 : memref<16x64xf32, #tpu.memory_space<vmem>>)
      tpu.yield
    }) : () -> ()
    "tpu.region"() ({
      %run_scoped3A = tpu.sem_alloc : memref<!tpu.dma_semaphore, #tpu.memory_space<semaphore_mem>>
      tpu.enqueue_dma source(%arg6 : memref<16x64xf32, #tpu.memory_space<hbm>>) target(%arg16 : memref<16x64xf32, #tpu.memory_space<vmem>>) target_semaphore(%run_scoped3A : memref<!tpu.dma_semaphore, #tpu.memory_space<semaphore_mem>>)
      tpu.wait_dma2 semaphore(%run_scoped3A : memref<!tpu.dma_semaphore, #tpu.memory_space<semaphore_mem>>) src(%arg6 : memref<16x64xf32, #tpu.memory_space<hbm>>) dst(%arg16 : memref<16x64xf32, #tpu.memory_space<vmem>>)
      tpu.yield
    }) : () -> ()
    %eq3A = arith.constant 0 : i32
    %eq3A_19 = arith.cmpi eq, %arg1, %eq3A : i32
    %convert_element_type3A_20 = arith.extui %eq3A_19 : i1 to i32
    %cond3A_21 = arith.constant 0 : i32
    %cond3A_22 = arith.cmpi ne, %convert_element_type3A_20, %cond3A_21 : i32
    scf.if %cond3A_22 {
      "tpu.region"() ({
        %run_scoped3A = tpu.sem_alloc : memref<!tpu.dma_semaphore, #tpu.memory_space<semaphore_mem>>
        %dma_start3A_72 = arith.constant 0 : i32
        %dma_start3A_73 = arith.constant 0 : i32
        %dma_start3A_74 = tpu.memref_slice %arg19[%dma_start3A_72, %dma_start3A_73] : memref<32x64xf32, #tpu.memory_space<vmem_shared>> -> memref<16x64xf32, #tpu.memory_space<vmem_shared>>
        tpu.enqueue_dma source(%arg6 : memref<16x64xf32, #tpu.memory_space<hbm>>) target(%dma_start3A_74 : memref<16x64xf32, #tpu.memory_space<vmem_shared>>) target_semaphore(%run_scoped3A : memref<!tpu.dma_semaphore, #tpu.memory_space<semaphore_mem>>)
        %dma_wait3A_75 = arith.constant 0 : i32
        %dma_wait3A_76 = arith.constant 0 : i32
        %dma_wait3A_77 = tpu.memref_slice %arg19[%dma_wait3A_75, %dma_wait3A_76] : memref<32x64xf32, #tpu.memory_space<vmem_shared>> -> memref<16x64xf32, #tpu.memory_space<vmem_shared>>
        tpu.wait_dma2 semaphore(%run_scoped3A : memref<!tpu.dma_semaphore, #tpu.memory_space<semaphore_mem>>) src(%arg6 : memref<16x64xf32, #tpu.memory_space<hbm>>) dst(%dma_wait3A_77 : memref<16x64xf32, #tpu.memory_space<vmem_shared>>)
        tpu.yield
      }) : () -> ()
      "tpu.region"() ({
        %run_scoped3A = tpu.sem_alloc : memref<!tpu.dma_semaphore, #tpu.memory_space<semaphore_mem>>
        %dma_start3A_72 = arith.constant 16 : i32
        %dma_start3A_73 = arith.constant 0 : i32
        %dma_start3A_74 = tpu.memref_slice %arg19[%dma_start3A_72, %dma_start3A_73] : memref<32x64xf32, #tpu.memory_space<vmem_shared>> -> memref<16x64xf32, #tpu.memory_space<vmem_shared>>
        tpu.enqueue_dma source(%arg6 : memref<16x64xf32, #tpu.memory_space<hbm>>) target(%dma_start3A_74 : memref<16x64xf32, #tpu.memory_space<vmem_shared>>) target_semaphore(%run_scoped3A : memref<!tpu.dma_semaphore, #tpu.memory_space<semaphore_mem>>)
        %dma_wait3A_75 = arith.constant 16 : i32
        %dma_wait3A_76 = arith.constant 0 : i32
        %dma_wait3A_77 = tpu.memref_slice %arg19[%dma_wait3A_75, %dma_wait3A_76] : memref<32x64xf32, #tpu.memory_space<vmem_shared>> -> memref<16x64xf32, #tpu.memory_space<vmem_shared>>
        tpu.wait_dma2 semaphore(%run_scoped3A : memref<!tpu.dma_semaphore, #tpu.memory_space<semaphore_mem>>) src(%arg6 : memref<16x64xf32, #tpu.memory_space<hbm>>) dst(%dma_wait3A_77 : memref<16x64xf32, #tpu.memory_space<vmem_shared>>)
        tpu.yield
      }) : () -> ()
    } else {
    }
    %iota3A = tpu.iota {dimensions = array<i32: 0>} : vector<16xi32>
    %swap3A = arith.constant 0 : index
    %swap3A_23 = tpu.vector_load %arg17[%swap3A] {strides = array<i32>} : memref<16xi32, #tpu.memory_space<vmem>>, vector<16xi32>,
    tpu.vector_store %arg17[%swap3A], %iota3A {strides = array<i32>} : memref<16xi32, #tpu.memory_space<vmem>>, vector<16xi32>,
    %add3A_24 = arith.constant 16 : i32
    %add3A_25 = vector.broadcast %add3A_24 : i32 to vector<16xi32>
    %add3A_26 = arith.addi %iota3A, %add3A_25 : vector<16xi32>
    %swap3A_27 = arith.constant 0 : index
    %swap3A_28 = tpu.vector_load %arg18[%swap3A_27] {strides = array<i32>} : memref<16xi32, #tpu.memory_space<vmem>>, vector<16xi32>,
    tpu.vector_store %arg18[%swap3A_27], %add3A_26 {strides = array<i32>} : memref<16xi32, #tpu.memory_space<vmem>>, vector<16xi32>,
    %dma_wait3A = arith.constant 0 : i32
    %dma_wait3A_29 = tpu.memref_slice %arg2[%add3A, %dma_wait3A] : memref<5000x128xi32, #tpu.memory_space<hbm>> -> memref<78x128xi32, #tpu.memory_space<hbm>>
    %dma_wait3A_30 = arith.constant 0 : i32
    %dma_wait3A_31 = tpu.memref_slice %arg2[%add3A, %dma_wait3A_30] : memref<5000x128xi32, #tpu.memory_space<hbm>> -> memref<78x128xi32, #tpu.memory_space<hbm>>
    tpu.wait_dma2 semaphore(%arg20 : memref<!tpu.dma_semaphore, #tpu.memory_space<semaphore_mem>>) src(%dma_wait3A_31 : memref<78x128xi32, #tpu.memory_space<hbm>>) dst(%arg8 : memref<78x128xi32, #tpu.memory_space<vmem>>)
    %add3A_32 = arith.constant 2500 : i32
    %add3A_33 = arith.addi %add3A_32, %add3A : i32
    %dma_wait3A_34 = arith.constant 0 : i32
    %dma_wait3A_35 = tpu.memref_slice %arg2[%add3A_33, %dma_wait3A_34] : memref<5000x128xi32, #tpu.memory_space<hbm>> -> memref<78x128xi32, #tpu.memory_space<hbm>>
    %dma_wait3A_36 = arith.constant 0 : i32
    %dma_wait3A_37 = tpu.memref_slice %arg2[%add3A_33, %dma_wait3A_36] : memref<5000x128xi32, #tpu.memory_space<hbm>> -> memref<78x128xi32, #tpu.memory_space<hbm>>
    tpu.wait_dma2 semaphore(%arg20 : memref<!tpu.dma_semaphore, #tpu.memory_space<semaphore_mem>>) src(%dma_wait3A_37 : memref<78x128xi32, #tpu.memory_space<hbm>>) dst(%arg9 : memref<78x128xi32, #tpu.memory_space<vmem>>)
    tpu.wait_dma2 semaphore(%arg20 : memref<!tpu.dma_semaphore, #tpu.memory_space<semaphore_mem>>) src(%arg3 : memref<10000xf32, #tpu.memory_space<hbm>>) dst(%arg12 : memref<10000xf32, #tpu.memory_space<vmem>>)
    tpu.wait_dma2 semaphore(%arg20 : memref<!tpu.dma_semaphore, #tpu.memory_space<semaphore_mem>>) src(%arg4 : memref<10000xf32, #tpu.memory_space<hbm>>) dst(%arg13 : memref<10000xf32, #tpu.memory_space<vmem>>)
    tpu.wait_dma2 semaphore(%arg20 : memref<!tpu.dma_semaphore, #tpu.memory_space<semaphore_mem>>) src(%arg5 : memref<10000xi32, #tpu.memory_space<hbm>>) dst(%arg14 : memref<10000xi32, #tpu.memory_space<vmem>>)
    %lt3A_38 = arith.constant 2 : i32
    %lt3A_39 = arith.cmpi slt, %arg1, %lt3A_38 : i32
    %convert_element_type3A_40 = arith.extui %lt3A_39 : i1 to i32
    %cond3A_41 = arith.constant 0 : i32
    %cond3A_42 = arith.cmpi ne, %convert_element_type3A_40, %cond3A_41 : i32
    scf.if %cond3A_42 {
      %dma_wait3A_72 = arith.constant 0 : i32
      %dma_wait3A_73 = tpu.memref_slice %arg2[%add3A_7, %dma_wait3A_72] : memref<5000x128xi32, #tpu.memory_space<hbm>> -> memref<1x128xi32, #tpu.memory_space<hbm>>
      %dma_wait3A_74 = arith.constant 0 : i32
      %dma_wait3A_75 = tpu.memref_slice %arg2[%add3A_7, %dma_wait3A_74] : memref<5000x128xi32, #tpu.memory_space<hbm>> -> memref<1x128xi32, #tpu.memory_space<hbm>>
      tpu.wait_dma2 semaphore(%arg20 : memref<!tpu.dma_semaphore, #tpu.memory_space<semaphore_mem>>) src(%dma_wait3A_75 : memref<1x128xi32, #tpu.memory_space<hbm>>) dst(%arg10 : memref<1x128xi32, #tpu.memory_space<vmem>>)
      %add3A_76 = arith.constant 2500 : i32
      %add3A_77 = arith.addi %add3A_76, %add3A_7 : i32
      %dma_wait3A_78 = arith.constant 0 : i32
      %dma_wait3A_79 = tpu.memref_slice %arg2[%add3A_77, %dma_wait3A_78] : memref<5000x128xi32, #tpu.memory_space<hbm>> -> memref<1x128xi32, #tpu.memory_space<hbm>>
      %dma_wait3A_80 = arith.constant 0 : i32
      %dma_wait3A_81 = tpu.memref_slice %arg2[%add3A_77, %dma_wait3A_80] : memref<5000x128xi32, #tpu.memory_space<hbm>> -> memref<1x128xi32, #tpu.memory_space<hbm>>
      tpu.wait_dma2 semaphore(%arg20 : memref<!tpu.dma_semaphore, #tpu.memory_space<semaphore_mem>>) src(%dma_wait3A_81 : memref<1x128xi32, #tpu.memory_space<hbm>>) dst(%arg11 : memref<1x128xi32, #tpu.memory_space<vmem>>)
    } else {
    }
    %barrier3A = arith.constant 0 : index
    tpu.barrier barrier_id(%barrier3A)
    %iota3A_43 = tpu.iota {dimensions = array<i32: 0>} : vector<16xi32>
    %scan3A = arith.constant 0 : i32
    %scan3A_44 = arith.constant 0 : i32
    %scan3A_45 = arith.constant 78 : i32
    %scan3A_46 = arith.addi %scan3A_44, %scan3A_45 : i32
    %scan3A_47 = arith.constant 1 : i32
    scf.for %scan3A_72 = %scan3A_44 to %scan3A_46 step %scan3A_47  : i32 {
      %get3A = arith.index_cast %scan3A_72 : i32 to index
      %get3A_73 = arith.constant 0 : index
      %get3A_74 = tpu.vector_load %arg8[%get3A, %get3A_73] {strides = array<i32>} : memref<78x128xi32, #tpu.memory_space<vmem>>, vector<16xi32>,
      %get3A_75 = arith.index_cast %scan3A_72 : i32 to index
      %get3A_76 = arith.constant 0 : index
      %get3A_77 = tpu.vector_load %arg9[%get3A_75, %get3A_76] {strides = array<i32>} : memref<78x128xi32, #tpu.memory_space<vmem>>, vector<16xi32>,
      %gather3A = tpu.vector_load_idx %arg12[%get3A_74] : memref<10000xf32, #tpu.memory_space<vmem>>[vector<16xi32>], vector<16xf32>,
      %gather3A_78 = tpu.vector_load_idx %arg13[%get3A_77] : memref<10000xf32, #tpu.memory_space<vmem>>[vector<16xi32>], vector<16xf32>,
      %gather3A_79 = tpu.vector_load_idx %arg14[%get3A_77] : memref<10000xi32, #tpu.memory_space<vmem>>[vector<16xi32>], vector<16xi32>,
      %mul3A_80 = arith.mulf %gather3A, %gather3A_78 : vector<16xf32>
      tpu.vector_store_idx %arg15[%iota3A_43, %gather3A_79], %mul3A_80 {add = true} : memref<16x64xf32, #tpu.memory_space<vmem>>[vector<16xi32>, vector<16xi32>], vector<16xf32>,
      %get3A_81 = arith.index_cast %scan3A_72 : i32 to index
      %get3A_82 = arith.constant 16 : index
      %get3A_83 = tpu.vector_load %arg8[%get3A_81, %get3A_82] {strides = array<i32>} : memref<78x128xi32, #tpu.memory_space<vmem>>, vector<16xi32>,
      %get3A_84 = arith.index_cast %scan3A_72 : i32 to index
      %get3A_85 = arith.constant 16 : index
      %get3A_86 = tpu.vector_load %arg9[%get3A_84, %get3A_85] {strides = array<i32>} : memref<78x128xi32, #tpu.memory_space<vmem>>, vector<16xi32>,
      %gather3A_87 = tpu.vector_load_idx %arg12[%get3A_83] : memref<10000xf32, #tpu.memory_space<vmem>>[vector<16xi32>], vector<16xf32>,
      %gather3A_88 = tpu.vector_load_idx %arg13[%get3A_86] : memref<10000xf32, #tpu.memory_space<vmem>>[vector<16xi32>], vector<16xf32>,
      %gather3A_89 = tpu.vector_load_idx %arg14[%get3A_86] : memref<10000xi32, #tpu.memory_space<vmem>>[vector<16xi32>], vector<16xi32>,
      %mul3A_90 = arith.mulf %gather3A_87, %gather3A_88 : vector<16xf32>
      tpu.vector_store_idx %arg15[%iota3A_43, %gather3A_89], %mul3A_90 {add = true} : memref<16x64xf32, #tpu.memory_space<vmem>>[vector<16xi32>, vector<16xi32>], vector<16xf32>,
      %get3A_91 = arith.index_cast %scan3A_72 : i32 to index
      %get3A_92 = arith.constant 32 : index
      %get3A_93 = tpu.vector_load %arg8[%get3A_91, %get3A_92] {strides = array<i32>} : memref<78x128xi32, #tpu.memory_space<vmem>>, vector<16xi32>,
      %get3A_94 = arith.index_cast %scan3A_72 : i32 to index
      %get3A_95 = arith.constant 32 : index
      %get3A_96 = tpu.vector_load %arg9[%get3A_94, %get3A_95] {strides = array<i32>} : memref<78x128xi32, #tpu.memory_space<vmem>>, vector<16xi32>,
      %gather3A_97 = tpu.vector_load_idx %arg12[%get3A_93] : memref<10000xf32, #tpu.memory_space<vmem>>[vector<16xi32>], vector<16xf32>,
      %gather3A_98 = tpu.vector_load_idx %arg13[%get3A_96] : memref<10000xf32, #tpu.memory_space<vmem>>[vector<16xi32>], vector<16xf32>,
      %gather3A_99 = tpu.vector_load_idx %arg14[%get3A_96] : memref<10000xi32, #tpu.memory_space<vmem>>[vector<16xi32>], vector<16xi32>,
      %mul3A_100 = arith.mulf %gather3A_97, %gather3A_98 : vector<16xf32>
      tpu.vector_store_idx %arg15[%iota3A_43, %gather3A_99], %mul3A_100 {add = true} : memref<16x64xf32, #tpu.memory_space<vmem>>[vector<16xi32>, vector<16xi32>], vector<16xf32>,
      %get3A_101 = arith.index_cast %scan3A_72 : i32 to index
      %get3A_102 = arith.constant 48 : index
      %get3A_103 = tpu.vector_load %arg8[%get3A_101, %get3A_102] {strides = array<i32>} : memref<78x128xi32, #tpu.memory_space<vmem>>, vector<16xi32>,
      %get3A_104 = arith.index_cast %scan3A_72 : i32 to index
      %get3A_105 = arith.constant 48 : index
      %get3A_106 = tpu.vector_load %arg9[%get3A_104, %get3A_105] {strides = array<i32>} : memref<78x128xi32, #tpu.memory_space<vmem>>, vector<16xi32>,
      %gather3A_107 = tpu.vector_load_idx %arg12[%get3A_103] : memref<10000xf32, #tpu.memory_space<vmem>>[vector<16xi32>], vector<16xf32>,
      %gather3A_108 = tpu.vector_load_idx %arg13[%get3A_106] : memref<10000xf32, #tpu.memory_space<vmem>>[vector<16xi32>], vector<16xf32>,
      %gather3A_109 = tpu.vector_load_idx %arg14[%get3A_106] : memref<10000xi32, #tpu.memory_space<vmem>>[vector<16xi32>], vector<16xi32>,
      %mul3A_110 = arith.mulf %gather3A_107, %gather3A_108 : vector<16xf32>
      tpu.vector_store_idx %arg15[%iota3A_43, %gather3A_109], %mul3A_110 {add = true} : memref<16x64xf32, #tpu.memory_space<vmem>>[vector<16xi32>, vector<16xi32>], vector<16xf32>,
      %get3A_111 = arith.index_cast %scan3A_72 : i32 to index
      %get3A_112 = arith.constant 64 : index
      %get3A_113 = tpu.vector_load %arg8[%get3A_111, %get3A_112] {strides = array<i32>} : memref<78x128xi32, #tpu.memory_space<vmem>>, vector<16xi32>,
      %get3A_114 = arith.index_cast %scan3A_72 : i32 to index
      %get3A_115 = arith.constant 64 : index
      %get3A_116 = tpu.vector_load %arg9[%get3A_114, %get3A_115] {strides = array<i32>} : memref<78x128xi32, #tpu.memory_space<vmem>>, vector<16xi32>,
      %gather3A_117 = tpu.vector_load_idx %arg12[%get3A_113] : memref<10000xf32, #tpu.memory_space<vmem>>[vector<16xi32>], vector<16xf32>,
      %gather3A_118 = tpu.vector_load_idx %arg13[%get3A_116] : memref<10000xf32, #tpu.memory_space<vmem>>[vector<16xi32>], vector<16xf32>,
      %gather3A_119 = tpu.vector_load_idx %arg14[%get3A_116] : memref<10000xi32, #tpu.memory_space<vmem>>[vector<16xi32>], vector<16xi32>,
      %mul3A_120 = arith.mulf %gather3A_117, %gather3A_118 : vector<16xf32>
      tpu.vector_store_idx %arg15[%iota3A_43, %gather3A_119], %mul3A_120 {add = true} : memref<16x64xf32, #tpu.memory_space<vmem>>[vector<16xi32>, vector<16xi32>], vector<16xf32>,
      %get3A_121 = arith.index_cast %scan3A_72 : i32 to index
      %get3A_122 = arith.constant 80 : index
      %get3A_123 = tpu.vector_load %arg8[%get3A_121, %get3A_122] {strides = array<i32>} : memref<78x128xi32, #tpu.memory_space<vmem>>, vector<16xi32>,
      %get3A_124 = arith.index_cast %scan3A_72 : i32 to index
      %get3A_125 = arith.constant 80 : index
      %get3A_126 = tpu.vector_load %arg9[%get3A_124, %get3A_125] {strides = array<i32>} : memref<78x128xi32, #tpu.memory_space<vmem>>, vector<16xi32>,
      %gather3A_127 = tpu.vector_load_idx %arg12[%get3A_123] : memref<10000xf32, #tpu.memory_space<vmem>>[vector<16xi32>], vector<16xf32>,
      %gather3A_128 = tpu.vector_load_idx %arg13[%get3A_126] : memref<10000xf32, #tpu.memory_space<vmem>>[vector<16xi32>], vector<16xf32>,
      %gather3A_129 = tpu.vector_load_idx %arg14[%get3A_126] : memref<10000xi32, #tpu.memory_space<vmem>>[vector<16xi32>], vector<16xi32>,
      %mul3A_130 = arith.mulf %gather3A_127, %gather3A_128 : vector<16xf32>
      tpu.vector_store_idx %arg15[%iota3A_43, %gather3A_129], %mul3A_130 {add = true} : memref<16x64xf32, #tpu.memory_space<vmem>>[vector<16xi32>, vector<16xi32>], vector<16xf32>,
      %get3A_131 = arith.index_cast %scan3A_72 : i32 to index
      %get3A_132 = arith.constant 96 : index
      %get3A_133 = tpu.vector_load %arg8[%get3A_131, %get3A_132] {strides = array<i32>} : memref<78x128xi32, #tpu.memory_space<vmem>>, vector<16xi32>,
      %get3A_134 = arith.index_cast %scan3A_72 : i32 to index
      %get3A_135 = arith.constant 96 : index
      %get3A_136 = tpu.vector_load %arg9[%get3A_134, %get3A_135] {strides = array<i32>} : memref<78x128xi32, #tpu.memory_space<vmem>>, vector<16xi32>,
      %gather3A_137 = tpu.vector_load_idx %arg12[%get3A_133] : memref<10000xf32, #tpu.memory_space<vmem>>[vector<16xi32>], vector<16xf32>,
      %gather3A_138 = tpu.vector_load_idx %arg13[%get3A_136] : memref<10000xf32, #tpu.memory_space<vmem>>[vector<16xi32>], vector<16xf32>,
      %gather3A_139 = tpu.vector_load_idx %arg14[%get3A_136] : memref<10000xi32, #tpu.memory_space<vmem>>[vector<16xi32>], vector<16xi32>,
      %mul3A_140 = arith.mulf %gather3A_137, %gather3A_138 : vector<16xf32>
      tpu.vector_store_idx %arg15[%iota3A_43, %gather3A_139], %mul3A_140 {add = true} : memref<16x64xf32, #tpu.memory_space<vmem>>[vector<16xi32>, vector<16xi32>], vector<16xf32>,
      %get3A_141 = arith.index_cast %scan3A_72 : i32 to index
      %get3A_142 = arith.constant 112 : index
      %get3A_143 = tpu.vector_load %arg8[%get3A_141, %get3A_142] {strides = array<i32>} : memref<78x128xi32, #tpu.memory_space<vmem>>, vector<16xi32>,
      %get3A_144 = arith.index_cast %scan3A_72 : i32 to index
      %get3A_145 = arith.constant 112 : index
      %get3A_146 = tpu.vector_load %arg9[%get3A_144, %get3A_145] {strides = array<i32>} : memref<78x128xi32, #tpu.memory_space<vmem>>, vector<16xi32>,
      %gather3A_147 = tpu.vector_load_idx %arg12[%get3A_143] : memref<10000xf32, #tpu.memory_space<vmem>>[vector<16xi32>], vector<16xf32>,
      %gather3A_148 = tpu.vector_load_idx %arg13[%get3A_146] : memref<10000xf32, #tpu.memory_space<vmem>>[vector<16xi32>], vector<16xf32>,
      %gather3A_149 = tpu.vector_load_idx %arg14[%get3A_146] : memref<10000xi32, #tpu.memory_space<vmem>>[vector<16xi32>], vector<16xi32>,
      %mul3A_150 = arith.mulf %gather3A_147, %gather3A_148 : vector<16xf32>
      tpu.vector_store_idx %arg15[%iota3A_43, %gather3A_149], %mul3A_150 {add = true} : memref<16x64xf32, #tpu.memory_space<vmem>>[vector<16xi32>, vector<16xi32>], vector<16xf32>,
    }
    %scan3A_48 = arith.constant 78 : i32
    %lt3A_49 = arith.constant 2 : i32
    %lt3A_50 = arith.cmpi slt, %arg1, %lt3A_49 : i32
    %convert_element_type3A_51 = arith.extui %lt3A_50 : i1 to i32
    %cond3A_52 = arith.constant 0 : i32
    %cond3A_53 = arith.cmpi ne, %convert_element_type3A_51, %cond3A_52 : i32
    scf.if %cond3A_53 {
      %get3A = arith.constant 0 : i32
      %get3A_72 = arith.index_cast %get3A : i32 to index
      %get3A_73 = arith.constant 0 : index
      %get3A_74 = tpu.vector_load %arg10[%get3A_72, %get3A_73] {strides = array<i32>} : memref<1x128xi32, #tpu.memory_space<vmem>>, vector<16xi32>,
      %get3A_75 = arith.constant 0 : i32
      %get3A_76 = arith.index_cast %get3A_75 : i32 to index
      %get3A_77 = arith.constant 0 : index
      %get3A_78 = tpu.vector_load %arg11[%get3A_76, %get3A_77] {strides = array<i32>} : memref<1x128xi32, #tpu.memory_space<vmem>>, vector<16xi32>,
      %gather3A = tpu.vector_load_idx %arg12[%get3A_74] : memref<10000xf32, #tpu.memory_space<vmem>>[vector<16xi32>], vector<16xf32>,
      %gather3A_79 = tpu.vector_load_idx %arg13[%get3A_78] : memref<10000xf32, #tpu.memory_space<vmem>>[vector<16xi32>], vector<16xf32>,
      %gather3A_80 = tpu.vector_load_idx %arg14[%get3A_78] : memref<10000xi32, #tpu.memory_space<vmem>>[vector<16xi32>], vector<16xi32>,
      %mul3A_81 = arith.mulf %gather3A, %gather3A_79 : vector<16xf32>
      tpu.vector_store_idx %arg15[%iota3A_43, %gather3A_80], %mul3A_81 {add = true} : memref<16x64xf32, #tpu.memory_space<vmem>>[vector<16xi32>, vector<16xi32>], vector<16xf32>,
      %get3A_82 = arith.constant 0 : i32
      %get3A_83 = arith.index_cast %get3A_82 : i32 to index
      %get3A_84 = arith.constant 16 : index
      %get3A_85 = tpu.vector_load %arg10[%get3A_83, %get3A_84] {strides = array<i32>} : memref<1x128xi32, #tpu.memory_space<vmem>>, vector<16xi32>,
      %get3A_86 = arith.constant 0 : i32
      %get3A_87 = arith.index_cast %get3A_86 : i32 to index
      %get3A_88 = arith.constant 16 : index
      %get3A_89 = tpu.vector_load %arg11[%get3A_87, %get3A_88] {strides = array<i32>} : memref<1x128xi32, #tpu.memory_space<vmem>>, vector<16xi32>,
      %gather3A_90 = tpu.vector_load_idx %arg12[%get3A_85] : memref<10000xf32, #tpu.memory_space<vmem>>[vector<16xi32>], vector<16xf32>,
      %gather3A_91 = tpu.vector_load_idx %arg13[%get3A_89] : memref<10000xf32, #tpu.memory_space<vmem>>[vector<16xi32>], vector<16xf32>,
      %gather3A_92 = tpu.vector_load_idx %arg14[%get3A_89] : memref<10000xi32, #tpu.memory_space<vmem>>[vector<16xi32>], vector<16xi32>,
      %mul3A_93 = arith.mulf %gather3A_90, %gather3A_91 : vector<16xf32>
      tpu.vector_store_idx %arg15[%iota3A_43, %gather3A_92], %mul3A_93 {add = true} : memref<16x64xf32, #tpu.memory_space<vmem>>[vector<16xi32>, vector<16xi32>], vector<16xf32>,
      %get3A_94 = arith.constant 0 : i32
      %get3A_95 = arith.index_cast %get3A_94 : i32 to index
      %get3A_96 = arith.constant 32 : index
      %get3A_97 = tpu.vector_load %arg10[%get3A_95, %get3A_96] {strides = array<i32>} : memref<1x128xi32, #tpu.memory_space<vmem>>, vector<16xi32>,
      %get3A_98 = arith.constant 0 : i32
      %get3A_99 = arith.index_cast %get3A_98 : i32 to index
      %get3A_100 = arith.constant 32 : index
      %get3A_101 = tpu.vector_load %arg11[%get3A_99, %get3A_100] {strides = array<i32>} : memref<1x128xi32, #tpu.memory_space<vmem>>, vector<16xi32>,
      %gather3A_102 = tpu.vector_load_idx %arg12[%get3A_97] : memref<10000xf32, #tpu.memory_space<vmem>>[vector<16xi32>], vector<16xf32>,
      %gather3A_103 = tpu.vector_load_idx %arg13[%get3A_101] : memref<10000xf32, #tpu.memory_space<vmem>>[vector<16xi32>], vector<16xf32>,
      %gather3A_104 = tpu.vector_load_idx %arg14[%get3A_101] : memref<10000xi32, #tpu.memory_space<vmem>>[vector<16xi32>], vector<16xi32>,
      %mul3A_105 = arith.mulf %gather3A_102, %gather3A_103 : vector<16xf32>
      tpu.vector_store_idx %arg15[%iota3A_43, %gather3A_104], %mul3A_105 {add = true} : memref<16x64xf32, #tpu.memory_space<vmem>>[vector<16xi32>, vector<16xi32>], vector<16xf32>,
      %get3A_106 = arith.constant 0 : i32
      %get3A_107 = arith.index_cast %get3A_106 : i32 to index
      %get3A_108 = arith.constant 48 : index
      %get3A_109 = tpu.vector_load %arg10[%get3A_107, %get3A_108] {strides = array<i32>} : memref<1x128xi32, #tpu.memory_space<vmem>>, vector<16xi32>,
      %get3A_110 = arith.constant 0 : i32
      %get3A_111 = arith.index_cast %get3A_110 : i32 to index
      %get3A_112 = arith.constant 48 : index
      %get3A_113 = tpu.vector_load %arg11[%get3A_111, %get3A_112] {strides = array<i32>} : memref<1x128xi32, #tpu.memory_space<vmem>>, vector<16xi32>,
      %gather3A_114 = tpu.vector_load_idx %arg12[%get3A_109] : memref<10000xf32, #tpu.memory_space<vmem>>[vector<16xi32>], vector<16xf32>,
      %gather3A_115 = tpu.vector_load_idx %arg13[%get3A_113] : memref<10000xf32, #tpu.memory_space<vmem>>[vector<16xi32>], vector<16xf32>,
      %gather3A_116 = tpu.vector_load_idx %arg14[%get3A_113] : memref<10000xi32, #tpu.memory_space<vmem>>[vector<16xi32>], vector<16xi32>,
      %mul3A_117 = arith.mulf %gather3A_114, %gather3A_115 : vector<16xf32>
      tpu.vector_store_idx %arg15[%iota3A_43, %gather3A_116], %mul3A_117 {add = true} : memref<16x64xf32, #tpu.memory_space<vmem>>[vector<16xi32>, vector<16xi32>], vector<16xf32>,
      %get3A_118 = arith.constant 0 : i32
      %get3A_119 = arith.index_cast %get3A_118 : i32 to index
      %get3A_120 = arith.constant 64 : index
      %get3A_121 = tpu.vector_load %arg10[%get3A_119, %get3A_120] {strides = array<i32>} : memref<1x128xi32, #tpu.memory_space<vmem>>, vector<16xi32>,
      %get3A_122 = arith.constant 0 : i32
      %get3A_123 = arith.index_cast %get3A_122 : i32 to index
      %get3A_124 = arith.constant 64 : index
      %get3A_125 = tpu.vector_load %arg11[%get3A_123, %get3A_124] {strides = array<i32>} : memref<1x128xi32, #tpu.memory_space<vmem>>, vector<16xi32>,
      %gather3A_126 = tpu.vector_load_idx %arg12[%get3A_121] : memref<10000xf32, #tpu.memory_space<vmem>>[vector<16xi32>], vector<16xf32>,
      %gather3A_127 = tpu.vector_load_idx %arg13[%get3A_125] : memref<10000xf32, #tpu.memory_space<vmem>>[vector<16xi32>], vector<16xf32>,
      %gather3A_128 = tpu.vector_load_idx %arg14[%get3A_125] : memref<10000xi32, #tpu.memory_space<vmem>>[vector<16xi32>], vector<16xi32>,
      %mul3A_129 = arith.mulf %gather3A_126, %gather3A_127 : vector<16xf32>
      tpu.vector_store_idx %arg15[%iota3A_43, %gather3A_128], %mul3A_129 {add = true} : memref<16x64xf32, #tpu.memory_space<vmem>>[vector<16xi32>, vector<16xi32>], vector<16xf32>,
      %get3A_130 = arith.constant 0 : i32
      %get3A_131 = arith.index_cast %get3A_130 : i32 to index
      %get3A_132 = arith.constant 80 : index
      %get3A_133 = tpu.vector_load %arg10[%get3A_131, %get3A_132] {strides = array<i32>} : memref<1x128xi32, #tpu.memory_space<vmem>>, vector<16xi32>,
      %get3A_134 = arith.constant 0 : i32
      %get3A_135 = arith.index_cast %get3A_134 : i32 to index
      %get3A_136 = arith.constant 80 : index
      %get3A_137 = tpu.vector_load %arg11[%get3A_135, %get3A_136] {strides = array<i32>} : memref<1x128xi32, #tpu.memory_space<vmem>>, vector<16xi32>,
      %gather3A_138 = tpu.vector_load_idx %arg12[%get3A_133] : memref<10000xf32, #tpu.memory_space<vmem>>[vector<16xi32>], vector<16xf32>,
      %gather3A_139 = tpu.vector_load_idx %arg13[%get3A_137] : memref<10000xf32, #tpu.memory_space<vmem>>[vector<16xi32>], vector<16xf32>,
      %gather3A_140 = tpu.vector_load_idx %arg14[%get3A_137] : memref<10000xi32, #tpu.memory_space<vmem>>[vector<16xi32>], vector<16xi32>,
      %mul3A_141 = arith.mulf %gather3A_138, %gather3A_139 : vector<16xf32>
      tpu.vector_store_idx %arg15[%iota3A_43, %gather3A_140], %mul3A_141 {add = true} : memref<16x64xf32, #tpu.memory_space<vmem>>[vector<16xi32>, vector<16xi32>], vector<16xf32>,
      %get3A_142 = arith.constant 0 : i32
      %get3A_143 = arith.index_cast %get3A_142 : i32 to index
      %get3A_144 = arith.constant 96 : index
      %get3A_145 = tpu.vector_load %arg10[%get3A_143, %get3A_144] {strides = array<i32>} : memref<1x128xi32, #tpu.memory_space<vmem>>, vector<16xi32>,
      %get3A_146 = arith.constant 0 : i32
      %get3A_147 = arith.index_cast %get3A_146 : i32 to index
      %get3A_148 = arith.constant 96 : index
      %get3A_149 = tpu.vector_load %arg11[%get3A_147, %get3A_148] {strides = array<i32>} : memref<1x128xi32, #tpu.memory_space<vmem>>, vector<16xi32>,
      %gather3A_150 = tpu.vector_load_idx %arg12[%get3A_145] : memref<10000xf32, #tpu.memory_space<vmem>>[vector<16xi32>], vector<16xf32>,
      %gather3A_151 = tpu.vector_load_idx %arg13[%get3A_149] : memref<10000xf32, #tpu.memory_space<vmem>>[vector<16xi32>], vector<16xf32>,
      %gather3A_152 = tpu.vector_load_idx %arg14[%get3A_149] : memref<10000xi32, #tpu.memory_space<vmem>>[vector<16xi32>], vector<16xi32>,
      %mul3A_153 = arith.mulf %gather3A_150, %gather3A_151 : vector<16xf32>
      tpu.vector_store_idx %arg15[%iota3A_43, %gather3A_152], %mul3A_153 {add = true} : memref<16x64xf32, #tpu.memory_space<vmem>>[vector<16xi32>, vector<16xi32>], vector<16xf32>,
      %get3A_154 = arith.constant 0 : i32
      %get3A_155 = arith.index_cast %get3A_154 : i32 to index
      %get3A_156 = arith.constant 112 : index
      %get3A_157 = tpu.vector_load %arg10[%get3A_155, %get3A_156] {strides = array<i32>} : memref<1x128xi32, #tpu.memory_space<vmem>>, vector<16xi32>,
      %get3A_158 = arith.constant 0 : i32
      %get3A_159 = arith.index_cast %get3A_158 : i32 to index
      %get3A_160 = arith.constant 112 : index
      %get3A_161 = tpu.vector_load %arg11[%get3A_159, %get3A_160] {strides = array<i32>} : memref<1x128xi32, #tpu.memory_space<vmem>>, vector<16xi32>,
      %gather3A_162 = tpu.vector_load_idx %arg12[%get3A_157] : memref<10000xf32, #tpu.memory_space<vmem>>[vector<16xi32>], vector<16xf32>,
      %gather3A_163 = tpu.vector_load_idx %arg13[%get3A_161] : memref<10000xf32, #tpu.memory_space<vmem>>[vector<16xi32>], vector<16xf32>,
      %gather3A_164 = tpu.vector_load_idx %arg14[%get3A_161] : memref<10000xi32, #tpu.memory_space<vmem>>[vector<16xi32>], vector<16xi32>,
      %mul3A_165 = arith.mulf %gather3A_162, %gather3A_163 : vector<16xf32>
      tpu.vector_store_idx %arg15[%iota3A_43, %gather3A_164], %mul3A_165 {add = true} : memref<16x64xf32, #tpu.memory_space<vmem>>[vector<16xi32>, vector<16xi32>], vector<16xf32>,
    } else {
    }
    %mul3A_54 = arith.constant 16 : i32
    %mul3A_55 = arith.muli %arg0, %mul3A_54 : i32
    %add3A_56 = arith.addi %mul3A_55, %arg1 : i32
    %mul3A_57 = arith.constant 320 : i32
    %mul3A_58 = arith.muli %add3A_56, %mul3A_57 : i32
    %broadcast_in_dim3A = arith.constant 1.000000e+00 : f32
    %broadcast_in_dim3A_59 = vector.broadcast %broadcast_in_dim3A : f32 to vector<16xf32>
    %scan3A_60 = arith.constant 0 : i32
    %scan3A_61 = arith.constant 0 : i32
    %scan3A_62 = arith.constant 20 : i32
    %scan3A_63 = arith.addi %scan3A_61, %scan3A_62 : i32
    %scan3A_64 = arith.constant 1 : i32
    scf.for %scan3A_72 = %scan3A_61 to %scan3A_63 step %scan3A_64  : i32 {
      %mul3A_73 = arith.constant 16 : i32
      %mul3A_74 = arith.muli %scan3A_72, %mul3A_73 : i32
      %add3A_75 = arith.addi %mul3A_58, %mul3A_74 : i32
      %add3A_76 = vector.broadcast %add3A_75 : i32 to vector<16xi32>
      %add3A_77 = arith.addi %add3A_76, %iota3A_43 : vector<16xi32>
      %lt3A_78 = arith.constant 10000 : i32
      %lt3A_79 = vector.broadcast %lt3A_78 : i32 to vector<16xi32>
      %lt3A_80 = arith.cmpi slt, %add3A_77, %lt3A_79 : vector<16xi32>
      %min3A = arith.constant 9999 : i32
      %min3A_81 = vector.broadcast %min3A : i32 to vector<16xi32>
      %min3A_82 = arith.minsi %add3A_77, %min3A_81 : vector<16xi32>
      %gather3A = tpu.vector_load_idx %arg12[%min3A_82] : memref<10000xf32, #tpu.memory_space<vmem>>[vector<16xi32>], vector<16xf32>,
      %gather3A_83 = tpu.vector_load_idx %arg13[%min3A_82] : memref<10000xf32, #tpu.memory_space<vmem>>[vector<16xi32>], vector<16xf32>,
      %gather3A_84 = tpu.vector_load_idx %arg14[%min3A_82] : memref<10000xi32, #tpu.memory_space<vmem>>[vector<16xi32>], vector<16xi32>,
      %mul3A_85 = arith.mulf %gather3A, %gather3A_83 : vector<16xf32>
      tpu.vector_store_idx %arg15[%iota3A_43, %gather3A_84], %mul3A_85 masked %lt3A_80 {add = true} : memref<16x64xf32, #tpu.memory_space<vmem>>[vector<16xi32>, vector<16xi32>], vector<16xf32>, vector<16xi1>
      tpu.vector_store_idx %arg16[%iota3A_43, %gather3A_84], %broadcast_in_dim3A_59 masked %lt3A_80 {add = true} : memref<16x64xf32, #tpu.memory_space<vmem>>[vector<16xi32>, vector<16xi32>], vector<16xf32>, vector<16xi1>
    }
    %scan3A_65 = arith.constant 20 : i32
    "tpu.region"() ({
      %run_scoped3A = tpu.sem_alloc : memref<!tpu.dma_semaphore, #tpu.memory_space<semaphore_mem>>
      %dma_start3A_72 = arith.constant 0 : i32
      %dma_start3A_73 = arith.constant 0 : i32
      %dma_start3A_74 = tpu.memref_slice %arg19[%dma_start3A_72, %dma_start3A_73] : memref<32x64xf32, #tpu.memory_space<vmem_shared>> -> memref<32x64xf32, #tpu.memory_space<vmem_shared>>
      tpu.enqueue_indirect_dma source(%arg15 : memref<16x64xf32, #tpu.memory_space<vmem>>) target(%dma_start3A_74 : memref<32x64xf32, #tpu.memory_space<vmem_shared>>) offsets(%arg17 : memref<16xi32, #tpu.memory_space<vmem>>) semaphore(%run_scoped3A : memref<!tpu.dma_semaphore, #tpu.memory_space<semaphore_mem>>) {add = true}
      %dma_wait3A_75 = arith.constant 0 : i32
      %dma_wait3A_76 = arith.constant 0 : i32
      %dma_wait3A_77 = tpu.memref_slice %arg19[%dma_wait3A_75, %dma_wait3A_76] : memref<32x64xf32, #tpu.memory_space<vmem_shared>> -> memref<32x64xf32, #tpu.memory_space<vmem_shared>>
      tpu.wait_indirect_dma semaphore(%run_scoped3A : memref<!tpu.dma_semaphore, #tpu.memory_space<semaphore_mem>>) src(%arg15 : memref<16x64xf32, #tpu.memory_space<vmem>>) dst(%dma_wait3A_77 : memref<32x64xf32, #tpu.memory_space<vmem_shared>>)
      tpu.yield
    }) : () -> ()
    "tpu.region"() ({
      %run_scoped3A = tpu.sem_alloc : memref<!tpu.dma_semaphore, #tpu.memory_space<semaphore_mem>>
      %dma_start3A_72 = arith.constant 0 : i32
      %dma_start3A_73 = arith.constant 0 : i32
      %dma_start3A_74 = tpu.memref_slice %arg19[%dma_start3A_72, %dma_start3A_73] : memref<32x64xf32, #tpu.memory_space<vmem_shared>> -> memref<32x64xf32, #tpu.memory_space<vmem_shared>>
      tpu.enqueue_indirect_dma source(%arg16 : memref<16x64xf32, #tpu.memory_space<vmem>>) target(%dma_start3A_74 : memref<32x64xf32, #tpu.memory_space<vmem_shared>>) offsets(%arg18 : memref<16xi32, #tpu.memory_space<vmem>>) semaphore(%run_scoped3A : memref<!tpu.dma_semaphore, #tpu.memory_space<semaphore_mem>>) {add = true}
      %dma_wait3A_75 = arith.constant 0 : i32
      %dma_wait3A_76 = arith.constant 0 : i32
      %dma_wait3A_77 = tpu.memref_slice %arg19[%dma_wait3A_75, %dma_wait3A_76] : memref<32x64xf32, #tpu.memory_space<vmem_shared>> -> memref<32x64xf32, #tpu.memory_space<vmem_shared>>
      tpu.wait_indirect_dma semaphore(%run_scoped3A : memref<!tpu.dma_semaphore, #tpu.memory_space<semaphore_mem>>) src(%arg16 : memref<16x64xf32, #tpu.memory_space<vmem>>) dst(%dma_wait3A_77 : memref<32x64xf32, #tpu.memory_space<vmem_shared>>)
      tpu.yield
    }) : () -> ()
    %barrier3A_66 = arith.constant 0 : index
    tpu.barrier barrier_id(%barrier3A_66)
    %eq3A_67 = arith.constant 0 : i32
    %eq3A_68 = arith.cmpi eq, %arg1, %eq3A_67 : i32
    %convert_element_type3A_69 = arith.extui %eq3A_68 : i1 to i32
    %cond3A_70 = arith.constant 0 : i32
    %cond3A_71 = arith.cmpi ne, %convert_element_type3A_69, %cond3A_70 : i32
    scf.if %cond3A_71 {
      %mul3A_72 = arith.constant 32 : i32
      %mul3A_73 = arith.muli %arg0, %mul3A_72 : i32
      "tpu.region"() ({
        %run_scoped3A = tpu.sem_alloc : memref<!tpu.dma_semaphore, #tpu.memory_space<semaphore_mem>>
        %dma_start3A_74 = arith.constant 0 : i32
        %dma_start3A_75 = tpu.memref_slice %arg7[%mul3A_73, %dma_start3A_74] : memref<64x64xf32, #tpu.memory_space<hbm>> -> memref<32x64xf32, #tpu.memory_space<hbm>>
        tpu.enqueue_dma source(%arg19 : memref<32x64xf32, #tpu.memory_space<vmem_shared>>) target(%dma_start3A_75 : memref<32x64xf32, #tpu.memory_space<hbm>>) target_semaphore(%run_scoped3A : memref<!tpu.dma_semaphore, #tpu.memory_space<semaphore_mem>>)
        %dma_wait3A_76 = arith.constant 0 : i32
        %dma_wait3A_77 = tpu.memref_slice %arg7[%mul3A_73, %dma_wait3A_76] : memref<64x64xf32, #tpu.memory_space<hbm>> -> memref<32x64xf32, #tpu.memory_space<hbm>>
        tpu.wait_dma2 semaphore(%run_scoped3A : memref<!tpu.dma_semaphore, #tpu.memory_space<semaphore_mem>>) src(%arg19 : memref<32x64xf32, #tpu.memory_space<vmem_shared>>) dst(%dma_wait3A_77 : memref<32x64xf32, #tpu.memory_space<hbm>>)
        tpu.yield
      }) : () -> ()
    } else {
    }
    return
  }
}

module attributes {stable_mosaic.version = 14 : i64} {
  func.func @_tc_a_body(%arg0: memref<10000x128xf32, #tpu.memory_space<vmem>>, %arg1: memref<128x64xf32, #tpu.memory_space<vmem>>, %arg2: memref<1x10112xf32, #tpu.memory_space<vmem>>, %arg3: memref<1x10112xf32, #tpu.memory_space<vmem>>, %arg4: memref<10000x64xf32, #tpu.memory_space<vmem>>) attributes {dimension_semantics = [], scalar_prefetch = 0 : i64, scratch_operands = 0 : i64, tpu.core_type = #tpu.core_type<tc>} {
    %get3A = arith.constant 0 : index
    %get3A_0 = arith.constant 0 : index
    %get3A_1 = vector.load %arg0[%get3A, %get3A_0] : memref<10000x128xf32, #tpu.memory_space<vmem>>, vector<10000x128xf32>
    %get3A_2 = arith.constant 0 : index
    %get3A_3 = arith.constant 0 : index
    %get3A_4 = vector.load %arg1[%get3A_2, %get3A_3] : memref<128x64xf32, #tpu.memory_space<vmem>>, vector<128x64xf32>
    %dot_general3A = arith.constant dense<0.000000e+00> : vector<10000x64xf32>
    %dot_general3A_5 = tpu.matmul %get3A_1, %get3A_4, %dot_general3A {dimension_numbers = #tpu.dot_dimension_numbers<[1], [0], [0], [1], [0, 0, 1, 1], [], []>, transpose_lhs_hint = false} : vector<10000x128xf32>, vector<128x64xf32>, vector<10000x64xf32> -> vector<10000x64xf32>
    %get3A_6 = arith.constant 0 : index
    %get3A_7 = arith.constant 0 : index
    %get3A_8 = vector.load %arg2[%get3A_6, %get3A_7] : memref<1x10112xf32, #tpu.memory_space<vmem>>, vector<1x10112xf32>
    %get3A_9 = arith.constant 0 : index
    %get3A_10 = arith.constant 0 : index
    %get3A_11 = vector.load %arg3[%get3A_9, %get3A_10] : memref<1x10112xf32, #tpu.memory_space<vmem>>, vector<1x10112xf32>
    %add3A = arith.addf %get3A_8, %get3A_11 : vector<1x10112xf32>
    %add3A_12 = arith.constant 1.000000e+00 : f32
    %add3A_13 = vector.broadcast %add3A_12 : f32 to vector<1x10112xf32>
    %add3A_14 = arith.addf %add3A, %add3A_13 : vector<1x10112xf32>
    %transpose3A = tpu.transpose %add3A_14, [1, 0] : vector<1x10112xf32> -> vector<10112x1xf32>
    %slice3A = vector.extract_strided_slice %transpose3A {offsets = [0, 0], sizes = [10000, 1], strides = [1, 1]} : vector<10112x1xf32> to vector<10000x1xf32>
    %rsqrt3A = math.rsqrt %slice3A : vector<10000x1xf32>
    %mul3A = vector.broadcast %rsqrt3A : vector<10000x1xf32> to vector<10000x64xf32>
    %mul3A_15 = arith.mulf %dot_general3A_5, %mul3A : vector<10000x64xf32>
    %swap3A = arith.constant 0 : index
    %swap3A_16 = arith.constant 0 : index
    %swap3A_17 = vector.load %arg4[%swap3A, %swap3A_16] : memref<10000x64xf32, #tpu.memory_space<vmem>>, vector<10000x64xf32>
    tpu.vector_store %arg4[%swap3A, %swap3A_16], %mul3A_15 {strides = array<i32>} : memref<10000x64xf32, #tpu.memory_space<vmem>>, vector<10000x64xf32>,
    return
  }
}

module attributes {stable_mosaic.version = 14 : i64} {
  func.func @_tc_b_body(%arg0: i32, %arg1: memref<1x10112x64xf32, #tpu.memory_space<vmem>>, %arg2: memref<1x10112x64xf32, #tpu.memory_space<vmem>>, %arg3: memref<1x10112xf32, #tpu.memory_space<vmem>>, %arg4: memref<1x10112xf32, #tpu.memory_space<vmem>>, %arg5: memref<1x64xf32, #tpu.memory_space<vmem>>, %arg6: memref<64x64xf32, #tpu.memory_space<vmem>>, %arg7: memref<64x1xf32, #tpu.memory_space<vmem>>, %arg8: memref<1x64xf32, #tpu.memory_space<vmem>>, %arg9: memref<1x1xf32, #tpu.memory_space<vmem>>, %arg10: memref<1x10000xf32, #tpu.memory_space<vmem>>, %arg11: memref<1x10000xf32, #tpu.memory_space<vmem>>, %arg12: memref<1x1xf32, #tpu.memory_space<vmem>>) attributes {dimension_semantics = [#tpu.dimension_semantics<arbitrary>], iteration_bounds = array<i64: 1>, scalar_prefetch = 0 : i64, scratch_operands = 0 : i64, tpu.core_type = #tpu.core_type<tc>, window_params = [{transform_indices = @transform_0, window_bounds = array<i64: 1, 10112, 64>}, {transform_indices = @transform_1, window_bounds = array<i64: 1, 10112, 64>}, {pipeline_mode = #tpu.pipeline_mode<synchronous>, transform_indices = @transform_2, window_bounds = array<i64: 1, 10112>}, {pipeline_mode = #tpu.pipeline_mode<synchronous>, transform_indices = @transform_3, window_bounds = array<i64: 1, 10112>}, {pipeline_mode = #tpu.pipeline_mode<synchronous>, transform_indices = @transform_4, window_bounds = array<i64: 1, 64>}, {pipeline_mode = #tpu.pipeline_mode<synchronous>, transform_indices = @transform_5, window_bounds = array<i64: 64, 64>}, {pipeline_mode = #tpu.pipeline_mode<synchronous>, transform_indices = @transform_6, window_bounds = array<i64: 64, 1>}, {pipeline_mode = #tpu.pipeline_mode<synchronous>, transform_indices = @transform_7, window_bounds = array<i64: 1, 64>}, {pipeline_mode = #tpu.pipeline_mode<synchronous>, transform_indices = @transform_8, window_bounds = array<i64: 1, 1>}, {pipeline_mode = #tpu.pipeline_mode<synchronous>, transform_indices = @transform_9, window_bounds = array<i64: 1, 10000>}, {pipeline_mode = #tpu.pipeline_mode<synchronous>, transform_indices = @transform_10, window_bounds = array<i64: 1, 10000>}, {pipeline_mode = #tpu.pipeline_mode<synchronous>, transform_indices = @transform_11, window_bounds = array<i64: 1, 1>}]} {
    %get3A = arith.constant 0 : index
    %get3A_0 = arith.constant 0 : index
    %get3A_1 = vector.load %arg3[%get3A, %get3A_0] : memref<1x10112xf32, #tpu.memory_space<vmem>>, vector<1x10112xf32>
    %get3A_2 = arith.constant 0 : index
    %get3A_3 = arith.constant 0 : index
    %get3A_4 = vector.load %arg4[%get3A_2, %get3A_3] : memref<1x10112xf32, #tpu.memory_space<vmem>>, vector<1x10112xf32>
    %add3A = arith.addf %get3A_1, %get3A_4 : vector<1x10112xf32>
    %add3A_5 = arith.constant 1.000000e+00 : f32
    %add3A_6 = vector.broadcast %add3A_5 : f32 to vector<1x10112xf32>
    %add3A_7 = arith.addf %add3A, %add3A_6 : vector<1x10112xf32>
    %transpose3A = tpu.transpose %add3A_7, [1, 0] : vector<1x10112xf32> -> vector<10112x1xf32>
    %slice3A = vector.extract_strided_slice %transpose3A {offsets = [0, 0], sizes = [10000, 1], strides = [1, 1]} : vector<10112x1xf32> to vector<10000x1xf32>
    %rsqrt3A = math.rsqrt %slice3A : vector<10000x1xf32>
    %get3A_8 = arith.constant 0 : index
    %get3A_9 = arith.constant 0 : index
    %get3A_10 = arith.constant 0 : index
    %get3A_11 = vector.load %arg1[%get3A_8, %get3A_9, %get3A_10] : memref<1x10112x64xf32, #tpu.memory_space<vmem>>, vector<1x10000x64xf32>
    %get3A_12 = vector.shape_cast %get3A_11 : vector<1x10000x64xf32> to vector<10000x64xf32>
    %get3A_13 = arith.constant 0 : index
    %get3A_14 = arith.constant 0 : index
    %get3A_15 = arith.constant 0 : index
    %get3A_16 = vector.load %arg2[%get3A_13, %get3A_14, %get3A_15] : memref<1x10112x64xf32, #tpu.memory_space<vmem>>, vector<1x10000x64xf32>
    %get3A_17 = vector.shape_cast %get3A_16 : vector<1x10000x64xf32> to vector<10000x64xf32>
    %add3A_18 = arith.addf %get3A_12, %get3A_17 : vector<10000x64xf32>
    %mul3A = vector.broadcast %rsqrt3A : vector<10000x1xf32> to vector<10000x64xf32>
    %mul3A_19 = arith.mulf %mul3A, %add3A_18 : vector<10000x64xf32>
    %get3A_20 = arith.constant 0 : index
    %get3A_21 = arith.constant 0 : index
    %get3A_22 = vector.load %arg5[%get3A_20, %get3A_21] : memref<1x64xf32, #tpu.memory_space<vmem>>, vector<1x64xf32>
    %add3A_23 = vector.broadcast %get3A_22 : vector<1x64xf32> to vector<10000x64xf32>
    %add3A_24 = arith.addf %mul3A_19, %add3A_23 : vector<10000x64xf32>
    %max3A = arith.constant 0.000000e+00 : f32
    %max3A_25 = vector.broadcast %max3A : f32 to vector<10000x64xf32>
    %max3A_26 = arith.maximumf %add3A_24, %max3A_25 : vector<10000x64xf32>
    %get3A_27 = arith.constant 0 : index
    %get3A_28 = arith.constant 0 : index
    %get3A_29 = vector.load %arg6[%get3A_27, %get3A_28] : memref<64x64xf32, #tpu.memory_space<vmem>>, vector<64x64xf32>
    %get3A_30 = arith.constant 0 : index
    %get3A_31 = arith.constant 0 : index
    %get3A_32 = vector.load %arg7[%get3A_30, %get3A_31] : memref<64x1xf32, #tpu.memory_space<vmem>>, vector<64x1xf32>
    %dot_general3A = arith.constant dense<0.000000e+00> : vector<64x1xf32>
    %dot_general3A_33 = tpu.matmul %get3A_29, %get3A_32, %dot_general3A {dimension_numbers = #tpu.dot_dimension_numbers<[1], [0], [0], [1], [0, 0, 1, 1], [], []>, transpose_lhs_hint = false} : vector<64x64xf32>, vector<64x1xf32>, vector<64x1xf32> -> vector<64x1xf32>
    %dot_general3A_34 = arith.constant dense<0.000000e+00> : vector<10000x1xf32>
    %dot_general3A_35 = tpu.matmul %max3A_26, %dot_general3A_33, %dot_general3A_34 {dimension_numbers = #tpu.dot_dimension_numbers<[1], [0], [0], [1], [0, 0, 1, 1], [], []>, transpose_lhs_hint = false} : vector<10000x64xf32>, vector<64x1xf32>, vector<10000x1xf32> -> vector<10000x1xf32>
    %mul3A_36 = arith.mulf %rsqrt3A, %dot_general3A_35 : vector<10000x1xf32>
    %transpose3A_37 = tpu.transpose %mul3A_36, [1, 0] : vector<10000x1xf32> -> vector<1x10000xf32>
    %swap3A = arith.constant 0 : index
    %swap3A_38 = arith.constant 0 : index
    %swap3A_39 = vector.load %arg10[%swap3A, %swap3A_38] : memref<1x10000xf32, #tpu.memory_space<vmem>>, vector<1x10000xf32>
    tpu.vector_store %arg10[%swap3A, %swap3A_38], %transpose3A_37 {strides = array<i32>} : memref<1x10000xf32, #tpu.memory_space<vmem>>, vector<1x10000xf32>,
    %transpose3A_40 = tpu.transpose %rsqrt3A, [1, 0] : vector<10000x1xf32> -> vector<1x10000xf32>
    %swap3A_41 = arith.constant 0 : index
    %swap3A_42 = arith.constant 0 : index
    %swap3A_43 = vector.load %arg11[%swap3A_41, %swap3A_42] : memref<1x10000xf32, #tpu.memory_space<vmem>>, vector<1x10000xf32>
    tpu.vector_store %arg11[%swap3A_41, %swap3A_42], %transpose3A_40 {strides = array<i32>} : memref<1x10000xf32, #tpu.memory_space<vmem>>, vector<1x10000xf32>,
    %get3A_44 = arith.constant 0 : index
    %get3A_45 = arith.constant 0 : index
    %get3A_46 = vector.load %arg8[%get3A_44, %get3A_45] : memref<1x64xf32, #tpu.memory_space<vmem>>, vector<1x64xf32>
    %get3A_47 = arith.constant 0 : index
    %get3A_48 = arith.constant 0 : index
    %get3A_49 = vector.load %arg7[%get3A_47, %get3A_48] : memref<64x1xf32, #tpu.memory_space<vmem>>, vector<64x1xf32>
    %dot_general3A_50 = arith.constant dense<0.000000e+00> : vector<1x1xf32>
    %dot_general3A_51 = tpu.matmul %get3A_46, %get3A_49, %dot_general3A_50 {dimension_numbers = #tpu.dot_dimension_numbers<[1], [0], [0], [1], [0, 0, 1, 1], [], []>, transpose_lhs_hint = false} : vector<1x64xf32>, vector<64x1xf32>, vector<1x1xf32> -> vector<1x1xf32>
    %get3A_52 = arith.constant 0 : index
    %get3A_53 = arith.constant 0 : index
    %get3A_54 = vector.load %arg9[%get3A_52, %get3A_53] : memref<1x1xf32, #tpu.memory_space<vmem>>, vector<1x1xf32>
    %add3A_55 = arith.addf %dot_general3A_51, %get3A_54 : vector<1x1xf32>
    %swap3A_56 = arith.constant 0 : index
    %swap3A_57 = arith.constant 0 : index
    %swap3A_58 = vector.load %arg12[%swap3A_56, %swap3A_57] : memref<1x1xf32, #tpu.memory_space<vmem>>, vector<1x1xf32>
    tpu.vector_store %arg12[%swap3A_56, %swap3A_57], %add3A_55 {strides = array<i32>} : memref<1x1xf32, #tpu.memory_space<vmem>>, vector<1x1xf32>,
    return
  }
  func.func @transform_0(%arg0: i32) -> (i32, i32, i32) {
    %c0_i32 = arith.constant 0 : i32
    %c0_i32_0 = arith.constant 0 : i32
    %c0_i32_1 = arith.constant 0 : i32
    %c0_i32_2 = arith.constant 0 : i32
    return %c0_i32, %c0_i32_0, %c0_i32_1 : i32, i32, i32
  }
  func.func @transform_1(%arg0: i32) -> (i32, i32, i32) {
    %c1_i32 = arith.constant 1 : i32
    %c0_i32 = arith.constant 0 : i32
    %c0_i32_0 = arith.constant 0 : i32
    %c0_i32_1 = arith.constant 0 : i32
    return %c1_i32, %c0_i32, %c0_i32_0 : i32, i32, i32
  }
  func.func @transform_2(%arg0: i32) -> (i32, i32) {
    %c0_i32 = arith.constant 0 : i32
    %c0_i32_0 = arith.constant 0 : i32
    %c0_i32_1 = arith.constant 0 : i32
    return %c0_i32, %c0_i32_0 : i32, i32
  }
  func.func @transform_3(%arg0: i32) -> (i32, i32) {
    %c0_i32 = arith.constant 0 : i32
    %c0_i32_0 = arith.constant 0 : i32
    %c0_i32_1 = arith.constant 0 : i32
    return %c0_i32, %c0_i32_0 : i32, i32
  }
  func.func @transform_4(%arg0: i32) -> (i32, i32) {
    %c0_i32 = arith.constant 0 : i32
    %c0_i32_0 = arith.constant 0 : i32
    %c0_i32_1 = arith.constant 0 : i32
    return %c0_i32, %c0_i32_0 : i32, i32
  }
  func.func @transform_5(%arg0: i32) -> (i32, i32) {
    %c0_i32 = arith.constant 0 : i32
    %c0_i32_0 = arith.constant 0 : i32
    %c0_i32_1 = arith.constant 0 : i32
    return %c0_i32, %c0_i32_0 : i32, i32
  }
  func.func @transform_6(%arg0: i32) -> (i32, i32) {
    %c0_i32 = arith.constant 0 : i32
    %c0_i32_0 = arith.constant 0 : i32
    %c0_i32_1 = arith.constant 0 : i32
    return %c0_i32, %c0_i32_0 : i32, i32
  }
  func.func @transform_7(%arg0: i32) -> (i32, i32) {
    %c0_i32 = arith.constant 0 : i32
    %c0_i32_0 = arith.constant 0 : i32
    %c0_i32_1 = arith.constant 0 : i32
    return %c0_i32, %c0_i32_0 : i32, i32
  }
  func.func @transform_8(%arg0: i32) -> (i32, i32) {
    %c0_i32 = arith.constant 0 : i32
    %c0_i32_0 = arith.constant 0 : i32
    %c0_i32_1 = arith.constant 0 : i32
    return %c0_i32, %c0_i32_0 : i32, i32
  }
  func.func @transform_9(%arg0: i32) -> (i32, i32) {
    %c0_i32 = arith.constant 0 : i32
    %c0_i32_0 = arith.constant 0 : i32
    %c0_i32_1 = arith.constant 0 : i32
    return %c0_i32, %c0_i32_0 : i32, i32
  }
  func.func @transform_10(%arg0: i32) -> (i32, i32) {
    %c0_i32 = arith.constant 0 : i32
    %c0_i32_0 = arith.constant 0 : i32
    %c0_i32_1 = arith.constant 0 : i32
    return %c0_i32, %c0_i32_0 : i32, i32
  }
  func.func @transform_11(%arg0: i32) -> (i32, i32) {
    %c0_i32 = arith.constant 0 : i32
    %c0_i32_0 = arith.constant 0 : i32
    %c0_i32_1 = arith.constant 0 : i32
    return %c0_i32, %c0_i32_0 : i32, i32
  }
}

</mosaic_0001>

<sc_bundles>
// kernel: kernel.10.cloned.1.call-start
scs
__scs_entry_jumppad:
0x0: {  	(pc) =	sbr.rel $0x88, $3  }
0x1: {  	(tag) =	ssettag $0x0;
	lr =	simm.s32 $0x1  }
0x2: {  	[smem:$0x3F98] =	sst lr;
	_ =	strace $0xD0000000  }
0x3: {  	_ = 	snop  }
0x4: {  	_ = 	snop  }
0x5: {  	_ = 	snop  }
0x6: {  	_ = 	snop  }
0x7: {  	_ = 	snop  }
__scs_overlays_trampoline_lowered:
0x8: {  	[smem:$0x3FA7] =	sst s0  }
0x9: {  	[smem:$0x3FA8] =	sst s1  }
0xa: {  	[smem:$0x3FA9] =	sst s2  }
0xb: {  	[smem:$0x3FAA] =	sst s3  }
0xc: {  	[smem:$0x3FAB] =	sst s4  }
0xd: {  	[smem:$0x3FAC] =	sst s5  }
0xe: {  	[smem:$0x3FAD] =	sst s6  }
0xf: {  	[smem:$0x3FAE] =	sst s7  }
0x10: {  	[smem:$0x3FAF] =	sst s8  }
0x11: {  	[smem:$0x3FB0] =	sst s9;
	s0 =	simm.s32 @!p0 $0x0  }
0x12: {  	s1 =	sld [smem:$0x3F96];
	s0 =	simm.s32 @p0 $0x1  }
0x13: {  	[smem:$0x3FB1] =	sst s0;
	s0 =	simm.s32 @!p1 $0x0  }
0x14: {  	s2 =	sld [smem:$0x3F95];
	s0 =	simm.s32 @p1 $0x1  }
0x15: {  	[smem:$0x3FB2] =	sst s0;
	s0 =	simm.s32 @!p2 $0x0  }
0x16: {  	s3 =	sld [smem:$0x3FDB];
	s0 =	simm.s32 @p2 $0x1  }
0x17: {  	s4 =	simm.s32 $0x1BF5;
	[smem:$0x3FB4] =	sst s0  }
0x18: {  	s0 =	sld [smem:$0x3F97];
	_ =	swait.ge [sflag:s4], $0x0  }
0x19: {  	s7 =	sld [smem:$0x3F98]  }
0x1a: {  	s8 =	sadd.s32 $0xFFFFE003, lr  }
0x1b: {  	s9 =	sadd.s32 $0xFFFFFEF7, lr;
	s5 =	simm.s32 $0xFFFFFFFF;
	p2 =	slt.u32 s8, $0xFFFFF086  }
0x1c: {  	p1 =	slt.u32 s9, $0xF7A;
	s5 =	simm.s32 @!p2 $0x0  }
0x1d: {  	s5 =	simm.s32 @p1 $0x1;
	p0 =	seq.s32 s7, s2  }
0x1e: {  	s7 =	smul.u32 @!p0 $0xF7A, s2;
	p2 =	seq.s32 @!p0 s5, $0x0  }
0x1f: {  	s9 =	smul.u32 $0xF7A, s1;
	s8 =	simm.s32 @!p0 $0x1BF5;
	p2 =	por !p2, p0  }
0x20: {  	[sflag:s8] =	ssyncset.s32 @!p0 $0xFFFFF086;
	s6 =	sadd.s32 @!p0 s3, s7;
	s7 =	simm.s32 @!p0 $0x108  }
0x21: {  	s3 =	sadd.s32 s3, s9;
	s6 =	sadd.s32 @!p0 $0x88, s6;
	s7 =	simm.s32 @p2 $0x1082  }
0x22: {  	[simem:s7], [sflag:s8] =	dma.local @!p0 [hbm:s6], $0xF7A  }
0x23: {  	s9 =	sor.u32 $0xD0000000, s2;
	s6 =	simm.s32 $0x108;
	_ =	swait.ge @!p0 [sflag:s8], $0x0  }
0x24: {  	s3 =	sadd.s32 $0x88, s3;
	s6 =	simm.s32 @!p1 $0x1082;
	[sflag:s4] =	ssyncset.s32 $0xFFFFF086  }
0x25: {  	[simem:s6], [sflag:s4] =	dma.local [hbm:s3], $0xF7A  }
0x26: {  	[smem:$0x3F98] =	sst s1;
	(tag) =	ssettag s2;
	_ =	strace s9  }
0x27: {  	s1 =	sld [smem:$0x3FA8]  }
0x28: {  	s2 =	sld [smem:$0x3FA9]  }
0x29: {  	s4 =	sld [smem:$0x3FAB]  }
0x2a: {  	p0 =	seq.s32 s5, $0x0;
	s5 =	sld [smem:$0x3FAC]  }
0x2b: {  	s6 =	sld [smem:$0x3FAD]  }
0x2c: {  	s7 =	sld [smem:$0x3FAE]  }
0x2d: {  	s3 =	simm.s32 $0x108;
	s8 =	sld [smem:$0x3FAF]  }
0x2e: {  	s3 =	simm.s32 @!p0 $0x1082;
	s9 =	sld [smem:$0x3FB0]  }
0x2f: {  	lr =	sadd.s32 s0, s3;
	s0 =	sld [smem:$0x3FA7]  }
0x30: {  	s3 =	sld [smem:$0x3FAA]  }
0x31: {  	[smem:$0x3FB3] =	sst s10  }
0x32: {  	s10 =	sld [smem:$0x3FB1];
	_ =	sdelay $0x3  }
0x33: {  	p0 =	seq.s32 s10, $0x1;
	s10 =	sld [smem:$0x3FB3];
	_ =	sdelay $0x3  }
0x34: {  	[smem:$0x3FB3] =	sst s10  }
0x35: {  	s10 =	sld [smem:$0x3FB2];
	_ =	sdelay $0x3  }
0x36: {  	p1 =	seq.s32 s10, $0x1;
	s10 =	sld [smem:$0x3FB3];
	_ =	sdelay $0x3  }
0x37: {  	[smem:$0x3FB3] =	sst s10  }
0x38: {  	s10 =	sld [smem:$0x3FB4]  }
0x39: {  	_ = 	snop;
	(pc) =	sbr.ind lr, $3  }
0x3a: {  	_ = 	snop  }
0x3b: {  	_ = 	snop  }
0x3c: {  	p2 =	seq.s32 s10, $0x1;
	s10 =	sld [smem:$0x3FB3]  }
0x3d: {  	_ =	shalt  }
0x3e: {  	_ =	shalt  }
0x3f: {  	_ =	shalt  }
0x40: {  	_ =	shalt  }
0x41: {  	_ =	shalt  }
0x42: {  	_ =	shalt  }
0x43: {  	_ =	shalt  }
0x44: {  	_ =	shalt  }
0x45: {  	_ =	shalt  }
0x46: {  	_ =	shalt  }
0x47: {  	_ =	shalt  }
0x48: {  	_ =	shalt  }
0x49: {  	_ =	shalt  }
0x4a: {  	_ =	shalt  }
0x4b: {  	_ =	shalt  }
0x4c: {  	_ =	shalt  }
0x4d: {  	_ =	shalt  }
0x4e: {  	_ =	shalt  }
0x4f: {  	_ =	shalt  }
0x50: {  	_ =	shalt  }
0x51: {  	_ =	shalt  }
0x52: {  	_ =	shalt  }
0x53: {  	_ =	shalt  }
0x54: {  	_ =	shalt  }
0x55: {  	_ =	shalt  }
0x56: {  	_ =	shalt  }
0x57: {  	_ =	shalt  }
0x58: {  	_ =	shalt  }
0x59: {  	_ =	shalt  }
0x5a: {  	_ =	shalt  }
0x5b: {  	_ =	shalt  }
0x5c: {  	_ =	shalt  }
0x5d: {  	_ =	shalt  }
0x5e: {  	_ =	shalt  }
0x5f: {  	_ =	shalt  }
0x60: {  	_ =	shalt  }
0x61: {  	_ =	shalt  }
0x62: {  	_ =	shalt  }
0x63: {  	_ =	shalt  }
0x64: {  	_ =	shalt  }
0x65: {  	_ =	shalt  }
0x66: {  	_ =	shalt  }
0x67: {  	_ =	shalt  }
0x68: {  	_ =	shalt  }
0x69: {  	_ =	shalt  }
0x6a: {  	_ =	shalt  }
0x6b: {  	_ =	shalt  }
0x6c: {  	_ =	shalt  }
0x6d: {  	_ =	shalt  }
0x6e: {  	_ =	shalt  }
0x6f: {  	_ =	shalt  }
0x70: {  	_ =	shalt  }
0x71: {  	_ =	shalt  }
0x72: {  	_ =	shalt  }
0x73: {  	_ =	shalt  }
0x74: {  	_ =	shalt  }
0x75: {  	_ =	shalt  }
0x76: {  	_ =	shalt  }
0x77: {  	_ =	shalt  }
0x78: {  	_ =	shalt  }
0x79: {  	_ =	shalt  }
0x7a: {  	_ =	shalt  }
0x7b: {  	_ =	shalt  }
0x7c: {  	_ =	shalt  }
0x7d: {  	_ =	shalt  }
0x7e: {  	_ =	shalt  }
0x7f: {  	_ =	shalt  }
0x80: {  	_ =	shalt  }
0x81: {  	_ =	shalt  }
0x82: {  	_ =	shalt  }
0x83: {  	_ =	shalt  }
0x84: {  	_ =	shalt  }
0x85: {  	_ =	shalt  }
0x86: {  	_ =	shalt  }
0x87: {  	_ =	shalt  }
.Lfunc_end0:
.L_simem_size_0:
called_computation.1_lowered:
.L_overlay_start_0:
0x88: {  	s2 =	sld [smem:$0x3FD9]  }
0x89: {  	s3 =	sld [smem:$0x3FFE];
	_ =	sdelay $0x1  }
0x8a: {  	s1 =	srdreg.scid  }
0x8b: {  	s0 =	sand.u32 $0x1, s1  }
0x8c: {  	s16 =	sshll.u32 s0, $0xA;
	s2 =	sadd.s32 s3, s2  }
0x8d: {  	s2 =	sadd.s32 s2, s16  }
0x8e: {  	[smem:$0x3FBF] =	sst s2  }
0x8f: {  	_ = 	snop  }
0x90: {  	(tm) =	ssettm $0x1  }
0x91: {  	s17 =	sld [smem:$0x3FFB];
	_ =	sdelay $0x3  }
0x92: {  	_ =	strace s17  }
0x93: {  	s2 =	sld [smem:$0x3FFC];
	_ =	sdelay $0x3  }
0x94: {  	_ =	strace s2  }
0x95: {  	s2 =	sld [smem:$0x3FFD];
	_ =	sdelay $0x3  }
0x96: {  	_ =	strace s2  }
0x97: {  	_ =	strace $0x8FFFFFFF  }
0x98: {  	s18 =	sld [smem:$0x3FDB];
	_ =	sdelay $0x1  }
0x99: {  	s19 =	simm.s32 $_scs_section_size  }
0x9a: {  	s4 =	simm.s32 $_size__tile_overlayer_lowered;
	s5 =	simm.s32 $_tile_overlayer_lowered  }
0x9b: {  	s22 =	simm.s32 $0x1BFF;
	s21 =	sshll.u32 s5, $0x1;
	s2 =	sadd.s32 s19, s18  }
0x9c: {  	s6 =	simm.s32 $0x0;
	s20 =	sshll.u32 s4, $0x1;
	s4 =	sadd.s32 s21, s2  }
0x9d: {  	[timem:s6], [sflag:s22] =	dma.local [hbm:s4], s20  }
0x9e: {  	_ =	swait.ge [sflag:s22], s20  }
0x9f: {  	s3 =	ssub.s32 $0x0, s20;
	[sflag:s22] =	ssyncset.done $0x0  }
0xa0: {  	[sflag:s22] =	ssyncadd.s32 s3;
	_ =	sdelay $0x1  }
0xa1: {  	s23 =	simm.s32 $0x1B8B  }
0xa2: {  	_ =	swait.ge [sflag:s23], $0x1  }
0xa3: {  	[sflag:s23] =	ssyncset.done $0x0  }
0xa4: {  	s25 =	simm.s32 $0x1B8E;
	s24 =	sld [smem:$0x3FFE];
	[sflag:s23] =	ssyncadd.s32 $0xFFFFFFFF  }
0xa5: {  	s26 =	simm.s32 $execute0_lowered;
	[smem:$0x3FD2] =	sst s25  }
0xa6: {  	s4 =	sshll.u32 s26, $0x1;
	_ =	strace $0x80000049;
	[dreg:$0x1] =	wrdreg $0xFFFFFFFF  }
0xa7: {  	s28 =	simm.s32 $_size_execute0_lowered;
	s2 =	sadd.s32 s2, s4;
	[dreg:$0x0] =	wrdreg $0x0  }
0xa8: {  	s4 =	sshll.u32 s28, $0x1;
	[dreg:$0x2] =	wrdreg s2  }
0xa9: {  	[dreg:$0x3] =	wrdreg s4  }
0xaa: {  	[dreg:$0x4] =	wrdreg $0xC0  }
0xab: {  	_ =	task [dreg:s6], $0x5FFFF  }
0xac: {  	[dreg:$0x1] =	wrdreg $0xFFFFFFFF  }
0xad: {  	[dreg:$0x0] =	wrdreg $0x60  }
0xae: {  	[dreg:$0x2] =	wrdreg s24  }
0xaf: {  	[dreg:$0x3] =	wrdreg $0x10F000  }
0xb0: {  	[dreg:$0x4] =	wrdreg $0x9  }
0xb1: {  	_ =	task.clear_ibuf [dreg:s6], $0x5FFFF;
	_ =	strace $0x90000049  }
0xb2: {  	s29 =	simm.s32 $0x9;
	_ =	strace $0x8000004B  }
0xb3: {  	_ =	swait.ge [sflag:s29], $0x1  }
0xb4: {  	[sflag:s29] =	ssyncadd.s32 $0xFFFFFFFF  }
0xb5: {  	_ =	strace $0x9000004B  }
0xb6: {  	_ =	sfence  }
0xb7: {  	s30 =	sld [smem:$0x0];
	_ =	sdelay $0x2  }
0xb8: {  	s31 =	sshll.u32 s1, $0xD;
	s1 =	sshrl.u32 s1, $0x2  }
0xb9: {  	s3 =	sand.u32 $0x4000, s31;
	s1 =	sadd.s32 s1, s30  }
0xba: {  	s0 =	sor.u32 s3, s0;
	s1 =	sshll.u32 s1, $0x11  }
0xbb: {  	s0 =	sor.u32 s1, s0  }
0xbc: {  	s0 =	sadd.s32 $0x8F2B, s0  }
0xbd: {  	[sflag:s0] =	ssyncadd.remote.s32 $0x1  }
0xbe: {  	_ =	sfence.sel $0xFFFF  }
0xbf: {  	[dreg:$0x0] =	wrdreg $0xFFFFFFFF;
	(pc) =	sbr.abs _section_cstart, $3  }
0xc0: {  	[dreg:$0x1] =	wrdreg $0xFFFFFFFF  }
0xc1: {  	_ =	task.clear_ibuf [dreg:s6], $0x2FFFF;
	_ =	strace $0x9FFFFFFF  }
0xc2: {  	(tm) =	ssettm $0x7FFFFFFF  }
0xc3: {  	_ =	shalt  }
tec
execute0_lowered:
.L_overlay_start_1:
0x0: {  	(tag) =	ssettag $0x1  }
0x1: {  	s0 =	rddreg [dreg:$0x0]  }
0x2: {  	s2 =	rddreg [dreg:$0x1]  }
0x3: {  	s1 =	srdreg.scid;
	s12 =	stileid.u32;
	s3 =	simm.s32 $0x0  }
0x4: {  	s28 =	simm.s32 $0x8F00;
	s30 =	simm.s32 $0xAF00;
	s29 =	simm.s32 $0x2  }
0x5: {  	s31 =	simm.s32 $0x3;
	s15 =	simm.s32 $0x4;
	s13 =	simm.s32 $0xD  }
0x6: {  	s14 =	simm.s32 $0xE;
	s16 =	simm.s32 $0x0;
	s5 =	smul.u32 $0x13C0, s12  }
0x7: {  	s1 =	sand.u32 $0x1, s1;
	[smem:$0x7FF] =	sst s3;
	s9 =	smul.u32 $0x4E, s12  }
0x8: {  	s7 =	sadd.s32 $0xE00, s0;
	s4 =	sadd.s32 $0x14800, s0;
	s22 =	smul.u32 $0x27800, s12  }
0x9: {  	s21 =	sadd.s32 $0xAA40, s0;
	p1 =	sne.s32 s12, $0xF;
	s23 =	smul.u32 $0x9E00, s12  }
0xa: {  	p2 =	seq.s32 s12, $0xF;
	s6 =	smul.u32 $0x13C00, s1;
	_ =	strace $0x8000004A  }
0xb: {  	s8 =	smul.u32 $0x4E2, s1;
	s10 =	ssub.s32 $0x2, s1;
	p0 =	seq.s32 s1, $0x0  }
0xc: {  	s11 =	sshrl.u32 s10, $0x1;
	p1 =	por !p0, !p1;
	p2 =	por !p0, !p2  }
0xd: {  	s24 =	sshrl.u32 s23, $0x3;
	s6 =	sadd.s32 s5, s6;
	s5 =	sadd.s32 $0x28200, s0  }
0xe: {  	s9 =	sadd.s32 s9, s8;
	s8 =	sadd.s32 s12, s8;
	s10 =	ssub.s32 s10, s11  }
0xf: {  	p0 =	por !p1, !p1;
	p3 =	por !p2, !p2;
	p2 =	sgt.u32 s12, $0x1  }
0x10: {  	s11 =	simm.s32 $0xA;
	s6 =	sadd.s32 s6, s0;
	s9 =	sshll.u32 s9, $0x4  }
0x11: {  	s8 =	sshll.u32 s8, $0x4;
	p1 =	por p3, p0;
	s0 =	sadd.s32 $0x27040, s0  }
0x12: {  	s26 =	smax.u32 s10, $0x1;
	s10 =	simm.s32 $0xC;
	[dreg:$0x8] =	wrdreg s0  }
0x13: {  	s20 =	sadd.s32 s7, s9;
	s8 =	sadd.s32 $0x4E00, s8;
	[dreg:$0xb] =	wrdreg s26  }
0x14: {  	s9 =	sadd.s32 s9, s21;
	p1 =	seq.s32 @!p1 s1, $0x0;
	[dreg:$0x3] =	wrdreg s20  }
0x15: {  	s0 =	sadd.s32 $0x9C400, s2;
	s1 =	sadd.s32 s4, s24;
	[dreg:$0x4] =	wrdreg s9  }
0x16: {  	s25 =	sadd.s32 $0x29600, s6;
	s24 =	simm.s32 $0x4F00;
	[dreg:$0x9] =	wrdreg s1  }
0x17: {  	s26 =	simm.s32 $0xEF00;
	s7 =	sadd.s32 s7, s8;
	[dreg:$0xa] =	wrdreg s25  }
0x18: {  	s8 =	sadd.s32 s8, s21;
	p1 =	por @!p0 p1, p3;
	[dreg:$0x5] =	wrdreg s7  }
0x19: {  	p3 =	por !p3, p0;
	s25 =	simm.s32 $0x6F00;
	[dreg:$0x6] =	wrdreg s8  }
0x1a: {  	s7 =	sshrl.u32 s22, $0x2;
	s8 =	sadd.s32 $0x94200, s2;
	p1 =	por p1, p0  }
0x1b: {  	s0 =	sshrl.u32 @!p3 s0, $0x3;
	s22 =	simm.s32 $0x1;
	s9 =	sadd.s32 s7, s2  }
0x1c: {  	s7 =	sadd.s32 s23, s2;
	s1 =	sshll.u32 @!p1 s12, $0x6;
	s6 =	sshrl.u32 @!p3 s8, $0x3  }
0x1d: {  	[dreg:$0xf] =	wrdreg s0;
	s23 =	simm.s32 $0x80;
	s0 =	simm.s32 $0xCF00  }
0x1e: {  	s8 =	simm.s32 $0x8;
	s1 =	sor.u32 @!p1 $0x1C0E, s1;
	[dreg:$0x7] =	wrdreg s9  }
0x1f: {  	[dreg:$0xe] =	wrdreg s6;
	s21 =	sshrl.u32 @p0 s7, $0x3;
	s6 =	simm.s32 $0x6  }
0x20: {  	s7 =	simm.s32 $0x7;
	[dreg:$0xc] =	wrdreg s1;
	s1 =	sshrl.u32 @!p1 s9, $0x3  }
0x21: {  	s9 =	simm.s32 $0x9;
	[dreg:$0xd] =	wrdreg s1;
	s1 =	sshll.u32 @p0 s12, $0x6  }
0x22: {  	s12 =	simm.s32 $0xB;
	s20 =	sor.u32 @p0 $0x1C0E, s1;
	s1 =	simm.s32 $0x5  }
.LBB2_1:
0x23: {  	s17 =	rddreg [dreg:$0x3]  }
0x24: {  	[tilespmem:s3], [sflag:$0x1] =	stream.linear.gather [hbm4b:s17+s3], $0x2700, $0x38;
	[tilespmem:$0x1AD00] =	vst v63  }
0x25: {  	s19 =	rddreg [dreg:$0x4];
	s18 =	simm.s32 $0x2780  }
0x26: {  	[tilespmem:s18], [sflag:$0x1] =	stream.linear.gather [hbm4b:s19+s3], $0x2700, $0x38;
	[tilespmem:$0x1AD00] =	vst v63  }
0x27: {  	s17 =	simm.s32 @!p2 $0x0;
	s18 =	simm.s32 @!p2 $0x2700;
	s19 =	rddreg [dreg:$0x5]  }
0x28: {  	[tilespmem:s18], [sflag:$0x1] =	stream.linear.gather @!p2 [hbm4b:s19+s17], $0x80, $0x38;
	[tilespmem:$0x1AD00] =	vst v63  }
0x29: {  	s18 =	simm.s32 @!p2 $0x4E80;
	s19 =	rddreg [dreg:$0x6]  }
0x2a: {  	[tilespmem:s18], [sflag:$0x1] =	stream.linear.gather @!p2 [hbm4b:s19+s17], $0x80, $0x38;
	[tilespmem:$0x1AD00] =	vst v63  }
0x2b: {  	s17 =	rddreg [dreg:$0xc]  }
0x2c: {  	s18 =	rddreg [dreg:$0xd]  }
0x2d: {  	[spmem:s18], [sflag:s17] =	dma.local @!p1 [hbm:s5], $0x13C0  }
0x2e: {  	s17 =	simm.s32 @!p1 $0xE  }
0x2f: {  	_ =	swait.ge @!p1 [sflag:s17], $0x13C0  }
0x30: {  	[sflag:s17] =	ssyncset.done @!p1 $0x0;
	s18 =	rddreg [dreg:$0x8]  }
0x31: {  	s19 =	rddreg [dreg:$0xe];
	[sflag:s17] =	ssyncadd.s32 @!p1 $0xFFFFEC40;
	s17 =	simm.s32 @!p3 $0x1FCE  }
0x32: {  	[spmem:s19], [sflag:s17] =	dma.local @!p3 [hbm:s18], $0x1040  }
0x33: {  	s18 =	simm.s32 @!p3 $0xE  }
0x34: {  	_ =	swait.ge @!p3 [sflag:s18], $0x1040  }
0x35: {  	[sflag:s18] =	ssyncset.done @!p3 $0x0  }
0x36: {  	s19 =	rddreg [dreg:$0xf];
	[sflag:s18] =	ssyncadd.s32 @!p3 $0xFFFFEFC0  }
0x37: {  	[spmem:s19], [sflag:s17] =	dma.local @!p3 [hbm:s5], $0x380  }
0x38: {  	_ =	swait.ge @!p3 [sflag:s18], $0x380  }
0x39: {  	[sflag:s18] =	ssyncset.done @!p3 $0x0  }
0x3a: {  	s17 =	rddreg [dreg:$0x9];
	[sflag:s18] =	ssyncadd.s32 @!p3 $0xFFFFFC80  }
0x3b: {  	[spmem:s21], [sflag:s20] =	dma.local @p0 [hbm:s17], $0x13C0  }
0x3c: {  	s17 =	simm.s32 @p0 $0xE  }
0x3d: {  	_ =	swait.ge @p0 [sflag:s17], $0x13C0  }
0x3e: {  	[sflag:s17] =	ssyncset.done @p0 $0x0  }
0x3f: {  	[sflag:s17] =	ssyncadd.s32 @p0 $0xFFFFEC40  }
0x40: {  	_ =	swait.ge [sflag:s22], $0x2700  }
0x41: {  	[sflag:s22] =	ssyncset.done $0x0  }
0x42: {  	[sflag:s22] =	ssyncadd.s32 $0xFFFFD900  }
0x43: {  	_ =	swait.ge [sflag:s22], $0x2700  }
0x44: {  	[sflag:s22] =	ssyncset.done $0x0  }
0x45: {  	s17 =	simm.s32 @!p2 $0x1;
	[sflag:s22] =	ssyncadd.s32 $0xFFFFD900  }
0x46: {  	_ =	swait.ge @!p2 [sflag:s17], $0x80  }
0x47: {  	[sflag:s17] =	ssyncset.done @!p2 $0x0  }
0x48: {  	[sflag:s17] =	ssyncadd.s32 @!p2 $0xFFFFFF80  }
0x49: {  	_ =	swait.ge @!p2 [sflag:s17], $0x80  }
0x4a: {  	[sflag:s17] =	ssyncset.done @!p2 $0x0  }
0x4b: {  	[sflag:s17] =	ssyncadd.s32 @!p2 $0xFFFFFF80  }
0x4c: {  	[tilespmem:s24], [sflag:$0x2] =	stream.indirect.gather [hbm4b:s4+s23], $0x40, s3, s23, $0xb8;
	[tilespmem:$0x1AD00] =	vst v63  }
0x4d: {  	_ = 	snop  }
0x4e: {  	[tilespmem:s25], [sflag:$0x3] =	stream.indirect.gather [hbm4b:s4+s23], $0x40, s23, s23, $0xb8;
	[tilespmem:$0x1AD00] =	vst v63  }
0x4f: {  	s19 =	simm.s32 $0x100  }
0x50: {  	[tilespmem:s28], [sflag:$0x4] =	stream.indirect.gather [hbm4b:s4+s23], $0x40, s19, s23, $0xb8;
	[tilespmem:$0x1AD00] =	vst v63  }
0x51: {  	s18 =	simm.s32 $0x180  }
0x52: {  	[tilespmem:s30], [sflag:$0x5] =	stream.indirect.gather [hbm4b:s4+s23], $0x40, s18, s23, $0xb8;
	[tilespmem:$0x1AD00] =	vst v63  }
0x53: {  	s19 =	simm.s32 $0x200  }
0x54: {  	[tilespmem:s0], [sflag:$0x6] =	stream.indirect.gather [hbm4b:s4+s23], $0x40, s19, s23, $0xb8;
	[tilespmem:$0x1AD00] =	vst v63  }
0x55: {  	s18 =	simm.s32 $0x280  }
0x56: {  	[tilespmem:s26], [sflag:$0x7] =	stream.indirect.gather [hbm4b:s4+s23], $0x40, s18, s23, $0xb8;
	[tilespmem:$0x1AD00] =	vst v63  }
0x57: {  	[bflag:$0x0] =	sbarrier.arrive $0xFFFF  }
0x58: {  	_ =	swait.ge [sflag:s29], $0x2000  }
0x59: {  	[sflag:s29] =	ssyncset.done $0x0  }
0x5a: {  	s19 =	simm.s32 $0x2780;
	[sflag:s29] =	ssyncadd.s32 $0xFFFFE000  }
0x5b: {  	[spmem:s2] =	stream.indirect.scatter.add.f32 [tilespmem:s24], [sflag:$0x8], $0x40, s19, s23, $0xb8;
	[tilespmem:$0x1AD00] =	vst v63  }
0x5c: {  	_ =	swait.ge [sflag:s31], $0x2000  }
0x5d: {  	[sflag:s31] =	ssyncset.done $0x0  }
0x5e: {  	s18 =	simm.s32 $0x2800;
	[sflag:s31] =	ssyncadd.s32 $0xFFFFE000  }
0x5f: {  	[spmem:s2] =	stream.indirect.scatter.add.f32 [tilespmem:s25], [sflag:$0x9], $0x40, s18, s23, $0xb8;
	[tilespmem:$0x1AD00] =	vst v63  }
0x60: {  	_ =	swait.ge [sflag:s15], $0x2000  }
0x61: {  	[sflag:s15] =	ssyncset.done $0x0  }
0x62: {  	s19 =	simm.s32 $0x2880;
	[sflag:s15] =	ssyncadd.s32 $0xFFFFE000  }
0x63: {  	[spmem:s2] =	stream.indirect.scatter.add.f32 [tilespmem:s28], [sflag:$0xA], $0x40, s19, s23, $0xb8;
	[tilespmem:$0x1AD00] =	vst v63  }
0x64: {  	_ =	swait.ge [sflag:s1], $0x2000  }
0x65: {  	[sflag:s1] =	ssyncset.done $0x0  }
0x66: {  	s18 =	simm.s32 $0x2900;
	[sflag:s1] =	ssyncadd.s32 $0xFFFFE000  }
0x67: {  	[spmem:s2] =	stream.indirect.scatter.add.f32 [tilespmem:s30], [sflag:$0xB], $0x40, s18, s23, $0xb8;
	[tilespmem:$0x1AD00] =	vst v63  }
0x68: {  	_ =	swait.ge [sflag:s6], $0x2000  }
0x69: {  	[sflag:s6] =	ssyncset.done $0x0  }
0x6a: {  	s19 =	simm.s32 $0x2980;
	[sflag:s6] =	ssyncadd.s32 $0xFFFFE000  }
0x6b: {  	[spmem:s2] =	stream.indirect.scatter.add.f32 [tilespmem:s0], [sflag:$0xC], $0x40, s19, s23, $0xb8;
	[tilespmem:$0x1AD00] =	vst v63  }
0x6c: {  	_ =	swait.ge [sflag:s7], $0x2000  }
0x6d: {  	[sflag:s7] =	ssyncset.done $0x0  }
0x6e: {  	s18 =	simm.s32 $0x2A00;
	[sflag:s7] =	ssyncadd.s32 $0xFFFFE000  }
0x6f: {  	[spmem:s2] =	stream.indirect.scatter.add.f32 [tilespmem:s26], [sflag:$0xD], $0x40, s18, s23, $0xb8;
	[tilespmem:$0x1AD00] =	vst v63  }
0x70: {  	_ =	swait.ge [sflag:s8], $0x2000  }
0x71: {  	[sflag:s8] =	ssyncset.done $0x0  }
0x72: {  	s19 =	simm.s32 $0x300;
	[sflag:s8] =	ssyncadd.s32 $0xFFFFE000  }
0x73: {  	[tilespmem:s24], [sflag:$0x2] =	stream.indirect.gather [hbm4b:s4+s23], $0x40, s19, s23, $0xb8;
	[tilespmem:$0x1AD00] =	vst v63  }
0x74: {  	_ =	swait.ge [sflag:s9], $0x2000  }
0x75: {  	[sflag:s9] =	ssyncset.done $0x0  }
0x76: {  	s18 =	simm.s32 $0x380;
	[sflag:s9] =	ssyncadd.s32 $0xFFFFE000  }
0x77: {  	[tilespmem:s25], [sflag:$0x3] =	stream.indirect.gather [hbm4b:s4+s23], $0x40, s18, s23, $0xb8;
	[tilespmem:$0x1AD00] =	vst v63  }
0x78: {  	_ =	swait.ge [sflag:s11], $0x2000  }
0x79: {  	[sflag:s11] =	ssyncset.done $0x0  }
0x7a: {  	s19 =	simm.s32 $0x400;
	[sflag:s11] =	ssyncadd.s32 $0xFFFFE000  }
0x7b: {  	[tilespmem:s28], [sflag:$0x4] =	stream.indirect.gather [hbm4b:s4+s23], $0x40, s19, s23, $0xb8;
	[tilespmem:$0x1AD00] =	vst v63  }
0x7c: {  	_ =	swait.ge [sflag:s12], $0x2000  }
0x7d: {  	[sflag:s12] =	ssyncset.done $0x0  }
0x7e: {  	s18 =	simm.s32 $0x480;
	[sflag:s12] =	ssyncadd.s32 $0xFFFFE000  }
0x7f: {  	[tilespmem:s30], [sflag:$0x5] =	stream.indirect.gather [hbm4b:s4+s23], $0x40, s18, s23, $0xb8;
	[tilespmem:$0x1AD00] =	vst v63  }
0x80: {  	_ =	swait.ge [sflag:s10], $0x2000  }
0x81: {  	[sflag:s10] =	ssyncset.done $0x0  }
0x82: {  	s19 =	simm.s32 $0x500;
	[sflag:s10] =	ssyncadd.s32 $0xFFFFE000  }
0x83: {  	[tilespmem:s0], [sflag:$0x6] =	stream.indirect.gather [hbm4b:s4+s23], $0x40, s19, s23, $0xb8;
	[tilespmem:$0x1AD00] =	vst v63  }
0x84: {  	_ =	swait.ge [sflag:s13], $0x2000  }
0x85: {  	[sflag:s13] =	ssyncset.done $0x0  }
0x86: {  	s17 =	simm.s32 $0xC00;
	s18 =	simm.s32 $0x580;
	[sflag:s13] =	ssyncadd.s32 $0xFFFFE000  }
.LBB2_2:
0x87: {  	[tilespmem:s26], [sflag:$0x7] =	stream.indirect.gather [hbm4b:s4+s23], $0x40, s18, s23, $0xb8;
	[tilespmem:$0x1AD00] =	vst v63  }
0x88: {  	s18 =	smov.u32 s17  }
0x89: {  	p4 =	sne.s32 s17, $0x8400;
	s17 =	sadd.s32 $0xC00, s17;
	_ =	swait.ge [sflag:s29], $0x2000  }
0x8a: {  	s18 =	sshra.s32 s18, $0x2;
	[sflag:s29] =	ssyncset.done $0x0  }
0x8b: {  	s19 =	sadd.s32 $0x2780, s18;
	[sflag:s29] =	ssyncadd.s32 $0xFFFFE000  }
0x8c: {  	[spmem:s2] =	stream.indirect.scatter.add.f32 [tilespmem:s24], [sflag:$0x8], $0x40, s19, s23, $0xb8;
	[tilespmem:$0x1AD00] =	vst v63  }
0x8d: {  	_ =	swait.ge [sflag:s31], $0x2000  }
0x8e: {  	[sflag:s31] =	ssyncset.done $0x0  }
0x8f: {  	s19 =	sadd.s32 $0x2800, s18;
	[sflag:s31] =	ssyncadd.s32 $0xFFFFE000  }
0x90: {  	[spmem:s2] =	stream.indirect.scatter.add.f32 [tilespmem:s25], [sflag:$0x9], $0x40, s19, s23, $0xb8;
	[tilespmem:$0x1AD00] =	vst v63  }
0x91: {  	_ =	swait.ge [sflag:s15], $0x2000  }
0x92: {  	[sflag:s15] =	ssyncset.done $0x0  }
0x93: {  	s19 =	sadd.s32 $0x2880, s18;
	[sflag:s15] =	ssyncadd.s32 $0xFFFFE000  }
0x94: {  	[spmem:s2] =	stream.indirect.scatter.add.f32 [tilespmem:s28], [sflag:$0xA], $0x40, s19, s23, $0xb8;
	[tilespmem:$0x1AD00] =	vst v63  }
0x95: {  	_ =	swait.ge [sflag:s1], $0x2000  }
0x96: {  	[sflag:s1] =	ssyncset.done $0x0  }
0x97: {  	s19 =	sadd.s32 $0x2900, s18;
	[sflag:s1] =	ssyncadd.s32 $0xFFFFE000  }
0x98: {  	[spmem:s2] =	stream.indirect.scatter.add.f32 [tilespmem:s30], [sflag:$0xB], $0x40, s19, s23, $0xb8;
	[tilespmem:$0x1AD00] =	vst v63  }
0x99: {  	_ =	swait.ge [sflag:s6], $0x2000  }
0x9a: {  	[sflag:s6] =	ssyncset.done $0x0  }
0x9b: {  	s19 =	sadd.s32 $0x2980, s18;
	[sflag:s6] =	ssyncadd.s32 $0xFFFFE000  }
0x9c: {  	[spmem:s2] =	stream.indirect.scatter.add.f32 [tilespmem:s0], [sflag:$0xC], $0x40, s19, s23, $0xb8;
	[tilespmem:$0x1AD00] =	vst v63  }
0x9d: {  	_ =	swait.ge [sflag:s7], $0x2000  }
0x9e: {  	[sflag:s7] =	ssyncset.done $0x0  }
0x9f: {  	s19 =	sadd.s32 $0x2A00, s18;
	[sflag:s7] =	ssyncadd.s32 $0xFFFFE000  }
0xa0: {  	[spmem:s2] =	stream.indirect.scatter.add.f32 [tilespmem:s26], [sflag:$0xD], $0x40, s19, s23, $0xb8;
	[tilespmem:$0x1AD00] =	vst v63  }
0xa1: {  	_ =	swait.ge [sflag:s8], $0x2000  }
0xa2: {  	[sflag:s8] =	ssyncset.done $0x0  }
0xa3: {  	s19 =	sadd.s32 $0x300, s18;
	[sflag:s8] =	ssyncadd.s32 $0xFFFFE000  }
0xa4: {  	[tilespmem:s24], [sflag:$0x2] =	stream.indirect.gather [hbm4b:s4+s23], $0x40, s19, s23, $0xb8;
	[tilespmem:$0x1AD00] =	vst v63  }
0xa5: {  	_ =	swait.ge [sflag:s9], $0x2000  }
0xa6: {  	[sflag:s9] =	ssyncset.done $0x0  }
0xa7: {  	s19 =	sadd.s32 $0x380, s18;
	[sflag:s9] =	ssyncadd.s32 $0xFFFFE000  }
0xa8: {  	[tilespmem:s25], [sflag:$0x3] =	stream.indirect.gather [hbm4b:s4+s23], $0x40, s19, s23, $0xb8;
	[tilespmem:$0x1AD00] =	vst v63  }
0xa9: {  	_ =	swait.ge [sflag:s11], $0x2000  }
0xaa: {  	[sflag:s11] =	ssyncset.done $0x0  }
0xab: {  	s19 =	sadd.s32 $0x400, s18;
	[sflag:s11] =	ssyncadd.s32 $0xFFFFE000  }
0xac: {  	[tilespmem:s28], [sflag:$0x4] =	stream.indirect.gather [hbm4b:s4+s23], $0x40, s19, s23, $0xb8;
	[tilespmem:$0x1AD00] =	vst v63  }
0xad: {  	_ =	swait.ge [sflag:s12], $0x2000  }
0xae: {  	[sflag:s12] =	ssyncset.done $0x0  }
0xaf: {  	s19 =	sadd.s32 $0x480, s18;
	[sflag:s12] =	ssyncadd.s32 $0xFFFFE000  }
0xb0: {  	[tilespmem:s30], [sflag:$0x5] =	stream.indirect.gather [hbm4b:s4+s23], $0x40, s19, s23, $0xb8;
	[tilespmem:$0x1AD00] =	vst v63  }
0xb1: {  	_ =	swait.ge [sflag:s10], $0x2000  }
0xb2: {  	[sflag:s10] =	ssyncset.done $0x0  }
.Ltmp0:
0xb3: {  	s19 =	sadd.s32 $0x500, s18;
	[sflag:s10] =	ssyncadd.s32 $0xFFFFE000;
	(pc) =	sbr.rel @p4 .LBB2_2-.Ltmp0, $4  }
0xb4: {  	[tilespmem:s0], [sflag:$0x6] =	stream.indirect.gather [hbm4b:s4+s23], $0x40, s19, s23, $0xb8;
	[tilespmem:$0x1AD00] =	vst v63  }
0xb5: {  	_ =	swait.ge [sflag:s13], $0x2000  }
0xb6: {  	[sflag:s13] =	ssyncset.done $0x0  }
0xb7: {  	s18 =	sadd.s32 $0x580, s18;
	[sflag:s13] =	ssyncadd.s32 $0xFFFFE000  }
0xb8: {  	[tilespmem:s26], [sflag:$0x7] =	stream.indirect.gather [hbm4b:s4+s23], $0x40, s18, s23, $0xb8;
	[tilespmem:$0x1AD00] =	vst v63  }
0xb9: {  	_ =	swait.ge [sflag:s29], $0x2000  }
0xba: {  	[sflag:s29] =	ssyncset.done $0x0  }
0xbb: {  	s17 =	simm.s32 $0x4B80;
	[sflag:s29] =	ssyncadd.s32 $0xFFFFE000  }
0xbc: {  	[spmem:s2] =	stream.indirect.scatter.add.f32 [tilespmem:s24], [sflag:$0x8], $0x40, s17, s23, $0xb8;
	[tilespmem:$0x1AD00] =	vst v63  }
0xbd: {  	_ =	swait.ge [sflag:s31], $0x2000  }
0xbe: {  	[sflag:s31] =	ssyncset.done $0x0  }
0xbf: {  	s19 =	simm.s32 $0x4C00;
	[sflag:s31] =	ssyncadd.s32 $0xFFFFE000  }
0xc0: {  	[spmem:s2] =	stream.indirect.scatter.add.f32 [tilespmem:s25], [sflag:$0x9], $0x40, s19, s23, $0xb8;
	[tilespmem:$0x1AD00] =	vst v63  }
0xc1: {  	_ =	swait.ge [sflag:s15], $0x2000  }
0xc2: {  	[sflag:s15] =	ssyncset.done $0x0  }
0xc3: {  	s18 =	simm.s32 $0x4C80;
	[sflag:s15] =	ssyncadd.s32 $0xFFFFE000  }
0xc4: {  	[spmem:s2] =	stream.indirect.scatter.add.f32 [tilespmem:s28], [sflag:$0xA], $0x40, s18, s23, $0xb8;
	[tilespmem:$0x1AD00] =	vst v63  }
0xc5: {  	_ =	swait.ge [sflag:s1], $0x2000  }
0xc6: {  	[sflag:s1] =	ssyncset.done $0x0  }
0xc7: {  	s19 =	simm.s32 $0x4D00;
	[sflag:s1] =	ssyncadd.s32 $0xFFFFE000  }
0xc8: {  	[spmem:s2] =	stream.indirect.scatter.add.f32 [tilespmem:s30], [sflag:$0xB], $0x40, s19, s23, $0xb8;
	[tilespmem:$0x1AD00] =	vst v63  }
0xc9: {  	_ =	swait.ge [sflag:s6], $0x2000  }
0xca: {  	[sflag:s6] =	ssyncset.done $0x0  }
0xcb: {  	s18 =	simm.s32 $0x4D80;
	[sflag:s6] =	ssyncadd.s32 $0xFFFFE000  }
0xcc: {  	[spmem:s2] =	stream.indirect.scatter.add.f32 [tilespmem:s0], [sflag:$0xC], $0x40, s18, s23, $0xb8;
	[tilespmem:$0x1AD00] =	vst v63  }
0xcd: {  	_ =	swait.ge [sflag:s7], $0x2000  }
0xce: {  	[sflag:s7] =	ssyncset.done $0x0  }
0xcf: {  	s19 =	simm.s32 $0x4E00;
	[sflag:s7] =	ssyncadd.s32 $0xFFFFE000  }
0xd0: {  	[spmem:s2] =	stream.indirect.scatter.add.f32 [tilespmem:s26], [sflag:$0xD], $0x40, s19, s23, $0xb8;
	[tilespmem:$0x1AD00] =	vst v63  }
0xd1: {  	_ =	swait.ge [sflag:s8], $0x2000  }
0xd2: {  	[sflag:s8] =	ssyncset.done $0x0  }
0xd3: {  	[sflag:s8] =	ssyncadd.s32 $0xFFFFE000  }
0xd4: {  	_ =	swait.ge [sflag:s9], $0x2000  }
0xd5: {  	[sflag:s9] =	ssyncset.done $0x0  }
0xd6: {  	[sflag:s9] =	ssyncadd.s32 $0xFFFFE000  }
0xd7: {  	_ =	swait.ge [sflag:s11], $0x2000  }
0xd8: {  	[sflag:s11] =	ssyncset.done $0x0  }
0xd9: {  	[sflag:s11] =	ssyncadd.s32 $0xFFFFE000  }
0xda: {  	_ =	swait.ge [sflag:s12], $0x2000  }
0xdb: {  	[sflag:s12] =	ssyncset.done $0x0  }
0xdc: {  	[sflag:s12] =	ssyncadd.s32 $0xFFFFE000  }
0xdd: {  	_ =	swait.ge [sflag:s10], $0x2000  }
0xde: {  	[sflag:s10] =	ssyncset.done $0x0  }
0xdf: {  	[sflag:s10] =	ssyncadd.s32 $0xFFFFE000  }
0xe0: {  	_ =	swait.ge [sflag:s13], $0x2000  }
0xe1: {  	s17 =	simm.s32 @!p2 $0x80;
	[sflag:s13] =	ssyncset.done $0x0  }
0xe2: {  	s18 =	simm.s32 @!p2 $0x2700;
	s19 =	simm.s32 @!p2 $0x4F00;
	[sflag:s13] =	ssyncadd.s32 $0xFFFFE000  }
0xe3: {  	[tilespmem:s19], [sflag:$0x2] =	stream.indirect.gather @!p2 [hbm4b:s4+s17], $0x40, s18, s17, $0xb8;
	[tilespmem:$0x1AD00] =	vst v63  }
0xe4: {  	s18 =	simm.s32 @!p2 $0x2  }
0xe5: {  	_ =	swait.ge @!p2 [sflag:s18], $0x2000  }
0xe6: {  	[sflag:s18] =	ssyncset.done @!p2 $0x0  }
0xe7: {  	[sflag:s18] =	ssyncadd.s32 @!p2 $0xFFFFE000;
	s18 =	simm.s32 @!p2 $0x4E80  }
0xe8: {  	[spmem:s2] =	stream.indirect.scatter.add.f32 @!p2 [tilespmem:s19], [sflag:$0xE], $0x40, s18, s17, $0xb8;
	[tilespmem:$0x1AD00] =	vst v63  }
0xe9: {  	s17 =	simm.s32 @!p2 $0xE  }
0xea: {  	_ =	swait.ge @!p2 [sflag:s17], $0x2000  }
0xeb: {  	[sflag:s17] =	ssyncset.done @!p2 $0x0  }
0xec: {  	[sflag:s17] =	ssyncadd.s32 @!p2 $0xFFFFE000  }
0xed: {  	s18 =	stileid.u32;
	[bflag:$0x0] =	sbarrier.arrive $0xFFFF  }
0xee: {  	s17 =	sshll.u32 s18, $0x6;
	s19 =	rddreg [dreg:$0x7]  }
0xef: {  	s17 =	sor.u32 $0x1C0E, s17;
	s18 =	sshrl.u32 s19, $0x3;
	s19 =	rddreg [dreg:$0xa]  }
0xf0: {  	[hbm:s19], [sflag:s17] =	dma.local [spmem:s18], $0x13C0  }
0xf1: {  	_ =	swait.ge [sflag:s14], $0x13C0  }
0xf2: {  	s16 =	sadd.s32 $0x1, s16;
	s19 =	rddreg [dreg:$0xb]  }
0xf3: {  	p4 =	sne.s32 s16, s19  }
.Ltmp1:
0xf4: {  	_ = 	snop;
	(pc) =	sbr.rel @p4 .LBB2_1-.Ltmp1, $3  }
0xf5: {  	_ =	sdelay $0x1  }
0xf6: {  	[sflag:s14] =	ssyncset.done $0x0  }
0xf7: {  	[sflag:s14] =	ssyncadd.s32 $0xFFFFEC40  }
0xf8: {  	_ =	sfence.sel $0x180000  }
0xf9: {  	[bflag:$0x0] =	sbarrier.arrive $0xFFFF  }
0xfa: {  	_ =	strace $0x9000004A  }
0xfb: {  	s0 =	stileid.u32;
	[bflag:$0x2] =	sbarrier.arrive $0xFFFF  }
0xfc: {  	p0 =	sne.s32 s0, $0x0;
	s0 =	rddreg [dreg:$0x2]  }
0xfd: {  	s0 =	sadd.s32 @!p0 $0x100000, s0  }
0xfe: {  	[sflag:s0] =	ssyncadd.tile.s32 @!p0 $0x1;
	_ =	shalt  }
.Lfunc_end2:
_tile_overlayer_lowered:
.L_overlay_start_2:
0xff: {  	(tag) =	ssettag $0x2  }
0x100: {  	s0 =	rddreg [dreg:$0x0];
	s2 =	stileid.u32  }
0x101: {  	s1 =	rddreg [dreg:$0x1];
	p0 =	sne.s32 s2, $0x0  }
0x102: {  	s3 =	rddreg [dreg:$0x2];
	[bflag:$0x3] =	sbarrier.arrive $0xFFFF;
	s2 =	simm.s32 @!p0 $0x1C0E  }
0x103: {  	[timem:s3], [sflag:s2] =	dma.local @!p0 [hbm:s0], s1  }
0x104: {  	s0 =	simm.s32 @!p0 $0xE  }
0x105: {  	_ =	swait.ge @!p0 [sflag:s0], s1  }
0x106: {  	s1 =	ssub.s32 @!p0 $0x0, s1;
	[sflag:s0] =	ssyncset.done @!p0 $0x0  }
0x107: {  	[sflag:s0] =	ssyncadd.s32 @!p0 s1  }
0x108: {  	[bflag:$0x3] =	sbarrier.arrive $0xFFFF  }
0x109: {  	_ =	shalt  }

// kernel: kernel.13.cloned.1.call-start
scs
__scs_entry_jumppad:
0x0: {  	(pc) =	sbr.rel $0x88, $3  }
0x1: {  	(tag) =	ssettag $0x0;
	lr =	simm.s32 $0x1  }
0x2: {  	[smem:$0x3F98] =	sst lr;
	_ =	strace $0xD0000000  }
0x3: {  	_ = 	snop  }
0x4: {  	_ = 	snop  }
0x5: {  	_ = 	snop  }
0x6: {  	_ = 	snop  }
0x7: {  	_ = 	snop  }
__scs_overlays_trampoline_lowered:
0x8: {  	[smem:$0x3FA7] =	sst s0  }
0x9: {  	[smem:$0x3FA8] =	sst s1  }
0xa: {  	[smem:$0x3FA9] =	sst s2  }
0xb: {  	[smem:$0x3FAA] =	sst s3  }
0xc: {  	[smem:$0x3FAB] =	sst s4  }
0xd: {  	[smem:$0x3FAC] =	sst s5  }
0xe: {  	[smem:$0x3FAD] =	sst s6  }
0xf: {  	[smem:$0x3FAE] =	sst s7  }
0x10: {  	[smem:$0x3FAF] =	sst s8  }
0x11: {  	[smem:$0x3FB0] =	sst s9;
	s0 =	simm.s32 @!p0 $0x0  }
0x12: {  	s1 =	sld [smem:$0x3F96];
	s0 =	simm.s32 @p0 $0x1  }
0x13: {  	[smem:$0x3FB1] =	sst s0;
	s0 =	simm.s32 @!p1 $0x0  }
0x14: {  	s2 =	sld [smem:$0x3F95];
	s0 =	simm.s32 @p1 $0x1  }
0x15: {  	[smem:$0x3FB2] =	sst s0;
	s0 =	simm.s32 @!p2 $0x0  }
0x16: {  	s3 =	sld [smem:$0x3FDB];
	s0 =	simm.s32 @p2 $0x1  }
0x17: {  	s4 =	simm.s32 $0x1BF5;
	[smem:$0x3FB4] =	sst s0  }
0x18: {  	s0 =	sld [smem:$0x3F97];
	_ =	swait.ge [sflag:s4], $0x0  }
0x19: {  	s7 =	sld [smem:$0x3F98]  }
0x1a: {  	s8 =	sadd.s32 $0xFFFFE003, lr  }
0x1b: {  	s9 =	sadd.s32 $0xFFFFFEF7, lr;
	s5 =	simm.s32 $0xFFFFFFFF;
	p2 =	slt.u32 s8, $0xFFFFF086  }
0x1c: {  	p1 =	slt.u32 s9, $0xF7A;
	s5 =	simm.s32 @!p2 $0x0  }
0x1d: {  	s5 =	simm.s32 @p1 $0x1;
	p0 =	seq.s32 s7, s2  }
0x1e: {  	s7 =	smul.u32 @!p0 $0xF7A, s2;
	p2 =	seq.s32 @!p0 s5, $0x0  }
0x1f: {  	s9 =	smul.u32 $0xF7A, s1;
	s8 =	simm.s32 @!p0 $0x1BF5;
	p2 =	por !p2, p0  }
0x20: {  	[sflag:s8] =	ssyncset.s32 @!p0 $0xFFFFF086;
	s6 =	sadd.s32 @!p0 s3, s7;
	s7 =	simm.s32 @!p0 $0x108  }
0x21: {  	s3 =	sadd.s32 s3, s9;
	s6 =	sadd.s32 @!p0 $0x88, s6;
	s7 =	simm.s32 @p2 $0x1082  }
0x22: {  	[simem:s7], [sflag:s8] =	dma.local @!p0 [hbm:s6], $0xF7A  }
0x23: {  	s9 =	sor.u32 $0xD0000000, s2;
	s6 =	simm.s32 $0x108;
	_ =	swait.ge @!p0 [sflag:s8], $0x0  }
0x24: {  	s3 =	sadd.s32 $0x88, s3;
	s6 =	simm.s32 @!p1 $0x1082;
	[sflag:s4] =	ssyncset.s32 $0xFFFFF086  }
0x25: {  	[simem:s6], [sflag:s4] =	dma.local [hbm:s3], $0xF7A  }
0x26: {  	[smem:$0x3F98] =	sst s1;
	(tag) =	ssettag s2;
	_ =	strace s9  }
0x27: {  	s1 =	sld [smem:$0x3FA8]  }
0x28: {  	s2 =	sld [smem:$0x3FA9]  }
0x29: {  	s4 =	sld [smem:$0x3FAB]  }
0x2a: {  	p0 =	seq.s32 s5, $0x0;
	s5 =	sld [smem:$0x3FAC]  }
0x2b: {  	s6 =	sld [smem:$0x3FAD]  }
0x2c: {  	s7 =	sld [smem:$0x3FAE]  }
0x2d: {  	s3 =	simm.s32 $0x108;
	s8 =	sld [smem:$0x3FAF]  }
0x2e: {  	s3 =	simm.s32 @!p0 $0x1082;
	s9 =	sld [smem:$0x3FB0]  }
0x2f: {  	lr =	sadd.s32 s0, s3;
	s0 =	sld [smem:$0x3FA7]  }
0x30: {  	s3 =	sld [smem:$0x3FAA]  }
0x31: {  	[smem:$0x3FB3] =	sst s10  }
0x32: {  	s10 =	sld [smem:$0x3FB1];
	_ =	sdelay $0x3  }
0x33: {  	p0 =	seq.s32 s10, $0x1;
	s10 =	sld [smem:$0x3FB3];
	_ =	sdelay $0x3  }
0x34: {  	[smem:$0x3FB3] =	sst s10  }
0x35: {  	s10 =	sld [smem:$0x3FB2];
	_ =	sdelay $0x3  }
0x36: {  	p1 =	seq.s32 s10, $0x1;
	s10 =	sld [smem:$0x3FB3];
	_ =	sdelay $0x3  }
0x37: {  	[smem:$0x3FB3] =	sst s10  }
0x38: {  	s10 =	sld [smem:$0x3FB4]  }
0x39: {  	_ = 	snop;
	(pc) =	sbr.ind lr, $3  }
0x3a: {  	_ = 	snop  }
0x3b: {  	_ = 	snop  }
0x3c: {  	p2 =	seq.s32 s10, $0x1;
	s10 =	sld [smem:$0x3FB3]  }
0x3d: {  	_ =	shalt  }
0x3e: {  	_ =	shalt  }
0x3f: {  	_ =	shalt  }
0x40: {  	_ =	shalt  }
0x41: {  	_ =	shalt  }
0x42: {  	_ =	shalt  }
0x43: {  	_ =	shalt  }
0x44: {  	_ =	shalt  }
0x45: {  	_ =	shalt  }
0x46: {  	_ =	shalt  }
0x47: {  	_ =	shalt  }
0x48: {  	_ =	shalt  }
0x49: {  	_ =	shalt  }
0x4a: {  	_ =	shalt  }
0x4b: {  	_ =	shalt  }
0x4c: {  	_ =	shalt  }
0x4d: {  	_ =	shalt  }
0x4e: {  	_ =	shalt  }
0x4f: {  	_ =	shalt  }
0x50: {  	_ =	shalt  }
0x51: {  	_ =	shalt  }
0x52: {  	_ =	shalt  }
0x53: {  	_ =	shalt  }
0x54: {  	_ =	shalt  }
0x55: {  	_ =	shalt  }
0x56: {  	_ =	shalt  }
0x57: {  	_ =	shalt  }
0x58: {  	_ =	shalt  }
0x59: {  	_ =	shalt  }
0x5a: {  	_ =	shalt  }
0x5b: {  	_ =	shalt  }
0x5c: {  	_ =	shalt  }
0x5d: {  	_ =	shalt  }
0x5e: {  	_ =	shalt  }
0x5f: {  	_ =	shalt  }
0x60: {  	_ =	shalt  }
0x61: {  	_ =	shalt  }
0x62: {  	_ =	shalt  }
0x63: {  	_ =	shalt  }
0x64: {  	_ =	shalt  }
0x65: {  	_ =	shalt  }
0x66: {  	_ =	shalt  }
0x67: {  	_ =	shalt  }
0x68: {  	_ =	shalt  }
0x69: {  	_ =	shalt  }
0x6a: {  	_ =	shalt  }
0x6b: {  	_ =	shalt  }
0x6c: {  	_ =	shalt  }
0x6d: {  	_ =	shalt  }
0x6e: {  	_ =	shalt  }
0x6f: {  	_ =	shalt  }
0x70: {  	_ =	shalt  }
0x71: {  	_ =	shalt  }
0x72: {  	_ =	shalt  }
0x73: {  	_ =	shalt  }
0x74: {  	_ =	shalt  }
0x75: {  	_ =	shalt  }
0x76: {  	_ =	shalt  }
0x77: {  	_ =	shalt  }
0x78: {  	_ =	shalt  }
0x79: {  	_ =	shalt  }
0x7a: {  	_ =	shalt  }
0x7b: {  	_ =	shalt  }
0x7c: {  	_ =	shalt  }
0x7d: {  	_ =	shalt  }
0x7e: {  	_ =	shalt  }
0x7f: {  	_ =	shalt  }
0x80: {  	_ =	shalt  }
0x81: {  	_ =	shalt  }
0x82: {  	_ =	shalt  }
0x83: {  	_ =	shalt  }
0x84: {  	_ =	shalt  }
0x85: {  	_ =	shalt  }
0x86: {  	_ =	shalt  }
0x87: {  	_ =	shalt  }
.Lfunc_end0:
.L_simem_size_0:
called_computation.2_lowered:
.L_overlay_start_0:
0x88: {  	s2 =	sld [smem:$0x3FD9]  }
0x89: {  	s3 =	sld [smem:$0x3FFE];
	_ =	sdelay $0x1  }
0x8a: {  	s1 =	srdreg.scid  }
0x8b: {  	s0 =	sand.u32 $0x1, s1  }
0x8c: {  	s17 =	sshll.u32 s0, $0xA;
	s2 =	sadd.s32 s3, s2  }
0x8d: {  	s2 =	sadd.s32 s2, s17  }
0x8e: {  	[smem:$0x3FBF] =	sst s2  }
0x8f: {  	_ = 	snop  }
0x90: {  	s2 =	sld [smem:$0x3FC7];
	(tm) =	ssettm $0x1  }
0x91: {  	s18 =	sld [smem:$0x3FFB];
	_ =	sdelay $0x3  }
0x92: {  	_ =	strace s18  }
0x93: {  	s3 =	sld [smem:$0x3FFC];
	_ =	sdelay $0x3  }
0x94: {  	_ =	strace s3  }
0x95: {  	s3 =	sld [smem:$0x3FFD];
	_ =	sdelay $0x3  }
0x96: {  	_ =	strace s3  }
0x97: {  	_ =	strace $0x8FFFFFFF  }
0x98: {  	s19 =	sld [smem:$0x3FDB];
	_ =	sdelay $0x1  }
0x99: {  	s4 =	simm.s32 $_scs_section_size  }
0x9a: {  	s5 =	simm.s32 $_size__tile_overlayer_lowered;
	s6 =	simm.s32 $_tile_overlayer_lowered  }
0x9b: {  	s22 =	simm.s32 $0x1BFF;
	s21 =	sshll.u32 s6, $0x1;
	s3 =	sadd.s32 s4, s19  }
0x9c: {  	s7 =	simm.s32 $0x0;
	s20 =	sshll.u32 s5, $0x1;
	s5 =	sadd.s32 s21, s3  }
0x9d: {  	[timem:s7], [sflag:s22] =	dma.local [hbm:s5], s20  }
0x9e: {  	_ =	swait.ge [sflag:s22], s20  }
0x9f: {  	s4 =	ssub.s32 $0x0, s20;
	[sflag:s22] =	ssyncset.done $0x0  }
0xa0: {  	[sflag:s22] =	ssyncadd.s32 s4;
	_ =	sdelay $0x1  }
0xa1: {  	s23 =	simm.s32 $0x1B8B  }
0xa2: {  	_ =	swait.ge [sflag:s23], $0x1  }
0xa3: {  	[sflag:s23] =	ssyncset.done $0x0  }
0xa4: {  	s25 =	simm.s32 $0x1B8E;
	s24 =	sld [smem:$0x3FFE];
	[sflag:s23] =	ssyncadd.s32 $0xFFFFFFFF  }
0xa5: {  	s26 =	simm.s32 $execute0_lowered;
	[smem:$0x3FD2] =	sst s25  }
0xa6: {  	s5 =	sshll.u32 s26, $0x1;
	_ =	strace $0x8000004C;
	[dreg:$0x1] =	wrdreg $0xFFFFFFFF  }
0xa7: {  	s28 =	simm.s32 $_size_execute0_lowered;
	s3 =	sadd.s32 s3, s5;
	[dreg:$0x0] =	wrdreg $0x0  }
0xa8: {  	s5 =	sshll.u32 s28, $0x1;
	[dreg:$0x2] =	wrdreg s3  }
0xa9: {  	[dreg:$0x3] =	wrdreg s5  }
0xaa: {  	[dreg:$0x4] =	wrdreg $0xC0  }
0xab: {  	_ =	task [dreg:s7], $0x5FFFF  }
0xac: {  	[dreg:$0x1] =	wrdreg $0xFFFFFFFF  }
0xad: {  	[dreg:$0x0] =	wrdreg $0x60  }
0xae: {  	[dreg:$0x2] =	wrdreg s24  }
0xaf: {  	[dreg:$0x3] =	wrdreg s2  }
0xb0: {  	[dreg:$0x4] =	wrdreg $0xCC500  }
0xb1: {  	[dreg:$0x5] =	wrdreg $0x9  }
0xb2: {  	_ =	task.clear_ibuf [dreg:s7], $0x6FFFF;
	_ =	strace $0x9000004C  }
0xb3: {  	s29 =	simm.s32 $0x9;
	_ =	strace $0x8000004E  }
0xb4: {  	_ =	swait.ge [sflag:s29], $0x1  }
0xb5: {  	[sflag:s29] =	ssyncadd.s32 $0xFFFFFFFF  }
0xb6: {  	_ =	strace $0x9000004E  }
0xb7: {  	_ =	sfence  }
0xb8: {  	s30 =	sld [smem:$0x0];
	_ =	sdelay $0x2  }
0xb9: {  	s31 =	sshll.u32 s1, $0xD;
	s1 =	sshrl.u32 s1, $0x2  }
0xba: {  	s3 =	sand.u32 $0x4000, s31;
	s1 =	sadd.s32 s1, s30  }
0xbb: {  	s0 =	sor.u32 s3, s0;
	s1 =	sshll.u32 s1, $0x11  }
0xbc: {  	s0 =	sor.u32 s1, s0  }
0xbd: {  	s0 =	sadd.s32 $0x8F2B, s0  }
0xbe: {  	[sflag:s0] =	ssyncadd.remote.s32 $0x1  }
0xbf: {  	_ =	sfence.sel $0xFFFF  }
0xc0: {  	[dreg:$0x0] =	wrdreg $0xFFFFFFFF;
	(pc) =	sbr.abs _section_cstart, $3  }
0xc1: {  	[dreg:$0x1] =	wrdreg $0xFFFFFFFF  }
0xc2: {  	_ =	task.clear_ibuf [dreg:s7], $0x2FFFF;
	_ =	strace $0x9FFFFFFF  }
0xc3: {  	(tm) =	ssettm $0x7FFFFFFF  }
tec
execute0_lowered:
.L_overlay_start_1:
0x0: {  	(tag) =	ssettag $0x1  }
0x1: {  	s8 =	rddreg [dreg:$0x0]  }
0x2: {  	s1 =	rddreg [dreg:$0x1]  }
0x3: {  	s2 =	rddreg [dreg:$0x2]  }
0x4: {  	s0 =	rddreg [dreg:$0x3]  }
0x5: {  	s3 =	simm.s32 $0x0;
	s4 =	srdreg.scid;
	s18 =	stileid.u32  }
0x6: {  	s17 =	simm.s32 $0x9D20;
	s19 =	simm.s32 $0x2;
	s20 =	simm.s32 $0xC830  }
0x7: {  	s22 =	simm.s32 $0x1;
	s23 =	simm.s32 $0x10;
	s24 =	simm.s32 $0xCC30  }
0x8: {  	s25 =	simm.s32 $0xCC40;
	s26 =	simm.s32 $0x0;
	[smem:$0x7FF] =	sst s3  }
0x9: {  	s9 =	sand.u32 $0x1, s4;
	s11 =	sadd.s32 $0xE00, s8;
	s7 =	smul.u32 $0x4E, s18  }
0xa: {  	s4 =	sadd.s32 $0x15000, s8;
	s5 =	sadd.s32 $0x14A00, s8;
	s6 =	sadd.s32 $0x15600, s8  }
0xb: {  	s30 =	sadd.s32 $0xAA40, s8;
	s31 =	smul.u32 $0x140, s18;
	s21 =	sadd.s32 $0x400, s2  }
0xc: {  	p1 =	sgt.u32 s18, $0x1;
	p0 =	sne.s32 s18, $0x0;
	s10 =	smul.u32 $0x4E2, s9  }
0xd: {  	_ =	strace $0x8000004D;
	s12 =	sshll.u32 s9, $0x8;
	s13 =	ssub.s32 $0x2, s9  }
0xe: {  	s16 =	smul.u32 $0x1400, s9;
	s21 =	sshrl.u32 @!p0 s21, $0x3;
	s14 =	sshrl.u32 s13, $0x1  }
0xf: {  	s12 =	sadd.s32 s12, s8;
	s7 =	sadd.s32 s7, s10;
	s13 =	ssub.s32 s13, s14  }
0x10: {  	s10 =	sadd.s32 s18, s10;
	s14 =	simm.s32 $0x2700;
	s15 =	sshll.u32 s7, $0x4  }
0x11: {  	s18 =	simm.s32 $0xC430;
	s10 =	sshll.u32 s10, $0x4;
	s7 =	sadd.s32 s11, s15  }
0x12: {  	s8 =	sadd.s32 s15, s30;
	s10 =	sadd.s32 $0x4E00, s10;
	s15 =	simm.s32 $0x4F00  }
0x13: {  	v0 =	vlaneseq.u32;
	s9 =	sadd.s32 s11, s10;
	s10 =	sadd.s32 s10, s30;
	s11 =	sadd.s32 $0x15800, s12  }
0x14: {  	v3 =	vimm.f32 $1.000000000e+00;
	v1 =	vor.u32 $0x10, v0;
	v2 =	vmul.u32 $0x40, v0;
	s12 =	smax.u32 s13, $0x1;
	s13 =	sadd.s32 s31, s16;
	s16 =	simm.s32 $0x7610  }
.LBB2_1:
0x15: {  	[tilespmem:s3], [sflag:$0x1] =	stream.linear.gather [hbm4b:s7+s3], $0x2700, $0x38;
	[tilespmem:$0xCCD0] =	vst v63  }
0x16: {  	_ = 	snop  }
0x17: {  	[tilespmem:s14], [sflag:$0x1] =	stream.linear.gather [hbm4b:s8+s3], $0x2700, $0x38;
	[tilespmem:$0xCCD0] =	vst v63  }
0x18: {  	_ = 	snop  }
0x19: {  	[tilespmem:s15], [sflag:$0x1] =	stream.linear.gather [hbm4b:s4+s3], $0x2710, $0x38;
	[tilespmem:$0xCCD0] =	vst v63  }
0x1a: {  	_ = 	snop  }
0x1b: {  	[tilespmem:s16], [sflag:$0x1] =	stream.linear.gather [hbm4b:s5+s3], $0x2710, $0x38;
	[tilespmem:$0xCCD0] =	vst v63  }
0x1c: {  	_ = 	snop  }
0x1d: {  	[tilespmem:s17], [sflag:$0x1] =	stream.linear.gather [hbm4b:s1+s3], $0x2710, $0x38;
	[tilespmem:$0xCCD0] =	vst v63  }
0x1e: {  	s28 =	simm.s32 @!p1 $0x0;
	s29 =	simm.s32 @!p1 $0x4E00  }
0x1f: {  	[tilespmem:s29], [sflag:$0x1] =	stream.linear.gather @!p1 [hbm4b:s9+s28], $0x80, $0x38;
	[tilespmem:$0xCCD0] =	vst v63  }
0x20: {  	s29 =	simm.s32 @!p1 $0x4E80  }
0x21: {  	[tilespmem:s29], [sflag:$0x1] =	stream.linear.gather @!p1 [hbm4b:s10+s28], $0x80, $0x38;
	[tilespmem:$0xCCD0] =	vst v63  }
0x22: {  	_ = 	snop  }
0x23: {  	[tilespmem:s18], [sflag:$0x2] =	stream.linear.gather [hbm4b:s6+s3], $0x400, $0x38;
	[tilespmem:$0xCCD0] =	vst v63  }
0x24: {  	_ =	swait.ge [sflag:s19], $0x400  }
0x25: {  	[sflag:s19] =	ssyncset.done $0x0  }
0x26: {  	[sflag:s19] =	ssyncadd.s32 $0xFFFFFC00  }
0x27: {  	[tilespmem:s20], [sflag:$0x2] =	stream.linear.gather [hbm4b:s6+s3], $0x400, $0x38;
	[tilespmem:$0xCCD0] =	vst v63  }
0x28: {  	_ =	swait.ge [sflag:s19], $0x400  }
0x29: {  	s30 =	simm.s32 @!p0 $0x2;
	[sflag:s19] =	ssyncset.done $0x0  }
0x2a: {  	s28 =	sshrl.u32 @!p0 s2, $0x3;
	s29 =	simm.s32 @!p0 $0x1C02;
	[sflag:s19] =	ssyncadd.s32 $0xFFFFFC00  }
0x2b: {  	[spmem:s28], [sflag:s29] =	dma.local @!p0 [hbm:s6], $0x80  }
0x2c: {  	_ =	swait.ge @!p0 [sflag:s30], $0x80  }
0x2d: {  	[sflag:s30] =	ssyncset.done @!p0 $0x0  }
0x2e: {  	[sflag:s30] =	ssyncadd.s32 @!p0 $0xFFFFFF80  }
0x2f: {  	[spmem:s21], [sflag:s29] =	dma.local @!p0 [hbm:s6], $0x80  }
0x30: {  	_ =	swait.ge @!p0 [sflag:s30], $0x80  }
0x31: {  	[sflag:s30] =	ssyncset.done @!p0 $0x0  }
0x32: {  	[sflag:s30] =	ssyncadd.s32 @!p0 $0xFFFFFF80  }
0x33: {  	[tilespmem:$0xCC30] =	vst v0  }
0x34: {  	[tilespmem:$0xCC40] =	vst v1  }
0x35: {  	_ =	swait.ge [sflag:s22], $0x2700  }
0x36: {  	[sflag:s22] =	ssyncset.done $0x0  }
0x37: {  	[sflag:s22] =	ssyncadd.s32 $0xFFFFD900  }
0x38: {  	_ =	swait.ge [sflag:s22], $0x2700  }
0x39: {  	[sflag:s22] =	ssyncset.done $0x0  }
0x3a: {  	[sflag:s22] =	ssyncadd.s32 $0xFFFFD900  }
0x3b: {  	_ =	swait.ge [sflag:s22], $0x2710  }
0x3c: {  	[sflag:s22] =	ssyncset.done $0x0  }
0x3d: {  	[sflag:s22] =	ssyncadd.s32 $0xFFFFD8F0  }
0x3e: {  	_ =	swait.ge [sflag:s22], $0x2710  }
0x3f: {  	[sflag:s22] =	ssyncset.done $0x0  }
0x40: {  	[sflag:s22] =	ssyncadd.s32 $0xFFFFD8F0  }
0x41: {  	_ =	swait.ge [sflag:s22], $0x2710  }
0x42: {  	[sflag:s22] =	ssyncset.done $0x0  }
0x43: {  	s29 =	simm.s32 @!p1 $0x1;
	[sflag:s22] =	ssyncadd.s32 $0xFFFFD8F0  }
0x44: {  	_ =	swait.ge @!p1 [sflag:s29], $0x80  }
0x45: {  	[sflag:s29] =	ssyncset.done @!p1 $0x0  }
0x46: {  	[sflag:s29] =	ssyncadd.s32 @!p1 $0xFFFFFF80  }
0x47: {  	_ =	swait.ge @!p1 [sflag:s29], $0x80  }
0x48: {  	[sflag:s29] =	ssyncset.done @!p1 $0x0  }
0x49: {  	[sflag:s29] =	ssyncadd.s32 @!p1 $0xFFFFFF80  }
0x4a: {  	s29 =	simm.s32 $0x0;
	[bflag:$0x0] =	sbarrier.arrive $0xFFFF  }
.LBB2_2:
0x4b: {  	s30 =	sshra.s32 s29, $0x2  }
0x4c: {  	v4 =	vld [tilespmem:s30+$0x2700];
	_ =	sdelay $0x1  }
0x4d: {  	v5 =	vld [tilespmem:s30+$0x0];
	_ =	sdelay $0x5  }
0x4e: {  	v6 =	vld.idx.msk [tilespmem:v4+s17+$0x0], $0xffff;
	_ =	sdelay $0x1  }
0x4f: {  	v5 =	vld.idx.msk [tilespmem:v5+s15+$0x0], $0xffff  }
0x50: {  	v4 =	vld.idx.msk [tilespmem:v4+s16+$0x0], $0xffff;
	_ =	sdelay $0x1  }
0x51: {  	v6 =	vadd.s32 v2, v6;
	_ =	sdelay $0x2  }
0x52: {  	v4 =	vmul.f32 v4, v5;
	_ =	sdelay $0x1  }
0x53: {  	[tilespmem:v6+s18+$0x0] =	vst.idx.add.f32.msk $0xffff, v4  }
0x54: {  	v4 =	vld [tilespmem:s30+$0x2710];
	_ =	sdelay $0x1  }
0x55: {  	v5 =	vld [tilespmem:s30+$0x10];
	_ =	sdelay $0x5  }
0x56: {  	v6 =	vld.idx.msk [tilespmem:v4+s17+$0x0], $0xffff;
	_ =	sdelay $0x1  }
0x57: {  	v5 =	vld.idx.msk [tilespmem:v5+s15+$0x0], $0xffff  }
0x58: {  	v4 =	vld.idx.msk [tilespmem:v4+s16+$0x0], $0xffff;
	_ =	sdelay $0x1  }
0x59: {  	v6 =	vadd.s32 v2, v6;
	_ =	sdelay $0x2  }
0x5a: {  	v4 =	vmul.f32 v4, v5;
	_ =	sdelay $0x1  }
0x5b: {  	[tilespmem:v6+s18+$0x0] =	vst.idx.add.f32.msk $0xffff, v4  }
0x5c: {  	v4 =	vld [tilespmem:s30+$0x2720];
	_ =	sdelay $0x1  }
0x5d: {  	v5 =	vld [tilespmem:s30+$0x20];
	_ =	sdelay $0x5  }
0x5e: {  	v6 =	vld.idx.msk [tilespmem:v4+s17+$0x0], $0xffff;
	_ =	sdelay $0x1  }
0x5f: {  	v5 =	vld.idx.msk [tilespmem:v5+s15+$0x0], $0xffff  }
0x60: {  	v4 =	vld.idx.msk [tilespmem:v4+s16+$0x0], $0xffff;
	_ =	sdelay $0x1  }
0x61: {  	v6 =	vadd.s32 v2, v6;
	_ =	sdelay $0x2  }
0x62: {  	v4 =	vmul.f32 v4, v5;
	_ =	sdelay $0x1  }
0x63: {  	[tilespmem:v6+s18+$0x0] =	vst.idx.add.f32.msk $0xffff, v4  }
0x64: {  	v4 =	vld [tilespmem:s30+$0x2730];
	_ =	sdelay $0x1  }
0x65: {  	v5 =	vld [tilespmem:s30+$0x30];
	_ =	sdelay $0x5  }
0x66: {  	v6 =	vld.idx.msk [tilespmem:v4+s17+$0x0], $0xffff;
	_ =	sdelay $0x1  }
0x67: {  	v5 =	vld.idx.msk [tilespmem:v5+s15+$0x0], $0xffff  }
0x68: {  	v4 =	vld.idx.msk [tilespmem:v4+s16+$0x0], $0xffff;
	_ =	sdelay $0x1  }
0x69: {  	v6 =	vadd.s32 v2, v6;
	_ =	sdelay $0x2  }
0x6a: {  	v4 =	vmul.f32 v4, v5;
	_ =	sdelay $0x1  }
0x6b: {  	[tilespmem:v6+s18+$0x0] =	vst.idx.add.f32.msk $0xffff, v4  }
0x6c: {  	v4 =	vld [tilespmem:s30+$0x2740];
	_ =	sdelay $0x1  }
0x6d: {  	v5 =	vld [tilespmem:s30+$0x40];
	_ =	sdelay $0x5  }
0x6e: {  	v6 =	vld.idx.msk [tilespmem:v4+s17+$0x0], $0xffff;
	_ =	sdelay $0x1  }
0x6f: {  	v5 =	vld.idx.msk [tilespmem:v5+s15+$0x0], $0xffff  }
0x70: {  	v4 =	vld.idx.msk [tilespmem:v4+s16+$0x0], $0xffff;
	_ =	sdelay $0x1  }
0x71: {  	v6 =	vadd.s32 v2, v6;
	_ =	sdelay $0x2  }
0x72: {  	v4 =	vmul.f32 v4, v5;
	_ =	sdelay $0x1  }
0x73: {  	[tilespmem:v6+s18+$0x0] =	vst.idx.add.f32.msk $0xffff, v4  }
0x74: {  	v4 =	vld [tilespmem:s30+$0x2750];
	_ =	sdelay $0x1  }
0x75: {  	v5 =	vld [tilespmem:s30+$0x50];
	_ =	sdelay $0x5  }
0x76: {  	v6 =	vld.idx.msk [tilespmem:v4+s17+$0x0], $0xffff;
	_ =	sdelay $0x1  }
0x77: {  	v5 =	vld.idx.msk [tilespmem:v5+s15+$0x0], $0xffff  }
0x78: {  	v4 =	vld.idx.msk [tilespmem:v4+s16+$0x0], $0xffff;
	_ =	sdelay $0x1  }
0x79: {  	v6 =	vadd.s32 v2, v6;
	_ =	sdelay $0x2  }
0x7a: {  	v4 =	vmul.f32 v4, v5;
	_ =	sdelay $0x1  }
0x7b: {  	[tilespmem:v6+s18+$0x0] =	vst.idx.add.f32.msk $0xffff, v4  }
0x7c: {  	v4 =	vld [tilespmem:s30+$0x2760];
	_ =	sdelay $0x1  }
0x7d: {  	v5 =	vld [tilespmem:s30+$0x60];
	_ =	sdelay $0x5  }
0x7e: {  	v6 =	vld.idx.msk [tilespmem:v4+s17+$0x0], $0xffff;
	_ =	sdelay $0x1  }
0x7f: {  	v5 =	vld.idx.msk [tilespmem:v5+s15+$0x0], $0xffff  }
0x80: {  	v4 =	vld.idx.msk [tilespmem:v4+s16+$0x0], $0xffff;
	_ =	sdelay $0x1  }
0x81: {  	v6 =	vadd.s32 v2, v6;
	_ =	sdelay $0x2  }
0x82: {  	v4 =	vmul.f32 v4, v5;
	_ =	sdelay $0x1  }
0x83: {  	[tilespmem:v6+s18+$0x0] =	vst.idx.add.f32.msk $0xffff, v4  }
0x84: {  	v4 =	vld [tilespmem:s30+$0x2770];
	_ =	sdelay $0x1  }
0x85: {  	v5 =	vld [tilespmem:s30+$0x70];
	_ =	sdelay $0x5  }
0x86: {  	v6 =	vld.idx.msk [tilespmem:v4+s17+$0x0], $0xffff;
	_ =	sdelay $0x1  }
0x87: {  	v5 =	vld.idx.msk [tilespmem:v5+s15+$0x0], $0xffff  }
0x88: {  	v4 =	vld.idx.msk [tilespmem:v4+s16+$0x0], $0xffff;
	_ =	sdelay $0x1  }
0x89: {  	p2 =	sne.s32 s29, $0x9A00;
	v6 =	vadd.s32 v2, v6  }
.Ltmp0:
0x8a: {  	_ = 	snop;
	(pc) =	sbr.rel @p2 .LBB2_2-.Ltmp0, $3  }
0x8b: {  	_ = 	snop  }
0x8c: {  	v4 =	vmul.f32 v4, v5;
	_ =	sdelay $0x1  }
0x8d: {  	s29 =	sadd.s32 $0x200, s29;
	[tilespmem:v6+s18+$0x0] =	vst.idx.add.f32.msk $0xffff, v4  }
.Ltmp1:
0x8e: {  	(pc) =	sbr.rel @p1 .LBB2_5-.Ltmp1, $1  }
0x8f: {  	_ =	sdelay $0x3  }
0x90: {  	v4 =	vld [tilespmem:$0x4E80];
	_ =	sdelay $0x1  }
0x91: {  	v5 =	vld [tilespmem:$0x4E00];
	_ =	sdelay $0x5  }
0x92: {  	v6 =	vld.idx.msk [tilespmem:v4+s17+$0x0], $0xffff;
	_ =	sdelay $0x1  }
0x93: {  	v5 =	vld.idx.msk [tilespmem:v5+s15+$0x0], $0xffff  }
0x94: {  	v4 =	vld.idx.msk [tilespmem:v4+s16+$0x0], $0xffff;
	_ =	sdelay $0x1  }
0x95: {  	v6 =	vadd.s32 v2, v6;
	_ =	sdelay $0x2  }
0x96: {  	v4 =	vmul.f32 v4, v5;
	_ =	sdelay $0x1  }
0x97: {  	[tilespmem:v6+s18+$0x0] =	vst.idx.add.f32.msk $0xffff, v4  }
0x98: {  	v4 =	vld [tilespmem:$0x4E90];
	_ =	sdelay $0x1  }
0x99: {  	v5 =	vld [tilespmem:$0x4E10];
	_ =	sdelay $0x5  }
0x9a: {  	v6 =	vld.idx.msk [tilespmem:v4+s17+$0x0], $0xffff;
	_ =	sdelay $0x1  }
0x9b: {  	v5 =	vld.idx.msk [tilespmem:v5+s15+$0x0], $0xffff  }
0x9c: {  	v4 =	vld.idx.msk [tilespmem:v4+s16+$0x0], $0xffff;
	_ =	sdelay $0x1  }
0x9d: {  	v6 =	vadd.s32 v2, v6;
	_ =	sdelay $0x2  }
0x9e: {  	v4 =	vmul.f32 v4, v5;
	_ =	sdelay $0x1  }
0x9f: {  	[tilespmem:v6+s18+$0x0] =	vst.idx.add.f32.msk $0xffff, v4  }
0xa0: {  	v4 =	vld [tilespmem:$0x4EA0];
	_ =	sdelay $0x1  }
0xa1: {  	v5 =	vld [tilespmem:$0x4E20];
	_ =	sdelay $0x5  }
0xa2: {  	v6 =	vld.idx.msk [tilespmem:v4+s17+$0x0], $0xffff;
	_ =	sdelay $0x1  }
0xa3: {  	v5 =	vld.idx.msk [tilespmem:v5+s15+$0x0], $0xffff  }
0xa4: {  	v4 =	vld.idx.msk [tilespmem:v4+s16+$0x0], $0xffff;
	_ =	sdelay $0x1  }
0xa5: {  	v6 =	vadd.s32 v2, v6;
	_ =	sdelay $0x2  }
0xa6: {  	v4 =	vmul.f32 v4, v5;
	_ =	sdelay $0x1  }
0xa7: {  	[tilespmem:v6+s18+$0x0] =	vst.idx.add.f32.msk $0xffff, v4  }
0xa8: {  	v4 =	vld [tilespmem:$0x4EB0];
	_ =	sdelay $0x1  }
0xa9: {  	v5 =	vld [tilespmem:$0x4E30];
	_ =	sdelay $0x5  }
0xaa: {  	v6 =	vld.idx.msk [tilespmem:v4+s17+$0x0], $0xffff;
	_ =	sdelay $0x1  }
0xab: {  	v5 =	vld.idx.msk [tilespmem:v5+s15+$0x0], $0xffff  }
0xac: {  	v4 =	vld.idx.msk [tilespmem:v4+s16+$0x0], $0xffff;
	_ =	sdelay $0x1  }
0xad: {  	v6 =	vadd.s32 v2, v6;
	_ =	sdelay $0x2  }
0xae: {  	v4 =	vmul.f32 v4, v5;
	_ =	sdelay $0x1  }
0xaf: {  	[tilespmem:v6+s18+$0x0] =	vst.idx.add.f32.msk $0xffff, v4  }
0xb0: {  	v4 =	vld [tilespmem:$0x4EC0];
	_ =	sdelay $0x1  }
0xb1: {  	v5 =	vld [tilespmem:$0x4E40];
	_ =	sdelay $0x5  }
0xb2: {  	v6 =	vld.idx.msk [tilespmem:v4+s17+$0x0], $0xffff;
	_ =	sdelay $0x1  }
0xb3: {  	v5 =	vld.idx.msk [tilespmem:v5+s15+$0x0], $0xffff  }
0xb4: {  	v4 =	vld.idx.msk [tilespmem:v4+s16+$0x0], $0xffff;
	_ =	sdelay $0x1  }
0xb5: {  	v6 =	vadd.s32 v2, v6;
	_ =	sdelay $0x2  }
0xb6: {  	v4 =	vmul.f32 v4, v5;
	_ =	sdelay $0x1  }
0xb7: {  	[tilespmem:v6+s18+$0x0] =	vst.idx.add.f32.msk $0xffff, v4  }
0xb8: {  	v4 =	vld [tilespmem:$0x4ED0];
	_ =	sdelay $0x1  }
0xb9: {  	v5 =	vld [tilespmem:$0x4E50];
	_ =	sdelay $0x5  }
0xba: {  	v6 =	vld.idx.msk [tilespmem:v4+s17+$0x0], $0xffff;
	_ =	sdelay $0x1  }
0xbb: {  	v5 =	vld.idx.msk [tilespmem:v5+s15+$0x0], $0xffff  }
0xbc: {  	v4 =	vld.idx.msk [tilespmem:v4+s16+$0x0], $0xffff;
	_ =	sdelay $0x1  }
0xbd: {  	v6 =	vadd.s32 v2, v6;
	_ =	sdelay $0x2  }
0xbe: {  	v4 =	vmul.f32 v4, v5;
	_ =	sdelay $0x1  }
0xbf: {  	[tilespmem:v6+s18+$0x0] =	vst.idx.add.f32.msk $0xffff, v4  }
0xc0: {  	v4 =	vld [tilespmem:$0x4EE0];
	_ =	sdelay $0x1  }
0xc1: {  	v5 =	vld [tilespmem:$0x4E60];
	_ =	sdelay $0x5  }
0xc2: {  	v6 =	vld.idx.msk [tilespmem:v4+s17+$0x0], $0xffff;
	_ =	sdelay $0x1  }
0xc3: {  	v5 =	vld.idx.msk [tilespmem:v5+s15+$0x0], $0xffff  }
0xc4: {  	v4 =	vld.idx.msk [tilespmem:v4+s16+$0x0], $0xffff;
	_ =	sdelay $0x1  }
0xc5: {  	v6 =	vadd.s32 v2, v6;
	_ =	sdelay $0x2  }
0xc6: {  	v4 =	vmul.f32 v4, v5;
	_ =	sdelay $0x1  }
0xc7: {  	[tilespmem:v6+s18+$0x0] =	vst.idx.add.f32.msk $0xffff, v4  }
0xc8: {  	v4 =	vld [tilespmem:$0x4EF0];
	_ =	sdelay $0x1  }
0xc9: {  	v5 =	vld [tilespmem:$0x4E70];
	_ =	sdelay $0x5  }
0xca: {  	v6 =	vld.idx.msk [tilespmem:v4+s17+$0x0], $0xffff;
	_ =	sdelay $0x1  }
0xcb: {  	v5 =	vld.idx.msk [tilespmem:v5+s15+$0x0], $0xffff  }
0xcc: {  	v4 =	vld.idx.msk [tilespmem:v4+s16+$0x0], $0xffff;
	_ =	sdelay $0x1  }
0xcd: {  	v6 =	vadd.s32 v2, v6;
	_ =	sdelay $0x2  }
0xce: {  	v4 =	vmul.f32 v4, v5;
	_ =	sdelay $0x1  }
0xcf: {  	[tilespmem:v6+s18+$0x0] =	vst.idx.add.f32.msk $0xffff, v4  }
.LBB2_5:
0xd0: {  	s29 =	sadd.s32 $0x0, s13  }
0xd1: {  	v4 =	vor.u32 s29, v0  }
0xd2: {  	vm0 =	vlt.s32 v4, $0x270F  }
0xd3: {  	v5 =	vnsel vm0, $0x270F, v4;
	_ =	sdelay $0x4  }
0xd4: {  	v6 =	vld.idx.msk [tilespmem:v5+s17+$0x0], $0xffff;
	_ =	sdelay $0x1  }
0xd5: {  	v4 =	vld.idx.msk [tilespmem:v5+s16+$0x0], $0xffff  }
0xd6: {  	v7 =	vmov s29;
	v5 =	vld.idx.msk [tilespmem:v5+s15+$0x0], $0xffff  }
0xd7: {  	s29 =	sadd.s32 $0x10, s13;
	vm0 =	vlt.u32 v7, $0x2710  }
0xd8: {  	s30 =	simm.s32 $0x20;
	v7 =	vor.u32 s29, v0;
	v6 =	vadd.s32 v2, v6  }
.LBB2_6:
0xd9: {  	p2 =	sne.s32 s30, $0x130;
	vm1 =	vlt.s32 v7, $0x270F  }
0xda: {  	v7 =	vnsel vm1, $0x270F, v7  }
0xdb: {  	v4 =	vmul.f32 v4, v5;
	_ =	sdelay $0x1  }
0xdc: {  	[tilespmem:v6+s18+$0x0] =	vst.idx.add.f32.msk vm0, v4  }
0xdd: {  	[tilespmem:v6+s20+$0x0] =	vst.idx.add.f32.msk vm0, v3  }
0xde: {  	v6 =	vld.idx.msk [tilespmem:v7+s17+$0x0], $0xffff;
	_ =	sdelay $0x1  }
.Ltmp2:
0xdf: {  	v4 =	vld.idx.msk [tilespmem:v7+s16+$0x0], $0xffff;
	(pc) =	sbr.rel @p2 .LBB2_6-.Ltmp2, $4  }
0xe0: {  	v5 =	vld.idx.msk [tilespmem:v7+s15+$0x0], $0xffff  }
0xe1: {  	v7 =	vmov s29  }
0xe2: {  	s29 =	sadd.s32 s30, s13;
	vm0 =	vlt.u32 v7, $0x2710  }
0xe3: {  	s30 =	sadd.s32 $0x10, s30;
	v7 =	vor.u32 s29, v0;
	v6 =	vadd.s32 v2, v6  }
0xe4: {  	_ = 	snop  }
0xe5: {  	vm1 =	vlt.s32 v7, $0x270F  }
0xe6: {  	v7 =	vnsel vm1, $0x270F, v7  }
0xe7: {  	v4 =	vmul.f32 v4, v5;
	_ =	sdelay $0x1  }
0xe8: {  	[tilespmem:v6+s18+$0x0] =	vst.idx.add.f32.msk vm0, v4  }
0xe9: {  	[tilespmem:v6+s20+$0x0] =	vst.idx.add.f32.msk vm0, v3  }
0xea: {  	v4 =	vld.idx.msk [tilespmem:v7+s17+$0x0], $0xffff;
	_ =	sdelay $0x1  }
0xeb: {  	v5 =	vld.idx.msk [tilespmem:v7+s16+$0x0], $0xffff  }
0xec: {  	v63 =	vmov s29;
	v6 =	vld.idx.msk [tilespmem:v7+s15+$0x0], $0xffff  }
0xed: {  	vm15 =	vlt.u32 v63, $0x2710  }
0xee: {  	v4 =	vadd.s32 v2, v4;
	_ =	sdelay $0x2  }
0xef: {  	v5 =	vmul.f32 v5, v6;
	_ =	sdelay $0x1  }
0xf0: {  	[tilespmem:v4+s18+$0x0] =	vst.idx.add.f32.msk vm15, v5  }
0xf1: {  	[tilespmem:v4+s20+$0x0] =	vst.idx.add.f32.msk vm15, v3  }
0xf2: {  	[spmem:s2] =	stream.indirect.scatter.add.f32 [tilespmem:s18], [sflag:$0x2], $0x40, s24, s23, $0xb8;
	[tilespmem:$0xCCD0] =	vst v63  }
0xf3: {  	_ =	swait.ge [sflag:s19], $0x400  }
0xf4: {  	[sflag:s19] =	ssyncset.done $0x0  }
0xf5: {  	[sflag:s19] =	ssyncadd.s32 $0xFFFFFC00  }
0xf6: {  	[spmem:s2] =	stream.indirect.scatter.add.f32 [tilespmem:s20], [sflag:$0x2], $0x40, s25, s23, $0xb8;
	[tilespmem:$0xCCD0] =	vst v63  }
0xf7: {  	_ =	swait.ge [sflag:s19], $0x400  }
0xf8: {  	[sflag:s19] =	ssyncset.done $0x0  }
0xf9: {  	s26 =	sadd.s32 $0x1, s26;
	[sflag:s19] =	ssyncadd.s32 $0xFFFFFC00  }
0xfa: {  	s29 =	simm.s32 @!p0 $0x1C02;
	p2 =	sne.s32 s26, s12;
	[bflag:$0x0] =	sbarrier.arrive $0xFFFF  }
0xfb: {  	[hbm:s11], [sflag:s29] =	dma.local @!p0 [spmem:s28], $0x100  }
.Ltmp3:
0xfc: {  	_ = 	snop;
	(pc) =	sbr.rel @p2 .LBB2_1-.Ltmp3, $4  }
0xfd: {  	s28 =	simm.s32 @!p0 $0x2  }
0xfe: {  	_ =	swait.ge @!p0 [sflag:s28], $0x100  }
0xff: {  	[sflag:s28] =	ssyncset.done @!p0 $0x0  }
0x100: {  	[sflag:s28] =	ssyncadd.s32 @!p0 $0xFFFFFF00  }
0x101: {  	_ =	sfence.sel $0x180000  }
0x102: {  	[bflag:$0x0] =	sbarrier.arrive $0xFFFF  }
0x103: {  	_ =	strace $0x9000004D  }
0x104: {  	s0 =	sadd.s32 @!p0 $0x100000, s0;
	[bflag:$0x2] =	sbarrier.arrive $0xFFFF  }
0x105: {  	[sflag:s0] =	ssyncadd.tile.s32 @!p0 $0x1;
	_ =	shalt  }
.Lfunc_end2:
_tile_overlayer_lowered:
.L_overlay_start_2:
0x106: {  	(tag) =	ssettag $0x2  }
0x107: {  	s0 =	rddreg [dreg:$0x0];
	s2 =	stileid.u32  }
0x108: {  	s1 =	rddreg [dreg:$0x1];
	p0 =	sne.s32 s2, $0x0  }
0x109: {  	s3 =	rddreg [dreg:$0x2];
	[bflag:$0x3] =	sbarrier.arrive $0xFFFF;
	s2 =	simm.s32 @!p0 $0x1C02  }
0x10a: {  	[timem:s3], [sflag:s2] =	dma.local @!p0 [hbm:s0], s1  }
0x10b: {  	s0 =	simm.s32 @!p0 $0x2  }
0x10c: {  	_ =	swait.ge @!p0 [sflag:s0], s1  }
0x10d: {  	s1 =	ssub.s32 @!p0 $0x0, s1;
	[sflag:s0] =	ssyncset.done @!p0 $0x0  }
0x10e: {  	[sflag:s0] =	ssyncadd.s32 @!p0 s1  }
0x10f: {  	[bflag:$0x3] =	sbarrier.arrive $0xFFFF  }
0x110: {  	_ =	shalt  }

// kernel: kernel.7.cloned.1.call-start
scs
__scs_entry_jumppad:
0x0: {  	(pc) =	sbr.rel $0x88, $3  }
0x1: {  	(tag) =	ssettag $0x0;
	lr =	simm.s32 $0x1  }
0x2: {  	[smem:$0x3F98] =	sst lr;
	_ =	strace $0xD0000000  }
0x3: {  	_ = 	snop  }
0x4: {  	_ = 	snop  }
0x5: {  	_ = 	snop  }
0x6: {  	_ = 	snop  }
0x7: {  	_ = 	snop  }
__scs_overlays_trampoline_lowered:
0x8: {  	[smem:$0x3FA7] =	sst s0  }
0x9: {  	[smem:$0x3FA8] =	sst s1  }
0xa: {  	[smem:$0x3FA9] =	sst s2  }
0xb: {  	[smem:$0x3FAA] =	sst s3  }
0xc: {  	[smem:$0x3FAB] =	sst s4  }
0xd: {  	[smem:$0x3FAC] =	sst s5  }
0xe: {  	[smem:$0x3FAD] =	sst s6  }
0xf: {  	[smem:$0x3FAE] =	sst s7  }
0x10: {  	[smem:$0x3FAF] =	sst s8  }
0x11: {  	[smem:$0x3FB0] =	sst s9;
	s0 =	simm.s32 @!p0 $0x0  }
0x12: {  	s1 =	sld [smem:$0x3F96];
	s0 =	simm.s32 @p0 $0x1  }
0x13: {  	[smem:$0x3FB1] =	sst s0;
	s0 =	simm.s32 @!p1 $0x0  }
0x14: {  	s2 =	sld [smem:$0x3F95];
	s0 =	simm.s32 @p1 $0x1  }
0x15: {  	[smem:$0x3FB2] =	sst s0;
	s0 =	simm.s32 @!p2 $0x0  }
0x16: {  	s3 =	sld [smem:$0x3FDB];
	s0 =	simm.s32 @p2 $0x1  }
0x17: {  	s4 =	simm.s32 $0x1BF5;
	[smem:$0x3FB4] =	sst s0  }
0x18: {  	s0 =	sld [smem:$0x3F97];
	_ =	swait.ge [sflag:s4], $0x0  }
0x19: {  	s7 =	sld [smem:$0x3F98]  }
0x1a: {  	s8 =	sadd.s32 $0xFFFFE003, lr  }
0x1b: {  	s9 =	sadd.s32 $0xFFFFFEF7, lr;
	s5 =	simm.s32 $0xFFFFFFFF;
	p2 =	slt.u32 s8, $0xFFFFF086  }
0x1c: {  	p1 =	slt.u32 s9, $0xF7A;
	s5 =	simm.s32 @!p2 $0x0  }
0x1d: {  	s5 =	simm.s32 @p1 $0x1;
	p0 =	seq.s32 s7, s2  }
0x1e: {  	s7 =	smul.u32 @!p0 $0xF7A, s2;
	p2 =	seq.s32 @!p0 s5, $0x0  }
0x1f: {  	s9 =	smul.u32 $0xF7A, s1;
	s8 =	simm.s32 @!p0 $0x1BF5;
	p2 =	por !p2, p0  }
0x20: {  	[sflag:s8] =	ssyncset.s32 @!p0 $0xFFFFF086;
	s6 =	sadd.s32 @!p0 s3, s7;
	s7 =	simm.s32 @!p0 $0x108  }
0x21: {  	s3 =	sadd.s32 s3, s9;
	s6 =	sadd.s32 @!p0 $0x88, s6;
	s7 =	simm.s32 @p2 $0x1082  }
0x22: {  	[simem:s7], [sflag:s8] =	dma.local @!p0 [hbm:s6], $0xF7A  }
0x23: {  	s9 =	sor.u32 $0xD0000000, s2;
	s6 =	simm.s32 $0x108;
	_ =	swait.ge @!p0 [sflag:s8], $0x0  }
0x24: {  	s3 =	sadd.s32 $0x88, s3;
	s6 =	simm.s32 @!p1 $0x1082;
	[sflag:s4] =	ssyncset.s32 $0xFFFFF086  }
0x25: {  	[simem:s6], [sflag:s4] =	dma.local [hbm:s3], $0xF7A  }
0x26: {  	[smem:$0x3F98] =	sst s1;
	(tag) =	ssettag s2;
	_ =	strace s9  }
0x27: {  	s1 =	sld [smem:$0x3FA8]  }
0x28: {  	s2 =	sld [smem:$0x3FA9]  }
0x29: {  	s4 =	sld [smem:$0x3FAB]  }
0x2a: {  	p0 =	seq.s32 s5, $0x0;
	s5 =	sld [smem:$0x3FAC]  }
0x2b: {  	s6 =	sld [smem:$0x3FAD]  }
0x2c: {  	s7 =	sld [smem:$0x3FAE]  }
0x2d: {  	s3 =	simm.s32 $0x108;
	s8 =	sld [smem:$0x3FAF]  }
0x2e: {  	s3 =	simm.s32 @!p0 $0x1082;
	s9 =	sld [smem:$0x3FB0]  }
0x2f: {  	lr =	sadd.s32 s0, s3;
	s0 =	sld [smem:$0x3FA7]  }
0x30: {  	s3 =	sld [smem:$0x3FAA]  }
0x31: {  	[smem:$0x3FB3] =	sst s10  }
0x32: {  	s10 =	sld [smem:$0x3FB1];
	_ =	sdelay $0x3  }
0x33: {  	p0 =	seq.s32 s10, $0x1;
	s10 =	sld [smem:$0x3FB3];
	_ =	sdelay $0x3  }
0x34: {  	[smem:$0x3FB3] =	sst s10  }
0x35: {  	s10 =	sld [smem:$0x3FB2];
	_ =	sdelay $0x3  }
0x36: {  	p1 =	seq.s32 s10, $0x1;
	s10 =	sld [smem:$0x3FB3];
	_ =	sdelay $0x3  }
0x37: {  	[smem:$0x3FB3] =	sst s10  }
0x38: {  	s10 =	sld [smem:$0x3FB4]  }
0x39: {  	_ = 	snop;
	(pc) =	sbr.ind lr, $3  }
0x3a: {  	_ = 	snop  }
0x3b: {  	_ = 	snop  }
0x3c: {  	p2 =	seq.s32 s10, $0x1;
	s10 =	sld [smem:$0x3FB3]  }
0x3d: {  	_ =	shalt  }
0x3e: {  	_ =	shalt  }
0x3f: {  	_ =	shalt  }
0x40: {  	_ =	shalt  }
0x41: {  	_ =	shalt  }
0x42: {  	_ =	shalt  }
0x43: {  	_ =	shalt  }
0x44: {  	_ =	shalt  }
0x45: {  	_ =	shalt  }
0x46: {  	_ =	shalt  }
0x47: {  	_ =	shalt  }
0x48: {  	_ =	shalt  }
0x49: {  	_ =	shalt  }
0x4a: {  	_ =	shalt  }
0x4b: {  	_ =	shalt  }
0x4c: {  	_ =	shalt  }
0x4d: {  	_ =	shalt  }
0x4e: {  	_ =	shalt  }
0x4f: {  	_ =	shalt  }
0x50: {  	_ =	shalt  }
0x51: {  	_ =	shalt  }
0x52: {  	_ =	shalt  }
0x53: {  	_ =	shalt  }
0x54: {  	_ =	shalt  }
0x55: {  	_ =	shalt  }
0x56: {  	_ =	shalt  }
0x57: {  	_ =	shalt  }
0x58: {  	_ =	shalt  }
0x59: {  	_ =	shalt  }
0x5a: {  	_ =	shalt  }
0x5b: {  	_ =	shalt  }
0x5c: {  	_ =	shalt  }
0x5d: {  	_ =	shalt  }
0x5e: {  	_ =	shalt  }
0x5f: {  	_ =	shalt  }
0x60: {  	_ =	shalt  }
0x61: {  	_ =	shalt  }
0x62: {  	_ =	shalt  }
0x63: {  	_ =	shalt  }
0x64: {  	_ =	shalt  }
0x65: {  	_ =	shalt  }
0x66: {  	_ =	shalt  }
0x67: {  	_ =	shalt  }
0x68: {  	_ =	shalt  }
0x69: {  	_ =	shalt  }
0x6a: {  	_ =	shalt  }
0x6b: {  	_ =	shalt  }
0x6c: {  	_ =	shalt  }
0x6d: {  	_ =	shalt  }
0x6e: {  	_ =	shalt  }
0x6f: {  	_ =	shalt  }
0x70: {  	_ =	shalt  }
0x71: {  	_ =	shalt  }
0x72: {  	_ =	shalt  }
0x73: {  	_ =	shalt  }
0x74: {  	_ =	shalt  }
0x75: {  	_ =	shalt  }
0x76: {  	_ =	shalt  }
0x77: {  	_ =	shalt  }
0x78: {  	_ =	shalt  }
0x79: {  	_ =	shalt  }
0x7a: {  	_ =	shalt  }
0x7b: {  	_ =	shalt  }
0x7c: {  	_ =	shalt  }
0x7d: {  	_ =	shalt  }
0x7e: {  	_ =	shalt  }
0x7f: {  	_ =	shalt  }
0x80: {  	_ =	shalt  }
0x81: {  	_ =	shalt  }
0x82: {  	_ =	shalt  }
0x83: {  	_ =	shalt  }
0x84: {  	_ =	shalt  }
0x85: {  	_ =	shalt  }
0x86: {  	_ =	shalt  }
0x87: {  	_ =	shalt  }
.Lfunc_end0:
.L_simem_size_0:
called_computation_lowered:
.L_overlay_start_0:
0x88: {  	s2 =	sld [smem:$0x3FD9]  }
0x89: {  	s3 =	sld [smem:$0x3FFE];
	_ =	sdelay $0x1  }
0x8a: {  	s1 =	srdreg.scid  }
0x8b: {  	s0 =	sand.u32 $0x1, s1  }
0x8c: {  	s17 =	sshll.u32 s0, $0xA;
	s2 =	sadd.s32 s3, s2  }
0x8d: {  	s2 =	sadd.s32 s2, s17  }
0x8e: {  	[smem:$0x3FBF] =	sst s2  }
0x8f: {  	_ = 	snop  }
0x90: {  	s2 =	sld [smem:$0x3FD0];
	(tm) =	ssettm $0x1  }
0x91: {  	s18 =	sld [smem:$0x3FFB];
	_ =	sdelay $0x3  }
0x92: {  	_ =	strace s18  }
0x93: {  	s3 =	sld [smem:$0x3FFC];
	_ =	sdelay $0x3  }
0x94: {  	_ =	strace s3  }
0x95: {  	s3 =	sld [smem:$0x3FFD];
	_ =	sdelay $0x3  }
0x96: {  	_ =	strace s3  }
0x97: {  	_ =	strace $0x8FFFFFFF  }
0x98: {  	s19 =	sld [smem:$0x3FDB];
	_ =	sdelay $0x1  }
0x99: {  	s4 =	simm.s32 $_scs_section_size  }
0x9a: {  	s5 =	simm.s32 $_size__tile_overlayer_lowered;
	s6 =	simm.s32 $_tile_overlayer_lowered  }
0x9b: {  	s22 =	simm.s32 $0x1BFF;
	s21 =	sshll.u32 s6, $0x1;
	s3 =	sadd.s32 s4, s19  }
0x9c: {  	s7 =	simm.s32 $0x0;
	s20 =	sshll.u32 s5, $0x1;
	s5 =	sadd.s32 s21, s3  }
0x9d: {  	[timem:s7], [sflag:s22] =	dma.local [hbm:s5], s20  }
0x9e: {  	_ =	swait.ge [sflag:s22], s20  }
0x9f: {  	s4 =	ssub.s32 $0x0, s20;
	[sflag:s22] =	ssyncset.done $0x0  }
0xa0: {  	[sflag:s22] =	ssyncadd.s32 s4;
	_ =	sdelay $0x1  }
0xa1: {  	s23 =	simm.s32 $0x1B8B  }
0xa2: {  	_ =	swait.ge [sflag:s23], $0x1  }
0xa3: {  	[sflag:s23] =	ssyncset.done $0x0  }
0xa4: {  	s25 =	simm.s32 $0x1B8E;
	s24 =	sld [smem:$0x3FFE];
	[sflag:s23] =	ssyncadd.s32 $0xFFFFFFFF  }
0xa5: {  	s26 =	simm.s32 $execute0_lowered;
	[smem:$0x3FD2] =	sst s25  }
0xa6: {  	s5 =	sshll.u32 s26, $0x1;
	_ =	strace $0x80000046;
	[dreg:$0x1] =	wrdreg $0xFFFFFFFF  }
0xa7: {  	s28 =	simm.s32 $_size_execute0_lowered;
	s3 =	sadd.s32 s3, s5;
	[dreg:$0x0] =	wrdreg $0x0  }
0xa8: {  	s5 =	sshll.u32 s28, $0x1;
	[dreg:$0x2] =	wrdreg s3  }
0xa9: {  	[dreg:$0x3] =	wrdreg s5  }
0xaa: {  	[dreg:$0x4] =	wrdreg $0xC0  }
0xab: {  	_ =	task [dreg:s7], $0x5FFFF  }
0xac: {  	[dreg:$0x1] =	wrdreg $0xFFFFFFFF  }
0xad: {  	[dreg:$0x0] =	wrdreg $0x60  }
0xae: {  	[dreg:$0x2] =	wrdreg s24  }
0xaf: {  	[dreg:$0x3] =	wrdreg s2  }
0xb0: {  	[dreg:$0x4] =	wrdreg $0x28000  }
0xb1: {  	[dreg:$0x5] =	wrdreg $0x9  }
0xb2: {  	_ =	task.clear_ibuf [dreg:s7], $0x6FFFF;
	_ =	strace $0x90000046  }
0xb3: {  	s29 =	simm.s32 $0x9;
	_ =	strace $0x80000048  }
0xb4: {  	_ =	swait.ge [sflag:s29], $0x1  }
0xb5: {  	[sflag:s29] =	ssyncadd.s32 $0xFFFFFFFF  }
0xb6: {  	_ =	strace $0x90000048  }
0xb7: {  	_ =	sfence  }
0xb8: {  	s30 =	sld [smem:$0x0];
	_ =	sdelay $0x2  }
0xb9: {  	s31 =	sshll.u32 s1, $0xD;
	s1 =	sshrl.u32 s1, $0x2  }
0xba: {  	s3 =	sand.u32 $0x4000, s31;
	s1 =	sadd.s32 s1, s30  }
0xbb: {  	s0 =	sor.u32 s3, s0;
	s1 =	sshll.u32 s1, $0x11  }
0xbc: {  	s0 =	sor.u32 s1, s0  }
0xbd: {  	s0 =	sadd.s32 $0x8F2B, s0  }
0xbe: {  	[sflag:s0] =	ssyncadd.remote.s32 $0x1  }
0xbf: {  	_ =	sfence.sel $0xFFFF  }
0xc0: {  	[dreg:$0x0] =	wrdreg $0xFFFFFFFF;
	(pc) =	sbr.abs _section_cstart, $3  }
0xc1: {  	[dreg:$0x1] =	wrdreg $0xFFFFFFFF  }
0xc2: {  	_ =	task.clear_ibuf [dreg:s7], $0x2FFFF;
	_ =	strace $0x9FFFFFFF  }
0xc3: {  	(tm) =	ssettm $0x7FFFFFFF  }
tec
execute0_lowered:
.L_overlay_start_1:
0x0: {  	(tag) =	ssettag $0x1  }
0x1: {  	s6 =	rddreg [dreg:$0x0];
	s1 =	srdreg.scid  }
0x2: {  	s0 =	stileid.u32;
	s2 =	rddreg [dreg:$0x1]  }
0x3: {  	s3 =	rddreg [dreg:$0x2];
	s4 =	simm.s32 $0x0;
	s14 =	simm.s32 $0x1  }
0x4: {  	s15 =	simm.s32 $0x80;
	s16 =	simm.s32 $0x100;
	s17 =	simm.s32 $0x180  }
0x5: {  	s18 =	simm.s32 $0x200;
	s19 =	simm.s32 $0x280;
	s20 =	simm.s32 $0x2  }
0x6: {  	s21 =	simm.s32 $0x3;
	s22 =	simm.s32 $0x4;
	s23 =	simm.s32 $0x5  }
0x7: {  	s7 =	sand.u32 $0x1, s1;
	s8 =	smul.u32 $0x278, s0;
	s1 =	rddreg [dreg:$0x3]  }
0x8: {  	s24 =	simm.s32 $0x6;
	[smem:$0x7FF] =	sst s4;
	s11 =	smul.u32 $0x4E, s0  }
0x9: {  	s12 =	sadd.s32 $0xE00, s6;
	p0 =	sgt.u32 s0, $0x1;
	s5 =	smul.u32 $0x2780, s7  }
0xa: {  	s31 =	sshll.u32 s0, $0x6;
	s9 =	smul.u32 $0x4E2, s7;
	s25 =	ssub.s32 $0x2, s7  }
0xb: {  	_ =	strace $0x80000047;
	s28 =	sshrl.u32 s25, $0x1;
	s13 =	sadd.s32 s8, s3  }
0xc: {  	s5 =	sadd.s32 s8, s5;
	s26 =	sadd.s32 s11, s9;
	s9 =	sadd.s32 s9, s0  }
0xd: {  	s11 =	ssub.s32 s25, s28;
	s13 =	sshrl.u32 s13, $0x3;
	s25 =	simm.s32 $0x7  }
0xe: {  	s10 =	sshrl.u32 s5, $0x3;
	s5 =	sadd.s32 $0x14800, s6;
	s7 =	sshll.u32 s26, $0x4  }
0xf: {  	s9 =	sshll.u32 s9, $0x4;
	s26 =	simm.s32 $0x0;
	s10 =	sadd.s32 s10, s6  }
0x10: {  	s29 =	sadd.s32 s12, s7;
	s30 =	sadd.s32 s12, s9;
	s9 =	smax.u32 s11, $0x1  }
0x11: {  	s11 =	simm.s32 $0x8;
	s12 =	sor.u32 $0x1C08, s31;
	s6 =	sadd.s32 $0x9C40, s29  }
0x12: {  	s7 =	sadd.s32 $0xEA40, s30;
	s8 =	sadd.s32 $0x14A00, s10;
	s10 =	simm.s32 $0x2780  }
.LBB2_1:
0x13: {  	[tilespmem:s4], [sflag:$0x1] =	stream.linear.gather [hbm4b:s6+s4], $0x2700, $0x38;
	[tilespmem:$0x2A78] =	vst v63  }
0x14: {  	s28 =	simm.s32 @!p0 $0x0;
	s29 =	simm.s32 @!p0 $0x2700  }
0x15: {  	[tilespmem:s29], [sflag:$0x1] =	stream.linear.gather @!p0 [hbm4b:s7+s28], $0x80, $0x38;
	[tilespmem:$0x2A78] =	vst v63  }
0x16: {  	_ = 	snop  }
0x17: {  	[tilespmem:s10], [sflag:$0x8] =	stream.linear.gather [hbm4b:s2+s4], $0x80, $0x38;
	[tilespmem:$0x2A78] =	vst v63  }
0x18: {  	_ =	swait.ge [sflag:s11], $0x80  }
0x19: {  	[sflag:s11] =	ssyncset.done $0x0  }
0x1a: {  	[sflag:s11] =	ssyncadd.s32 $0xFFFFFF80  }
0x1b: {  	[spmem:s13], [sflag:s12] =	dma.local [hbm:s5], $0x4F  }
0x1c: {  	_ =	swait.ge [sflag:s11], $0x4F  }
0x1d: {  	[sflag:s11] =	ssyncset.done $0x0  }
0x1e: {  	[sflag:s11] =	ssyncadd.s32 $0xFFFFFFB1  }
0x1f: {  	_ =	swait.ge [sflag:s14], $0x2700  }
0x20: {  	[sflag:s14] =	ssyncset.done $0x0  }
0x21: {  	s28 =	simm.s32 @!p0 $0x1;
	[sflag:s14] =	ssyncadd.s32 $0xFFFFD900  }
0x22: {  	_ =	swait.ge @!p0 [sflag:s28], $0x80  }
0x23: {  	[sflag:s28] =	ssyncset.done @!p0 $0x0  }
0x24: {  	[sflag:s28] =	ssyncadd.s32 @!p0 $0xFFFFFF80  }
0x25: {  	[bflag:$0x0] =	sbarrier.arrive $0xFFFF  }
0x26: {  	[spmem:s3] =	stream.indirect.scatter.add.f32 [tilespmem:s10], [sflag:$0x2], $0x1, s4, s15, $0xb8;
	[tilespmem:$0x2A78] =	vst v63  }
0x27: {  	_ = 	snop  }
0x28: {  	[spmem:s3] =	stream.indirect.scatter.add.f32 [tilespmem:s10], [sflag:$0x3], $0x1, s15, s15, $0xb8;
	[tilespmem:$0x2A78] =	vst v63  }
0x29: {  	_ = 	snop  }
0x2a: {  	[spmem:s3] =	stream.indirect.scatter.add.f32 [tilespmem:s10], [sflag:$0x4], $0x1, s16, s15, $0xb8;
	[tilespmem:$0x2A78] =	vst v63  }
0x2b: {  	_ = 	snop  }
0x2c: {  	[spmem:s3] =	stream.indirect.scatter.add.f32 [tilespmem:s10], [sflag:$0x5], $0x1, s17, s15, $0xb8;
	[tilespmem:$0x2A78] =	vst v63  }
0x2d: {  	_ = 	snop  }
0x2e: {  	[spmem:s3] =	stream.indirect.scatter.add.f32 [tilespmem:s10], [sflag:$0x6], $0x1, s18, s15, $0xb8;
	[tilespmem:$0x2A78] =	vst v63  }
0x2f: {  	_ = 	snop  }
0x30: {  	[spmem:s3] =	stream.indirect.scatter.add.f32 [tilespmem:s10], [sflag:$0x7], $0x1, s19, s15, $0xb8;
	[tilespmem:$0x2A78] =	vst v63  }
0x31: {  	_ =	swait.ge [sflag:s20], $0x80  }
0x32: {  	[sflag:s20] =	ssyncset.done $0x0  }
0x33: {  	[sflag:s20] =	ssyncadd.s32 $0xFFFFFF80  }
0x34: {  	_ =	swait.ge [sflag:s21], $0x80  }
0x35: {  	[sflag:s21] =	ssyncset.done $0x0  }
0x36: {  	[sflag:s21] =	ssyncadd.s32 $0xFFFFFF80  }
0x37: {  	_ =	swait.ge [sflag:s22], $0x80  }
0x38: {  	[sflag:s22] =	ssyncset.done $0x0  }
0x39: {  	[sflag:s22] =	ssyncadd.s32 $0xFFFFFF80  }
0x3a: {  	_ =	swait.ge [sflag:s23], $0x80  }
0x3b: {  	[sflag:s23] =	ssyncset.done $0x0  }
0x3c: {  	[sflag:s23] =	ssyncadd.s32 $0xFFFFFF80  }
0x3d: {  	_ =	swait.ge [sflag:s24], $0x80  }
0x3e: {  	[sflag:s24] =	ssyncset.done $0x0  }
0x3f: {  	[sflag:s24] =	ssyncadd.s32 $0xFFFFFF80  }
0x40: {  	_ =	swait.ge [sflag:s25], $0x80  }
0x41: {  	[sflag:s25] =	ssyncset.done $0x0  }
0x42: {  	s28 =	simm.s32 $0x300;
	[sflag:s25] =	ssyncadd.s32 $0xFFFFFF80  }
0x43: {  	[spmem:s3] =	stream.indirect.scatter.add.f32 [tilespmem:s10], [sflag:$0x2], $0x1, s28, s15, $0xb8;
	[tilespmem:$0x2A78] =	vst v63  }
0x44: {  	s28 =	simm.s32 $0x380  }
0x45: {  	[spmem:s3] =	stream.indirect.scatter.add.f32 [tilespmem:s10], [sflag:$0x3], $0x1, s28, s15, $0xb8;
	[tilespmem:$0x2A78] =	vst v63  }
0x46: {  	s28 =	simm.s32 $0x400  }
0x47: {  	[spmem:s3] =	stream.indirect.scatter.add.f32 [tilespmem:s10], [sflag:$0x4], $0x1, s28, s15, $0xb8;
	[tilespmem:$0x2A78] =	vst v63  }
0x48: {  	s28 =	simm.s32 $0x480  }
0x49: {  	[spmem:s3] =	stream.indirect.scatter.add.f32 [tilespmem:s10], [sflag:$0x5], $0x1, s28, s15, $0xb8;
	[tilespmem:$0x2A78] =	vst v63  }
0x4a: {  	s28 =	simm.s32 $0x500  }
0x4b: {  	[spmem:s3] =	stream.indirect.scatter.add.f32 [tilespmem:s10], [sflag:$0x6], $0x1, s28, s15, $0xb8;
	[tilespmem:$0x2A78] =	vst v63  }
0x4c: {  	s29 =	simm.s32 $0x580;
	s28 =	simm.s32 $0xC00  }
.LBB2_2:
0x4d: {  	[spmem:s3] =	stream.indirect.scatter.add.f32 [tilespmem:s10], [sflag:$0x7], $0x1, s29, s15, $0xb8;
	[tilespmem:$0x2A78] =	vst v63  }
0x4e: {  	s29 =	smov.u32 s28  }
0x4f: {  	p1 =	sne.s32 s28, $0x8400;
	s28 =	sadd.s32 $0xC00, s28;
	_ =	swait.ge [sflag:s20], $0x80  }
0x50: {  	[sflag:s20] =	ssyncset.done $0x0  }
0x51: {  	[sflag:s20] =	ssyncadd.s32 $0xFFFFFF80  }
0x52: {  	_ =	swait.ge [sflag:s21], $0x80  }
0x53: {  	[sflag:s21] =	ssyncset.done $0x0  }
0x54: {  	[sflag:s21] =	ssyncadd.s32 $0xFFFFFF80  }
0x55: {  	_ =	swait.ge [sflag:s22], $0x80  }
0x56: {  	[sflag:s22] =	ssyncset.done $0x0  }
0x57: {  	[sflag:s22] =	ssyncadd.s32 $0xFFFFFF80  }
0x58: {  	_ =	swait.ge [sflag:s23], $0x80  }
0x59: {  	[sflag:s23] =	ssyncset.done $0x0  }
0x5a: {  	[sflag:s23] =	ssyncadd.s32 $0xFFFFFF80  }
0x5b: {  	_ =	swait.ge [sflag:s24], $0x80  }
0x5c: {  	[sflag:s24] =	ssyncset.done $0x0  }
0x5d: {  	[sflag:s24] =	ssyncadd.s32 $0xFFFFFF80  }
0x5e: {  	_ =	swait.ge [sflag:s25], $0x80  }
0x5f: {  	s29 =	sshra.s32 s29, $0x2;
	[sflag:s25] =	ssyncset.done $0x0  }
0x60: {  	s30 =	sadd.s32 $0x300, s29;
	[sflag:s25] =	ssyncadd.s32 $0xFFFFFF80  }
0x61: {  	[spmem:s3] =	stream.indirect.scatter.add.f32 [tilespmem:s10], [sflag:$0x2], $0x1, s30, s15, $0xb8;
	[tilespmem:$0x2A78] =	vst v63  }
0x62: {  	s30 =	sadd.s32 $0x380, s29  }
0x63: {  	[spmem:s3] =	stream.indirect.scatter.add.f32 [tilespmem:s10], [sflag:$0x3], $0x1, s30, s15, $0xb8;
	[tilespmem:$0x2A78] =	vst v63  }
0x64: {  	s30 =	sadd.s32 $0x400, s29  }
0x65: {  	[spmem:s3] =	stream.indirect.scatter.add.f32 [tilespmem:s10], [sflag:$0x4], $0x1, s30, s15, $0xb8;
	[tilespmem:$0x2A78] =	vst v63  }
.Ltmp0:
0x66: {  	s30 =	sadd.s32 $0x480, s29;
	(pc) =	sbr.rel @p1 .LBB2_2-.Ltmp0, $4  }
0x67: {  	[spmem:s3] =	stream.indirect.scatter.add.f32 [tilespmem:s10], [sflag:$0x5], $0x1, s30, s15, $0xb8;
	[tilespmem:$0x2A78] =	vst v63  }
0x68: {  	s30 =	sadd.s32 $0x500, s29  }
0x69: {  	[spmem:s3] =	stream.indirect.scatter.add.f32 [tilespmem:s10], [sflag:$0x6], $0x1, s30, s15, $0xb8;
	[tilespmem:$0x2A78] =	vst v63  }
0x6a: {  	s29 =	sadd.s32 $0x580, s29  }
0x6b: {  	[spmem:s3] =	stream.indirect.scatter.add.f32 [tilespmem:s10], [sflag:$0x7], $0x1, s29, s15, $0xb8;
	[tilespmem:$0x2A78] =	vst v63  }
0x6c: {  	_ =	swait.ge [sflag:s20], $0x80  }
0x6d: {  	[sflag:s20] =	ssyncset.done $0x0  }
0x6e: {  	[sflag:s20] =	ssyncadd.s32 $0xFFFFFF80  }
0x6f: {  	_ =	swait.ge [sflag:s21], $0x80  }
0x70: {  	[sflag:s21] =	ssyncset.done $0x0  }
0x71: {  	[sflag:s21] =	ssyncadd.s32 $0xFFFFFF80  }
0x72: {  	_ =	swait.ge [sflag:s22], $0x80  }
0x73: {  	[sflag:s22] =	ssyncset.done $0x0  }
0x74: {  	[sflag:s22] =	ssyncadd.s32 $0xFFFFFF80  }
0x75: {  	_ =	swait.ge [sflag:s23], $0x80  }
0x76: {  	[sflag:s23] =	ssyncset.done $0x0  }
0x77: {  	[sflag:s23] =	ssyncadd.s32 $0xFFFFFF80  }
0x78: {  	_ =	swait.ge [sflag:s24], $0x80  }
0x79: {  	[sflag:s24] =	ssyncset.done $0x0  }
0x7a: {  	[sflag:s24] =	ssyncadd.s32 $0xFFFFFF80  }
0x7b: {  	_ =	swait.ge [sflag:s25], $0x80  }
0x7c: {  	s28 =	simm.s32 @!p0 $0x80;
	[sflag:s25] =	ssyncset.done $0x0  }
0x7d: {  	s29 =	simm.s32 @!p0 $0x2700;
	s30 =	simm.s32 @!p0 $0x2780;
	[sflag:s25] =	ssyncadd.s32 $0xFFFFFF80  }
0x7e: {  	[spmem:s3] =	stream.indirect.scatter.add.f32 @!p0 [tilespmem:s30], [sflag:$0x8], $0x1, s29, s28, $0xb8;
	[tilespmem:$0x2A78] =	vst v63  }
0x7f: {  	s28 =	simm.s32 @!p0 $0x8  }
0x80: {  	_ =	swait.ge @!p0 [sflag:s28], $0x80  }
0x81: {  	s26 =	sadd.s32 $0x1, s26;
	[sflag:s28] =	ssyncset.done @!p0 $0x0  }
0x82: {  	p1 =	sne.s32 s26, s9;
	[sflag:s28] =	ssyncadd.s32 @!p0 $0xFFFFFF80  }
.Ltmp1:
0x83: {  	[bflag:$0x0] =	sbarrier.arrive $0xFFFF;
	(pc) =	sbr.rel @p1 .LBB2_1-.Ltmp1, $4  }
0x84: {  	[hbm:s8], [sflag:s12] =	dma.local [spmem:s13], $0x4F  }
0x85: {  	_ =	swait.ge [sflag:s11], $0x4F  }
0x86: {  	[sflag:s11] =	ssyncset.done $0x0  }
0x87: {  	[sflag:s11] =	ssyncadd.s32 $0xFFFFFFB1  }
0x88: {  	_ =	sfence.sel $0x180000  }
0x89: {  	[bflag:$0x0] =	sbarrier.arrive $0xFFFF  }
0x8a: {  	p0 =	sne.s32 s0, $0x0;
	_ =	strace $0x90000047  }
0x8b: {  	s0 =	sadd.s32 @!p0 $0x100000, s1;
	[bflag:$0x2] =	sbarrier.arrive $0xFFFF  }
0x8c: {  	[sflag:s0] =	ssyncadd.tile.s32 @!p0 $0x1;
	_ =	shalt  }
.Lfunc_end2:
_tile_overlayer_lowered:
.L_overlay_start_2:
0x8d: {  	(tag) =	ssettag $0x2  }
0x8e: {  	s0 =	rddreg [dreg:$0x0];
	s2 =	stileid.u32  }
0x8f: {  	s1 =	rddreg [dreg:$0x1];
	p0 =	sne.s32 s2, $0x0  }
0x90: {  	s3 =	rddreg [dreg:$0x2];
	[bflag:$0x3] =	sbarrier.arrive $0xFFFF;
	s2 =	simm.s32 @!p0 $0x1C08  }
0x91: {  	[timem:s3], [sflag:s2] =	dma.local @!p0 [hbm:s0], s1  }
0x92: {  	s0 =	simm.s32 @!p0 $0x8  }
0x93: {  	_ =	swait.ge @!p0 [sflag:s0], s1  }
0x94: {  	s1 =	ssub.s32 @!p0 $0x0, s1;
	[sflag:s0] =	ssyncset.done @!p0 $0x0  }
0x95: {  	[sflag:s0] =	ssyncadd.s32 @!p0 s1  }
0x96: {  	[bflag:$0x3] =	sbarrier.arrive $0xFFFF  }
0x97: {  	_ =	shalt  }

</sc_bundles>
